<compile_context>
chip_gen: v7x
topology: tpu7x:2x2x1
jax: 0.10.2.dev20260603
libtpu: 0.0.44.dev20260713+nightly
codegen_flags: <defaults>
</compile_context>

<pallas_src>
import functools

import jax
import jax.numpy as jnp
from jax import lax
from jax.experimental import pallas as pl
from jax.experimental.pallas import tpu as pltpu
from jax.experimental.pallas import tpu_sc as plsc

N = 10000
EDG = 320000
D = 128

NC, NS = 2, 16
NW = NC * NS
K = 64
EPT = (EDG + NW - 1) // NW
CH = 8 * ((EPT + 8 * K - 1) // (8 * K))
EPW = CH * K
E_PAD = EPW * NW
NP = N + 112
RPT = NP // NS
NPR = NP // D

f32 = jnp.float32
i32 = jnp.int32
_mesh = plsc.VectorSubcoreMesh(core_axis_name="c", subcore_axis_name="s")


@functools.partial(
    pl.kernel,
    out_type=jax.ShapeDtypeStruct((NW * NP,), i32),
    mesh=_mesh,
    compiler_params=pltpu.CompilerParams(needs_layout_passes=False),
    scratch_types=[
        pltpu.VMEM((CH, K), i32),
        pltpu.VMEM((NP,), i32),
    ],
)
def _deg_kernel(dst_hbm, zeros_hbm, out_hbm, dst_v, hist):
    cid = lax.axis_index("c")
    sid = lax.axis_index("s")
    wid = cid * NS + sid
    pltpu.sync_copy(dst_hbm.at[wid], dst_v)
    pltpu.sync_copy(zeros_hbm, hist)

    def body(c2, carry):
        for jj in range(2):
            for j in range(K // 16):
                dv = dst_v[2 * c2 + jj, pl.ds(j * 16, 16)]
                cnt, last = plsc.scan_count(dv)
                plsc.addupdate_scatter(hist, [dv], cnt, mask=last)
        return carry

    lax.fori_loop(0, CH // 2, body, 0)
    pltpu.sync_copy(hist, out_hbm.at[pl.ds(wid * NP, NP)])


@functools.partial(
    pl.kernel,
    out_type=jax.ShapeDtypeStruct((NC, NP, D), f32),
    mesh=_mesh,
    scratch_types=[
        pltpu.VMEM((CH // 4, K), i32),
        pltpu.VMEM((CH // 4, K), i32),
        pltpu.VMEM((K, D), f32),
        pltpu.VMEM((K, D), f32),
        pltpu.VMEM((K, D), f32),
        pltpu.VMEM((K, D), f32),
        pltpu.VMEM_SHARED((NP, D), f32),
        pltpu.SemaphoreType.DMA,
        pltpu.SemaphoreType.DMA,
        pltpu.SemaphoreType.DMA,
        pltpu.SemaphoreType.DMA,
        pltpu.SemaphoreType.DMA,
    ],
)
def _agg_kernel(g_hbm, src_hbm, dst_hbm, zeros_hbm, out_hbm,
                src_v, dst_v, rows0, rows1, rows2, rows3, acc,
                sem0, sem1, sem2, sem3, semi):
    cid = lax.axis_index("c")
    sid = lax.axis_index("s")
    wid = cid * NS + sid
    r0 = sid * RPT
    CH4 = CH // 4

    @pl.when(cid == 0)
    def _():
        pltpu.async_copy(g_hbm.at[pl.ds(r0, RPT)], acc.at[pl.ds(r0, RPT)], semi)

    @pl.when(cid != 0)
    def _():
        pltpu.async_copy(zeros_hbm.at[pl.ds(r0, RPT)], acc.at[pl.ds(r0, RPT)],
                         semi)

    pltpu.sync_copy(src_hbm.at[wid, pl.ds(0, CH4)], src_v)
    pltpu.sync_copy(dst_hbm.at[wid, pl.ds(0, CH4)], dst_v)
    pltpu.make_async_copy(
        zeros_hbm.at[pl.ds(r0, RPT)], acc.at[pl.ds(r0, RPT)], semi).wait()
    plsc.subcore_barrier()

    rows = (rows0, rows1, rows2, rows3)
    sems = (sem0, sem1, sem2, sem3)
    for q in range(4):
        if q:
            pltpu.sync_copy(src_hbm.at[wid, pl.ds(q * CH4, CH4)], src_v)
            pltpu.sync_copy(dst_hbm.at[wid, pl.ds(q * CH4, CH4)], dst_v)
        for j in range(3):
            pltpu.async_copy(g_hbm.at[src_v.at[j]], rows[j], sems[j])

        def body(i, carry):
            for j in range(4):
                c = 4 * i + j
                nc = c + 3
                jn = (j + 3) % 4

                @pl.when(nc < CH4)
                def _():
                    pltpu.async_copy(g_hbm.at[src_v.at[nc]], rows[jn], sems[jn])

                pltpu.make_async_copy(g_hbm.at[src_v.at[c]], rows[j],
                                      sems[j]).wait()
                pltpu.sync_copy(rows[j], acc.at[dst_v.at[c]], add=True)
            return carry

        lax.fori_loop(0, CH4 // 4, body, 0)
    plsc.subcore_barrier()
    pltpu.sync_copy(acc.at[pl.ds(r0, RPT)], out_hbm.at[cid, pl.ds(r0, RPT)])


def _dinv_body(degp_ref, dinv_ref):
    dv = degp_ref[...]
    deg = jnp.sum(dv, axis=0).astype(f32) + 1.0
    dinv_ref[...] = lax.rsqrt(deg)


_dinv = pl.pallas_call(_dinv_body, out_shape=jax.ShapeDtypeStruct((NPR, D), f32))


def _h_body(x_ref, w_ref, h_ref):
    h_ref[...] = jnp.dot(x_ref[...], w_ref[...], preferred_element_type=f32,
                         precision=lax.Precision.HIGHEST)


_h = pl.pallas_call(_h_body, out_shape=jax.ShapeDtypeStruct((NP, D), f32))


def _g_body(h_ref, dinv_ref, g_ref):
    g_ref[...] = dinv_ref[...] * h_ref[...]


_g = pl.pallas_call(_g_body, out_shape=jax.ShapeDtypeStruct((NP, D), f32))


def _out_body(agg_ref, dinv_ref, b_ref, o_ref):
    av = agg_ref[...]
    s = av[0, :N] + av[1, :N]
    o_ref[...] = jnp.maximum(dinv_ref[0:N] * s + b_ref[...], 0.0)


_out = pl.pallas_call(_out_body, out_shape=jax.ShapeDtypeStruct((N, D), f32))


def kernel(V, E, X, W, b):
    src = E[0].astype(i32)
    dst = E[1].astype(i32)
    pad = N + jnp.arange(E_PAD - EDG, dtype=i32) % (NP - N)
    src_p = jnp.concatenate([src, pad]).reshape(NW, CH, K)
    dst_p = jnp.concatenate([dst, pad]).reshape(NW, CH, K)
    zD = jnp.zeros((NP, D), f32)
    zH = jnp.zeros((NP,), i32)
    Xp = jnp.concatenate([X.astype(f32), jnp.zeros((NP - N, D), f32)], axis=0)
    degp = _deg_kernel(dst_p, zH).reshape(NW, NPR, D)
    h = _h(Xp, W.astype(f32))
    dinv_col = _dinv(degp).reshape(NP, 1)
    g = _g(h, dinv_col)
    agg = _agg_kernel(g, src_p, dst_p, zD)
    return _out(agg, dinv_col, b.astype(f32).reshape(1, D))

# --- scband reference (transcript-rebuilt; emitter-appended) ---
"""Pipeline reference for scband-py-g-gcn-3246995276081 (READ-ONLY COPY).

The authoritative reference and input builder live on the scoring server;
editing this copy changes nothing except your own understanding.
"""

import jax, jax.numpy as jnp
import numpy as np

N_NODES = 10000
N_EDGES = 320000
D_IN = 128
D_OUT = 128

def setup_inputs(seed: int = 0) -> dict:
    key = jax.random.key(seed)
    k1, k2, k3 = jax.random.split(key, 3)
    V = N_NODES  # scalar int, number of nodes (unused inside forward, matches signature)
    E = jax.random.randint(k1, (2, N_EDGES), 0, N_NODES, dtype=jnp.int64 if jax.config.jax_enable_x64 else jnp.int32)
    X = jax.random.normal(k2, (N_NODES, D_IN), dtype=jnp.float32)
    # GCNConv learned parameters (glorot-style init, bias zeros like PyG default init)
    W = jax.random.normal(k3, (D_IN, D_OUT), dtype=jnp.float32) * (1.0 / np.sqrt(D_IN))
    b = jnp.zeros((D_OUT,), dtype=jnp.float32)
    return {"V": V, "E": E, "X": X, "W": W, "b": b}

def _gcn_conv(X, E, W, b):
    N = X.shape[0]
    src = E[0]
    dst = E[1]
    # add self loops (PyG add_self_loops=True)
    loop = jnp.arange(N, dtype=src.dtype)
    src = jnp.concatenate([src, loop], axis=0)
    dst = jnp.concatenate([dst, loop], axis=0)
    ew = jnp.ones(src.shape[0], dtype=X.dtype)
    # symmetric normalization: deg over dst (in-degree with self loops)
    deg = jnp.zeros((N,), dtype=X.dtype).at[dst].add(ew)
    deg_inv_sqrt = jnp.where(deg > 0, jax.lax.rsqrt(jnp.where(deg > 0, deg, 1.0)), 0.0)
    norm = deg_inv_sqrt[src] * ew * deg_inv_sqrt[dst]
    # linear transform then normalized scatter-add aggregation
    h = X @ W
    msg = norm[:, None] * jnp.take(h, src, axis=0)
    out = jnp.zeros((N, h.shape[1]), dtype=X.dtype).at[dst].add(msg)
    return out + b

def reference(V, E, X, W, b):
    # num_layers == 1: relu(GCNConv(X, E))
    return jax.nn.relu(_gcn_conv(X, E, W, b))

if __name__ == "__main__":
    import jax
    _d = setup_inputs()
    print(jax.jit(kernel)(*tuple(_d.values())))

</pallas_src>

<mosaic_0001>
#map = affine_map<(d0, d1) -> (0, 0)>
#map1 = affine_map<(d0, d1) -> (0, 0, 0)>
module attributes {stable_mosaic.version = 14 : i64} {
  func.func @_agg_kernel(%arg0: i32, %arg1: i32, %arg2: memref<10112x128xf32, #tpu.memory_space<hbm>>, %arg3: memref<32x160x64xi32, #tpu.memory_space<hbm>>, %arg4: memref<32x160x64xi32, #tpu.memory_space<hbm>>, %arg5: memref<10112x128xf32, #tpu.memory_space<hbm>>, %arg6: memref<2x10112x128xf32, #tpu.memory_space<hbm>>, %arg7: memref<40x64xi32, #tpu.memory_space<vmem>>, %arg8: memref<40x64xi32, #tpu.memory_space<vmem>>, %arg9: memref<64x128xf32, #tpu.memory_space<vmem>>, %arg10: memref<64x128xf32, #tpu.memory_space<vmem>>, %arg11: memref<64x128xf32, #tpu.memory_space<vmem>>, %arg12: memref<64x128xf32, #tpu.memory_space<vmem>>, %arg13: memref<10112x128xf32, #tpu.memory_space<vmem_shared>>, %arg14: memref<!tpu.dma_semaphore, #tpu.memory_space<semaphore_mem>>, %arg15: memref<!tpu.dma_semaphore, #tpu.memory_space<semaphore_mem>>, %arg16: memref<!tpu.dma_semaphore, #tpu.memory_space<semaphore_mem>>, %arg17: memref<!tpu.dma_semaphore, #tpu.memory_space<semaphore_mem>>, %arg18: memref<!tpu.dma_semaphore, #tpu.memory_space<semaphore_mem>>) attributes {dimension_semantics = [#tpu.dimension_semantics<core_parallel>, #tpu.dimension_semantics<subcore_parallel>], iteration_bounds = array<i64: 2, 16>, scalar_prefetch = 0 : i64, scratch_operands = 12 : i64, tpu.core_type = #tpu.core_type<sc_vector_subcore>, window_params = [{transform_indices = #map}, {transform_indices = #map1}, {transform_indices = #map1}, {transform_indices = #map}, {transform_indices = #map1}]} {
    %mul3A = arith.constant 16 : i32
    %mul3A_0 = arith.muli %arg0, %mul3A : i32
    %add3A = arith.addi %mul3A_0, %arg1 : i32
    %mul3A_1 = arith.constant 632 : i32
    %mul3A_2 = arith.muli %arg1, %mul3A_1 : i32
    %eq3A = arith.constant 0 : i32
    %eq3A_3 = arith.cmpi eq, %arg0, %eq3A : i32
    %convert_element_type3A = arith.extui %eq3A_3 : i1 to i32
    %cond3A = arith.constant 0 : i32
    %cond3A_4 = arith.cmpi ne, %convert_element_type3A, %cond3A : i32
    scf.if %cond3A_4 {
      %dma_start3A_119 = arith.constant 0 : i32
      %dma_start3A_120 = tpu.memref_slice %arg13[%mul3A_2, %dma_start3A_119] : memref<10112x128xf32, #tpu.memory_space<vmem_shared>> -> memref<632x128xf32, #tpu.memory_space<vmem_shared>>
      %dma_start3A_121 = arith.constant 0 : i32
      %dma_start3A_122 = tpu.memref_slice %arg2[%mul3A_2, %dma_start3A_121] : memref<10112x128xf32, #tpu.memory_space<hbm>> -> memref<632x128xf32, #tpu.memory_space<hbm>>
      tpu.enqueue_dma source(%dma_start3A_122 : memref<632x128xf32, #tpu.memory_space<hbm>>) target(%dma_start3A_120 : memref<632x128xf32, #tpu.memory_space<vmem_shared>>) target_semaphore(%arg18 : memref<!tpu.dma_semaphore, #tpu.memory_space<semaphore_mem>>)
    } else {
    }
    %ne3A = arith.constant 0 : i32
    %ne3A_5 = arith.cmpi ne, %arg0, %ne3A : i32
    %convert_element_type3A_6 = arith.extui %ne3A_5 : i1 to i32
    %cond3A_7 = arith.constant 0 : i32
    %cond3A_8 = arith.cmpi ne, %convert_element_type3A_6, %cond3A_7 : i32
    scf.if %cond3A_8 {
      %dma_start3A_119 = arith.constant 0 : i32
      %dma_start3A_120 = tpu.memref_slice %arg13[%mul3A_2, %dma_start3A_119] : memref<10112x128xf32, #tpu.memory_space<vmem_shared>> -> memref<632x128xf32, #tpu.memory_space<vmem_shared>>
      %dma_start3A_121 = arith.constant 0 : i32
      %dma_start3A_122 = tpu.memref_slice %arg5[%mul3A_2, %dma_start3A_121] : memref<10112x128xf32, #tpu.memory_space<hbm>> -> memref<632x128xf32, #tpu.memory_space<hbm>>
      tpu.enqueue_dma source(%dma_start3A_122 : memref<632x128xf32, #tpu.memory_space<hbm>>) target(%dma_start3A_120 : memref<632x128xf32, #tpu.memory_space<vmem_shared>>) target_semaphore(%arg18 : memref<!tpu.dma_semaphore, #tpu.memory_space<semaphore_mem>>)
    } else {
    }
    "tpu.region"() ({
      %run_scoped3A = tpu.sem_alloc : memref<!tpu.dma_semaphore, #tpu.memory_space<semaphore_mem>>
      %dma_start3A_119 = arith.constant 0 : i32
      %dma_start3A_120 = arith.constant 0 : i32
      %dma_start3A_121 = tpu.memref_slice %arg3[%add3A, %dma_start3A_119, %dma_start3A_120] : memref<32x160x64xi32, #tpu.memory_space<hbm>> -> memref<1x40x64xi32, #tpu.memory_space<hbm>>
      %dma_start3A_122 = tpu.memref_squeeze %dma_start3A_121 : memref<1x40x64xi32, #tpu.memory_space<hbm>> -> memref<40x64xi32, #tpu.memory_space<hbm>>
      %dma_start3A_123 = arith.constant 0 : i32
      %dma_start3A_124 = arith.constant 0 : i32
      %dma_start3A_125 = tpu.memref_slice %arg3[%add3A, %dma_start3A_123, %dma_start3A_124] : memref<32x160x64xi32, #tpu.memory_space<hbm>> -> memref<1x40x64xi32, #tpu.memory_space<hbm>>
      %dma_start3A_126 = tpu.memref_squeeze %dma_start3A_125 : memref<1x40x64xi32, #tpu.memory_space<hbm>> -> memref<40x64xi32, #tpu.memory_space<hbm>>
      tpu.enqueue_dma source(%dma_start3A_126 : memref<40x64xi32, #tpu.memory_space<hbm>>) target(%arg7 : memref<40x64xi32, #tpu.memory_space<vmem>>) target_semaphore(%run_scoped3A : memref<!tpu.dma_semaphore, #tpu.memory_space<semaphore_mem>>)
      %dma_wait3A_127 = arith.constant 0 : i32
      %dma_wait3A_128 = arith.constant 0 : i32
      %dma_wait3A_129 = tpu.memref_slice %arg3[%add3A, %dma_wait3A_127, %dma_wait3A_128] : memref<32x160x64xi32, #tpu.memory_space<hbm>> -> memref<1x40x64xi32, #tpu.memory_space<hbm>>
      %dma_wait3A_130 = tpu.memref_squeeze %dma_wait3A_129 : memref<1x40x64xi32, #tpu.memory_space<hbm>> -> memref<40x64xi32, #tpu.memory_space<hbm>>
      %dma_wait3A_131 = arith.constant 0 : i32
      %dma_wait3A_132 = arith.constant 0 : i32
      %dma_wait3A_133 = tpu.memref_slice %arg3[%add3A, %dma_wait3A_131, %dma_wait3A_132] : memref<32x160x64xi32, #tpu.memory_space<hbm>> -> memref<1x40x64xi32, #tpu.memory_space<hbm>>
      %dma_wait3A_134 = tpu.memref_squeeze %dma_wait3A_133 : memref<1x40x64xi32, #tpu.memory_space<hbm>> -> memref<40x64xi32, #tpu.memory_space<hbm>>
      tpu.wait_dma2 semaphore(%run_scoped3A : memref<!tpu.dma_semaphore, #tpu.memory_space<semaphore_mem>>) src(%dma_wait3A_134 : memref<40x64xi32, #tpu.memory_space<hbm>>) dst(%arg7 : memref<40x64xi32, #tpu.memory_space<vmem>>)
      tpu.yield
    }) : () -> ()
    "tpu.region"() ({
      %run_scoped3A = tpu.sem_alloc : memref<!tpu.dma_semaphore, #tpu.memory_space<semaphore_mem>>
      %dma_start3A_119 = arith.constant 0 : i32
      %dma_start3A_120 = arith.constant 0 : i32
      %dma_start3A_121 = tpu.memref_slice %arg4[%add3A, %dma_start3A_119, %dma_start3A_120] : memref<32x160x64xi32, #tpu.memory_space<hbm>> -> memref<1x40x64xi32, #tpu.memory_space<hbm>>
      %dma_start3A_122 = tpu.memref_squeeze %dma_start3A_121 : memref<1x40x64xi32, #tpu.memory_space<hbm>> -> memref<40x64xi32, #tpu.memory_space<hbm>>
      %dma_start3A_123 = arith.constant 0 : i32
      %dma_start3A_124 = arith.constant 0 : i32
      %dma_start3A_125 = tpu.memref_slice %arg4[%add3A, %dma_start3A_123, %dma_start3A_124] : memref<32x160x64xi32, #tpu.memory_space<hbm>> -> memref<1x40x64xi32, #tpu.memory_space<hbm>>
      %dma_start3A_126 = tpu.memref_squeeze %dma_start3A_125 : memref<1x40x64xi32, #tpu.memory_space<hbm>> -> memref<40x64xi32, #tpu.memory_space<hbm>>
      tpu.enqueue_dma source(%dma_start3A_126 : memref<40x64xi32, #tpu.memory_space<hbm>>) target(%arg8 : memref<40x64xi32, #tpu.memory_space<vmem>>) target_semaphore(%run_scoped3A : memref<!tpu.dma_semaphore, #tpu.memory_space<semaphore_mem>>)
      %dma_wait3A_127 = arith.constant 0 : i32
      %dma_wait3A_128 = arith.constant 0 : i32
      %dma_wait3A_129 = tpu.memref_slice %arg4[%add3A, %dma_wait3A_127, %dma_wait3A_128] : memref<32x160x64xi32, #tpu.memory_space<hbm>> -> memref<1x40x64xi32, #tpu.memory_space<hbm>>
      %dma_wait3A_130 = tpu.memref_squeeze %dma_wait3A_129 : memref<1x40x64xi32, #tpu.memory_space<hbm>> -> memref<40x64xi32, #tpu.memory_space<hbm>>
      %dma_wait3A_131 = arith.constant 0 : i32
      %dma_wait3A_132 = arith.constant 0 : i32
      %dma_wait3A_133 = tpu.memref_slice %arg4[%add3A, %dma_wait3A_131, %dma_wait3A_132] : memref<32x160x64xi32, #tpu.memory_space<hbm>> -> memref<1x40x64xi32, #tpu.memory_space<hbm>>
      %dma_wait3A_134 = tpu.memref_squeeze %dma_wait3A_133 : memref<1x40x64xi32, #tpu.memory_space<hbm>> -> memref<40x64xi32, #tpu.memory_space<hbm>>
      tpu.wait_dma2 semaphore(%run_scoped3A : memref<!tpu.dma_semaphore, #tpu.memory_space<semaphore_mem>>) src(%dma_wait3A_134 : memref<40x64xi32, #tpu.memory_space<hbm>>) dst(%arg8 : memref<40x64xi32, #tpu.memory_space<vmem>>)
      tpu.yield
    }) : () -> ()
    %dma_wait3A = arith.constant 0 : i32
    %dma_wait3A_9 = tpu.memref_slice %arg13[%mul3A_2, %dma_wait3A] : memref<10112x128xf32, #tpu.memory_space<vmem_shared>> -> memref<632x128xf32, #tpu.memory_space<vmem_shared>>
    %dma_wait3A_10 = arith.constant 0 : i32
    %dma_wait3A_11 = tpu.memref_slice %arg5[%mul3A_2, %dma_wait3A_10] : memref<10112x128xf32, #tpu.memory_space<hbm>> -> memref<632x128xf32, #tpu.memory_space<hbm>>
    tpu.wait_dma2 semaphore(%arg18 : memref<!tpu.dma_semaphore, #tpu.memory_space<semaphore_mem>>) src(%dma_wait3A_11 : memref<632x128xf32, #tpu.memory_space<hbm>>) dst(%dma_wait3A_9 : memref<632x128xf32, #tpu.memory_space<vmem_shared>>)
    %barrier3A = arith.constant 0 : index
    tpu.barrier barrier_id(%barrier3A)
    %dma_start3A = arith.constant 0 : i32
    %dma_start3A_12 = arith.constant 0 : i32
    %dma_start3A_13 = tpu.memref_slice %arg7[%dma_start3A, %dma_start3A_12] : memref<40x64xi32, #tpu.memory_space<vmem>> -> memref<1x64xi32, #tpu.memory_space<vmem>>
    %dma_start3A_14 = tpu.memref_squeeze %dma_start3A_13 : memref<1x64xi32, #tpu.memory_space<vmem>> -> memref<64xi32, #tpu.memory_space<vmem>>
    %dma_start3A_15 = arith.constant 0 : i32
    %dma_start3A_16 = arith.constant 0 : i32
    %dma_start3A_17 = tpu.memref_slice %arg2[%dma_start3A_15, %dma_start3A_16] : memref<10112x128xf32, #tpu.memory_space<hbm>> -> memref<10112x128xf32, #tpu.memory_space<hbm>>
    tpu.enqueue_indirect_dma source(%dma_start3A_17 : memref<10112x128xf32, #tpu.memory_space<hbm>>) target(%arg9 : memref<64x128xf32, #tpu.memory_space<vmem>>) offsets(%dma_start3A_14 : memref<64xi32, #tpu.memory_space<vmem>>) semaphore(%arg14 : memref<!tpu.dma_semaphore, #tpu.memory_space<semaphore_mem>>)
    %dma_start3A_18 = arith.constant 1 : i32
    %dma_start3A_19 = arith.constant 0 : i32
    %dma_start3A_20 = tpu.memref_slice %arg7[%dma_start3A_18, %dma_start3A_19] : memref<40x64xi32, #tpu.memory_space<vmem>> -> memref<1x64xi32, #tpu.memory_space<vmem>>
    %dma_start3A_21 = tpu.memref_squeeze %dma_start3A_20 : memref<1x64xi32, #tpu.memory_space<vmem>> -> memref<64xi32, #tpu.memory_space<vmem>>
    %dma_start3A_22 = arith.constant 0 : i32
    %dma_start3A_23 = arith.constant 0 : i32
    %dma_start3A_24 = tpu.memref_slice %arg2[%dma_start3A_22, %dma_start3A_23] : memref<10112x128xf32, #tpu.memory_space<hbm>> -> memref<10112x128xf32, #tpu.memory_space<hbm>>
    tpu.enqueue_indirect_dma source(%dma_start3A_24 : memref<10112x128xf32, #tpu.memory_space<hbm>>) target(%arg10 : memref<64x128xf32, #tpu.memory_space<vmem>>) offsets(%dma_start3A_21 : memref<64xi32, #tpu.memory_space<vmem>>) semaphore(%arg15 : memref<!tpu.dma_semaphore, #tpu.memory_space<semaphore_mem>>)
    %dma_start3A_25 = arith.constant 2 : i32
    %dma_start3A_26 = arith.constant 0 : i32
    %dma_start3A_27 = tpu.memref_slice %arg7[%dma_start3A_25, %dma_start3A_26] : memref<40x64xi32, #tpu.memory_space<vmem>> -> memref<1x64xi32, #tpu.memory_space<vmem>>
    %dma_start3A_28 = tpu.memref_squeeze %dma_start3A_27 : memref<1x64xi32, #tpu.memory_space<vmem>> -> memref<64xi32, #tpu.memory_space<vmem>>
    %dma_start3A_29 = arith.constant 0 : i32
    %dma_start3A_30 = arith.constant 0 : i32
    %dma_start3A_31 = tpu.memref_slice %arg2[%dma_start3A_29, %dma_start3A_30] : memref<10112x128xf32, #tpu.memory_space<hbm>> -> memref<10112x128xf32, #tpu.memory_space<hbm>>
    tpu.enqueue_indirect_dma source(%dma_start3A_31 : memref<10112x128xf32, #tpu.memory_space<hbm>>) target(%arg11 : memref<64x128xf32, #tpu.memory_space<vmem>>) offsets(%dma_start3A_28 : memref<64xi32, #tpu.memory_space<vmem>>) semaphore(%arg16 : memref<!tpu.dma_semaphore, #tpu.memory_space<semaphore_mem>>)
    %scan3A = arith.constant 0 : i32
    %scan3A_32 = arith.constant 0 : i32
    %scan3A_33 = arith.constant 10 : i32
    %scan3A_34 = arith.addi %scan3A_32, %scan3A_33 : i32
    %scan3A_35 = arith.constant 1 : i32
    scf.for %scan3A_119 = %scan3A_32 to %scan3A_34 step %scan3A_35  : i32 {
      %mul3A_120 = arith.constant 4 : i32
      %mul3A_121 = arith.muli %mul3A_120, %scan3A_119 : i32
      %add3A_122 = arith.constant 0 : i32
      %add3A_123 = arith.addi %mul3A_121, %add3A_122 : i32
      %add3A_124 = arith.constant 3 : i32
      %add3A_125 = arith.addi %add3A_123, %add3A_124 : i32
      %lt3A = arith.constant 40 : i32
      %lt3A_126 = arith.cmpi slt, %add3A_125, %lt3A : i32
      %convert_element_type3A_127 = arith.extui %lt3A_126 : i1 to i32
      %cond3A_128 = arith.constant 0 : i32
      %cond3A_129 = arith.cmpi ne, %convert_element_type3A_127, %cond3A_128 : i32
      scf.if %cond3A_129 {
        %dma_start3A_187 = arith.constant 0 : i32
        %dma_start3A_188 = tpu.memref_slice %arg7[%add3A_125, %dma_start3A_187] : memref<40x64xi32, #tpu.memory_space<vmem>> -> memref<1x64xi32, #tpu.memory_space<vmem>>
        %dma_start3A_189 = tpu.memref_squeeze %dma_start3A_188 : memref<1x64xi32, #tpu.memory_space<vmem>> -> memref<64xi32, #tpu.memory_space<vmem>>
        %dma_start3A_190 = arith.constant 0 : i32
        %dma_start3A_191 = arith.constant 0 : i32
        %dma_start3A_192 = tpu.memref_slice %arg2[%dma_start3A_190, %dma_start3A_191] : memref<10112x128xf32, #tpu.memory_space<hbm>> -> memref<10112x128xf32, #tpu.memory_space<hbm>>
        tpu.enqueue_indirect_dma source(%dma_start3A_192 : memref<10112x128xf32, #tpu.memory_space<hbm>>) target(%arg12 : memref<64x128xf32, #tpu.memory_space<vmem>>) offsets(%dma_start3A_189 : memref<64xi32, #tpu.memory_space<vmem>>) semaphore(%arg17 : memref<!tpu.dma_semaphore, #tpu.memory_space<semaphore_mem>>)
      } else {
      }
      %dma_wait3A_130 = arith.constant 0 : i32
      %dma_wait3A_131 = tpu.memref_slice %arg7[%add3A_123, %dma_wait3A_130] : memref<40x64xi32, #tpu.memory_space<vmem>> -> memref<1x64xi32, #tpu.memory_space<vmem>>
      %dma_wait3A_132 = tpu.memref_squeeze %dma_wait3A_131 : memref<1x64xi32, #tpu.memory_space<vmem>> -> memref<64xi32, #tpu.memory_space<vmem>>
      %dma_wait3A_133 = arith.constant 0 : i32
      %dma_wait3A_134 = arith.constant 0 : i32
      %dma_wait3A_135 = tpu.memref_slice %arg2[%dma_wait3A_133, %dma_wait3A_134] : memref<10112x128xf32, #tpu.memory_space<hbm>> -> memref<10112x128xf32, #tpu.memory_space<hbm>>
      tpu.wait_indirect_dma semaphore(%arg14 : memref<!tpu.dma_semaphore, #tpu.memory_space<semaphore_mem>>) src(%dma_wait3A_135 : memref<10112x128xf32, #tpu.memory_space<hbm>>) dst(%arg9 : memref<64x128xf32, #tpu.memory_space<vmem>>)
      "tpu.region"() ({
        %run_scoped3A = tpu.sem_alloc : memref<!tpu.dma_semaphore, #tpu.memory_space<semaphore_mem>>
        %dma_start3A_187 = arith.constant 0 : i32
        %dma_start3A_188 = tpu.memref_slice %arg8[%add3A_123, %dma_start3A_187] : memref<40x64xi32, #tpu.memory_space<vmem>> -> memref<1x64xi32, #tpu.memory_space<vmem>>
        %dma_start3A_189 = tpu.memref_squeeze %dma_start3A_188 : memref<1x64xi32, #tpu.memory_space<vmem>> -> memref<64xi32, #tpu.memory_space<vmem>>
        %dma_start3A_190 = arith.constant 0 : i32
        %dma_start3A_191 = arith.constant 0 : i32
        %dma_start3A_192 = tpu.memref_slice %arg13[%dma_start3A_190, %dma_start3A_191] : memref<10112x128xf32, #tpu.memory_space<vmem_shared>> -> memref<10112x128xf32, #tpu.memory_space<vmem_shared>>
        tpu.enqueue_indirect_dma source(%arg9 : memref<64x128xf32, #tpu.memory_space<vmem>>) target(%dma_start3A_192 : memref<10112x128xf32, #tpu.memory_space<vmem_shared>>) offsets(%dma_start3A_189 : memref<64xi32, #tpu.memory_space<vmem>>) semaphore(%run_scoped3A : memref<!tpu.dma_semaphore, #tpu.memory_space<semaphore_mem>>) {add = true}
        %dma_wait3A_193 = arith.constant 0 : i32
        %dma_wait3A_194 = tpu.memref_slice %arg8[%add3A_123, %dma_wait3A_193] : memref<40x64xi32, #tpu.memory_space<vmem>> -> memref<1x64xi32, #tpu.memory_space<vmem>>
        %dma_wait3A_195 = tpu.memref_squeeze %dma_wait3A_194 : memref<1x64xi32, #tpu.memory_space<vmem>> -> memref<64xi32, #tpu.memory_space<vmem>>
        %dma_wait3A_196 = arith.constant 0 : i32
        %dma_wait3A_197 = arith.constant 0 : i32
        %dma_wait3A_198 = tpu.memref_slice %arg13[%dma_wait3A_196, %dma_wait3A_197] : memref<10112x128xf32, #tpu.memory_space<vmem_shared>> -> memref<10112x128xf32, #tpu.memory_space<vmem_shared>>
        tpu.wait_indirect_dma semaphore(%run_scoped3A : memref<!tpu.dma_semaphore, #tpu.memory_space<semaphore_mem>>) src(%arg9 : memref<64x128xf32, #tpu.memory_space<vmem>>) dst(%dma_wait3A_198 : memref<10112x128xf32, #tpu.memory_space<vmem_shared>>)
        tpu.yield
      }) : () -> ()
      %mul3A_136 = arith.constant 4 : i32
      %mul3A_137 = arith.muli %mul3A_136, %scan3A_119 : i32
      %add3A_138 = arith.constant 1 : i32
      %add3A_139 = arith.addi %mul3A_137, %add3A_138 : i32
      %add3A_140 = arith.constant 3 : i32
      %add3A_141 = arith.addi %add3A_139, %add3A_140 : i32
      %lt3A_142 = arith.constant 40 : i32
      %lt3A_143 = arith.cmpi slt, %add3A_141, %lt3A_142 : i32
      %convert_element_type3A_144 = arith.extui %lt3A_143 : i1 to i32
      %cond3A_145 = arith.constant 0 : i32
      %cond3A_146 = arith.cmpi ne, %convert_element_type3A_144, %cond3A_145 : i32
      scf.if %cond3A_146 {
        %dma_start3A_187 = arith.constant 0 : i32
        %dma_start3A_188 = tpu.memref_slice %arg7[%add3A_141, %dma_start3A_187] : memref<40x64xi32, #tpu.memory_space<vmem>> -> memref<1x64xi32, #tpu.memory_space<vmem>>
        %dma_start3A_189 = tpu.memref_squeeze %dma_start3A_188 : memref<1x64xi32, #tpu.memory_space<vmem>> -> memref<64xi32, #tpu.memory_space<vmem>>
        %dma_start3A_190 = arith.constant 0 : i32
        %dma_start3A_191 = arith.constant 0 : i32
        %dma_start3A_192 = tpu.memref_slice %arg2[%dma_start3A_190, %dma_start3A_191] : memref<10112x128xf32, #tpu.memory_space<hbm>> -> memref<10112x128xf32, #tpu.memory_space<hbm>>
        tpu.enqueue_indirect_dma source(%dma_start3A_192 : memref<10112x128xf32, #tpu.memory_space<hbm>>) target(%arg9 : memref<64x128xf32, #tpu.memory_space<vmem>>) offsets(%dma_start3A_189 : memref<64xi32, #tpu.memory_space<vmem>>) semaphore(%arg14 : memref<!tpu.dma_semaphore, #tpu.memory_space<semaphore_mem>>)
      } else {
      }
      %dma_wait3A_147 = arith.constant 0 : i32
      %dma_wait3A_148 = tpu.memref_slice %arg7[%add3A_139, %dma_wait3A_147] : memref<40x64xi32, #tpu.memory_space<vmem>> -> memref<1x64xi32, #tpu.memory_space<vmem>>
      %dma_wait3A_149 = tpu.memref_squeeze %dma_wait3A_148 : memref<1x64xi32, #tpu.memory_space<vmem>> -> memref<64xi32, #tpu.memory_space<vmem>>
      %dma_wait3A_150 = arith.constant 0 : i32
      %dma_wait3A_151 = arith.constant 0 : i32
      %dma_wait3A_152 = tpu.memref_slice %arg2[%dma_wait3A_150, %dma_wait3A_151] : memref<10112x128xf32, #tpu.memory_space<hbm>> -> memref<10112x128xf32, #tpu.memory_space<hbm>>
      tpu.wait_indirect_dma semaphore(%arg15 : memref<!tpu.dma_semaphore, #tpu.memory_space<semaphore_mem>>) src(%dma_wait3A_152 : memref<10112x128xf32, #tpu.memory_space<hbm>>) dst(%arg10 : memref<64x128xf32, #tpu.memory_space<vmem>>)
      "tpu.region"() ({
        %run_scoped3A = tpu.sem_alloc : memref<!tpu.dma_semaphore, #tpu.memory_space<semaphore_mem>>
        %dma_start3A_187 = arith.constant 0 : i32
        %dma_start3A_188 = tpu.memref_slice %arg8[%add3A_139, %dma_start3A_187] : memref<40x64xi32, #tpu.memory_space<vmem>> -> memref<1x64xi32, #tpu.memory_space<vmem>>
        %dma_start3A_189 = tpu.memref_squeeze %dma_start3A_188 : memref<1x64xi32, #tpu.memory_space<vmem>> -> memref<64xi32, #tpu.memory_space<vmem>>
        %dma_start3A_190 = arith.constant 0 : i32
        %dma_start3A_191 = arith.constant 0 : i32
        %dma_start3A_192 = tpu.memref_slice %arg13[%dma_start3A_190, %dma_start3A_191] : memref<10112x128xf32, #tpu.memory_space<vmem_shared>> -> memref<10112x128xf32, #tpu.memory_space<vmem_shared>>
        tpu.enqueue_indirect_dma source(%arg10 : memref<64x128xf32, #tpu.memory_space<vmem>>) target(%dma_start3A_192 : memref<10112x128xf32, #tpu.memory_space<vmem_shared>>) offsets(%dma_start3A_189 : memref<64xi32, #tpu.memory_space<vmem>>) semaphore(%run_scoped3A : memref<!tpu.dma_semaphore, #tpu.memory_space<semaphore_mem>>) {add = true}
        %dma_wait3A_193 = arith.constant 0 : i32
        %dma_wait3A_194 = tpu.memref_slice %arg8[%add3A_139, %dma_wait3A_193] : memref<40x64xi32, #tpu.memory_space<vmem>> -> memref<1x64xi32, #tpu.memory_space<vmem>>
        %dma_wait3A_195 = tpu.memref_squeeze %dma_wait3A_194 : memref<1x64xi32, #tpu.memory_space<vmem>> -> memref<64xi32, #tpu.memory_space<vmem>>
        %dma_wait3A_196 = arith.constant 0 : i32
        %dma_wait3A_197 = arith.constant 0 : i32
        %dma_wait3A_198 = tpu.memref_slice %arg13[%dma_wait3A_196, %dma_wait3A_197] : memref<10112x128xf32, #tpu.memory_space<vmem_shared>> -> memref<10112x128xf32, #tpu.memory_space<vmem_shared>>
        tpu.wait_indirect_dma semaphore(%run_scoped3A : memref<!tpu.dma_semaphore, #tpu.memory_space<semaphore_mem>>) src(%arg10 : memref<64x128xf32, #tpu.memory_space<vmem>>) dst(%dma_wait3A_198 : memref<10112x128xf32, #tpu.memory_space<vmem_shared>>)
        tpu.yield
      }) : () -> ()
      %mul3A_153 = arith.constant 4 : i32
      %mul3A_154 = arith.muli %mul3A_153, %scan3A_119 : i32
      %add3A_155 = arith.constant 2 : i32
      %add3A_156 = arith.addi %mul3A_154, %add3A_155 : i32
      %add3A_157 = arith.constant 3 : i32
      %add3A_158 = arith.addi %add3A_156, %add3A_157 : i32
      %lt3A_159 = arith.constant 40 : i32
      %lt3A_160 = arith.cmpi slt, %add3A_158, %lt3A_159 : i32
      %convert_element_type3A_161 = arith.extui %lt3A_160 : i1 to i32
      %cond3A_162 = arith.constant 0 : i32
      %cond3A_163 = arith.cmpi ne, %convert_element_type3A_161, %cond3A_162 : i32
      scf.if %cond3A_163 {
        %dma_start3A_187 = arith.constant 0 : i32
        %dma_start3A_188 = tpu.memref_slice %arg7[%add3A_158, %dma_start3A_187] : memref<40x64xi32, #tpu.memory_space<vmem>> -> memref<1x64xi32, #tpu.memory_space<vmem>>
        %dma_start3A_189 = tpu.memref_squeeze %dma_start3A_188 : memref<1x64xi32, #tpu.memory_space<vmem>> -> memref<64xi32, #tpu.memory_space<vmem>>
        %dma_start3A_190 = arith.constant 0 : i32
        %dma_start3A_191 = arith.constant 0 : i32
        %dma_start3A_192 = tpu.memref_slice %arg2[%dma_start3A_190, %dma_start3A_191] : memref<10112x128xf32, #tpu.memory_space<hbm>> -> memref<10112x128xf32, #tpu.memory_space<hbm>>
        tpu.enqueue_indirect_dma source(%dma_start3A_192 : memref<10112x128xf32, #tpu.memory_space<hbm>>) target(%arg10 : memref<64x128xf32, #tpu.memory_space<vmem>>) offsets(%dma_start3A_189 : memref<64xi32, #tpu.memory_space<vmem>>) semaphore(%arg15 : memref<!tpu.dma_semaphore, #tpu.memory_space<semaphore_mem>>)
      } else {
      }
      %dma_wait3A_164 = arith.constant 0 : i32
      %dma_wait3A_165 = tpu.memref_slice %arg7[%add3A_156, %dma_wait3A_164] : memref<40x64xi32, #tpu.memory_space<vmem>> -> memref<1x64xi32, #tpu.memory_space<vmem>>
      %dma_wait3A_166 = tpu.memref_squeeze %dma_wait3A_165 : memref<1x64xi32, #tpu.memory_space<vmem>> -> memref<64xi32, #tpu.memory_space<vmem>>
      %dma_wait3A_167 = arith.constant 0 : i32
      %dma_wait3A_168 = arith.constant 0 : i32
      %dma_wait3A_169 = tpu.memref_slice %arg2[%dma_wait3A_167, %dma_wait3A_168] : memref<10112x128xf32, #tpu.memory_space<hbm>> -> memref<10112x128xf32, #tpu.memory_space<hbm>>
      tpu.wait_indirect_dma semaphore(%arg16 : memref<!tpu.dma_semaphore, #tpu.memory_space<semaphore_mem>>) src(%dma_wait3A_169 : memref<10112x128xf32, #tpu.memory_space<hbm>>) dst(%arg11 : memref<64x128xf32, #tpu.memory_space<vmem>>)
      "tpu.region"() ({
        %run_scoped3A = tpu.sem_alloc : memref<!tpu.dma_semaphore, #tpu.memory_space<semaphore_mem>>
        %dma_start3A_187 = arith.constant 0 : i32
        %dma_start3A_188 = tpu.memref_slice %arg8[%add3A_156, %dma_start3A_187] : memref<40x64xi32, #tpu.memory_space<vmem>> -> memref<1x64xi32, #tpu.memory_space<vmem>>
        %dma_start3A_189 = tpu.memref_squeeze %dma_start3A_188 : memref<1x64xi32, #tpu.memory_space<vmem>> -> memref<64xi32, #tpu.memory_space<vmem>>
        %dma_start3A_190 = arith.constant 0 : i32
        %dma_start3A_191 = arith.constant 0 : i32
        %dma_start3A_192 = tpu.memref_slice %arg13[%dma_start3A_190, %dma_start3A_191] : memref<10112x128xf32, #tpu.memory_space<vmem_shared>> -> memref<10112x128xf32, #tpu.memory_space<vmem_shared>>
        tpu.enqueue_indirect_dma source(%arg11 : memref<64x128xf32, #tpu.memory_space<vmem>>) target(%dma_start3A_192 : memref<10112x128xf32, #tpu.memory_space<vmem_shared>>) offsets(%dma_start3A_189 : memref<64xi32, #tpu.memory_space<vmem>>) semaphore(%run_scoped3A : memref<!tpu.dma_semaphore, #tpu.memory_space<semaphore_mem>>) {add = true}
        %dma_wait3A_193 = arith.constant 0 : i32
        %dma_wait3A_194 = tpu.memref_slice %arg8[%add3A_156, %dma_wait3A_193] : memref<40x64xi32, #tpu.memory_space<vmem>> -> memref<1x64xi32, #tpu.memory_space<vmem>>
        %dma_wait3A_195 = tpu.memref_squeeze %dma_wait3A_194 : memref<1x64xi32, #tpu.memory_space<vmem>> -> memref<64xi32, #tpu.memory_space<vmem>>
        %dma_wait3A_196 = arith.constant 0 : i32
        %dma_wait3A_197 = arith.constant 0 : i32
        %dma_wait3A_198 = tpu.memref_slice %arg13[%dma_wait3A_196, %dma_wait3A_197] : memref<10112x128xf32, #tpu.memory_space<vmem_shared>> -> memref<10112x128xf32, #tpu.memory_space<vmem_shared>>
        tpu.wait_indirect_dma semaphore(%run_scoped3A : memref<!tpu.dma_semaphore, #tpu.memory_space<semaphore_mem>>) src(%arg11 : memref<64x128xf32, #tpu.memory_space<vmem>>) dst(%dma_wait3A_198 : memref<10112x128xf32, #tpu.memory_space<vmem_shared>>)
        tpu.yield
      }) : () -> ()
      %mul3A_170 = arith.constant 4 : i32
      %mul3A_171 = arith.muli %mul3A_170, %scan3A_119 : i32
      %add3A_172 = arith.constant 3 : i32
      %add3A_173 = arith.addi %mul3A_171, %add3A_172 : i32
      %add3A_174 = arith.constant 3 : i32
      %add3A_175 = arith.addi %add3A_173, %add3A_174 : i32
      %lt3A_176 = arith.constant 40 : i32
      %lt3A_177 = arith.cmpi slt, %add3A_175, %lt3A_176 : i32
      %convert_element_type3A_178 = arith.extui %lt3A_177 : i1 to i32
      %cond3A_179 = arith.constant 0 : i32
      %cond3A_180 = arith.cmpi ne, %convert_element_type3A_178, %cond3A_179 : i32
      scf.if %cond3A_180 {
        %dma_start3A_187 = arith.constant 0 : i32
        %dma_start3A_188 = tpu.memref_slice %arg7[%add3A_175, %dma_start3A_187] : memref<40x64xi32, #tpu.memory_space<vmem>> -> memref<1x64xi32, #tpu.memory_space<vmem>>
        %dma_start3A_189 = tpu.memref_squeeze %dma_start3A_188 : memref<1x64xi32, #tpu.memory_space<vmem>> -> memref<64xi32, #tpu.memory_space<vmem>>
        %dma_start3A_190 = arith.constant 0 : i32
        %dma_start3A_191 = arith.constant 0 : i32
        %dma_start3A_192 = tpu.memref_slice %arg2[%dma_start3A_190, %dma_start3A_191] : memref<10112x128xf32, #tpu.memory_space<hbm>> -> memref<10112x128xf32, #tpu.memory_space<hbm>>
        tpu.enqueue_indirect_dma source(%dma_start3A_192 : memref<10112x128xf32, #tpu.memory_space<hbm>>) target(%arg11 : memref<64x128xf32, #tpu.memory_space<vmem>>) offsets(%dma_start3A_189 : memref<64xi32, #tpu.memory_space<vmem>>) semaphore(%arg16 : memref<!tpu.dma_semaphore, #tpu.memory_space<semaphore_mem>>)
      } else {
      }
      %dma_wait3A_181 = arith.constant 0 : i32
      %dma_wait3A_182 = tpu.memref_slice %arg7[%add3A_173, %dma_wait3A_181] : memref<40x64xi32, #tpu.memory_space<vmem>> -> memref<1x64xi32, #tpu.memory_space<vmem>>
      %dma_wait3A_183 = tpu.memref_squeeze %dma_wait3A_182 : memref<1x64xi32, #tpu.memory_space<vmem>> -> memref<64xi32, #tpu.memory_space<vmem>>
      %dma_wait3A_184 = arith.constant 0 : i32
      %dma_wait3A_185 = arith.constant 0 : i32
      %dma_wait3A_186 = tpu.memref_slice %arg2[%dma_wait3A_184, %dma_wait3A_185] : memref<10112x128xf32, #tpu.memory_space<hbm>> -> memref<10112x128xf32, #tpu.memory_space<hbm>>
      tpu.wait_indirect_dma semaphore(%arg17 : memref<!tpu.dma_semaphore, #tpu.memory_space<semaphore_mem>>) src(%dma_wait3A_186 : memref<10112x128xf32, #tpu.memory_space<hbm>>) dst(%arg12 : memref<64x128xf32, #tpu.memory_space<vmem>>)
      "tpu.region"() ({
        %run_scoped3A = tpu.sem_alloc : memref<!tpu.dma_semaphore, #tpu.memory_space<semaphore_mem>>
        %dma_start3A_187 = arith.constant 0 : i32
        %dma_start3A_188 = tpu.memref_slice %arg8[%add3A_173, %dma_start3A_187] : memref<40x64xi32, #tpu.memory_space<vmem>> -> memref<1x64xi32, #tpu.memory_space<vmem>>
        %dma_start3A_189 = tpu.memref_squeeze %dma_start3A_188 : memref<1x64xi32, #tpu.memory_space<vmem>> -> memref<64xi32, #tpu.memory_space<vmem>>
        %dma_start3A_190 = arith.constant 0 : i32
        %dma_start3A_191 = arith.constant 0 : i32
        %dma_start3A_192 = tpu.memref_slice %arg13[%dma_start3A_190, %dma_start3A_191] : memref<10112x128xf32, #tpu.memory_space<vmem_shared>> -> memref<10112x128xf32, #tpu.memory_space<vmem_shared>>
        tpu.enqueue_indirect_dma source(%arg12 : memref<64x128xf32, #tpu.memory_space<vmem>>) target(%dma_start3A_192 : memref<10112x128xf32, #tpu.memory_space<vmem_shared>>) offsets(%dma_start3A_189 : memref<64xi32, #tpu.memory_space<vmem>>) semaphore(%run_scoped3A : memref<!tpu.dma_semaphore, #tpu.memory_space<semaphore_mem>>) {add = true}
        %dma_wait3A_193 = arith.constant 0 : i32
        %dma_wait3A_194 = tpu.memref_slice %arg8[%add3A_173, %dma_wait3A_193] : memref<40x64xi32, #tpu.memory_space<vmem>> -> memref<1x64xi32, #tpu.memory_space<vmem>>
        %dma_wait3A_195 = tpu.memref_squeeze %dma_wait3A_194 : memref<1x64xi32, #tpu.memory_space<vmem>> -> memref<64xi32, #tpu.memory_space<vmem>>
        %dma_wait3A_196 = arith.constant 0 : i32
        %dma_wait3A_197 = arith.constant 0 : i32
        %dma_wait3A_198 = tpu.memref_slice %arg13[%dma_wait3A_196, %dma_wait3A_197] : memref<10112x128xf32, #tpu.memory_space<vmem_shared>> -> memref<10112x128xf32, #tpu.memory_space<vmem_shared>>
        tpu.wait_indirect_dma semaphore(%run_scoped3A : memref<!tpu.dma_semaphore, #tpu.memory_space<semaphore_mem>>) src(%arg12 : memref<64x128xf32, #tpu.memory_space<vmem>>) dst(%dma_wait3A_198 : memref<10112x128xf32, #tpu.memory_space<vmem_shared>>)
        tpu.yield
      }) : () -> ()
    }
    %scan3A_36 = arith.constant 10 : i32
    "tpu.region"() ({
      %run_scoped3A = tpu.sem_alloc : memref<!tpu.dma_semaphore, #tpu.memory_space<semaphore_mem>>
      %dma_start3A_119 = arith.constant 40 : i32
      %dma_start3A_120 = arith.constant 0 : i32
      %dma_start3A_121 = tpu.memref_slice %arg3[%add3A, %dma_start3A_119, %dma_start3A_120] : memref<32x160x64xi32, #tpu.memory_space<hbm>> -> memref<1x40x64xi32, #tpu.memory_space<hbm>>
      %dma_start3A_122 = tpu.memref_squeeze %dma_start3A_121 : memref<1x40x64xi32, #tpu.memory_space<hbm>> -> memref<40x64xi32, #tpu.memory_space<hbm>>
      %dma_start3A_123 = arith.constant 40 : i32
      %dma_start3A_124 = arith.constant 0 : i32
      %dma_start3A_125 = tpu.memref_slice %arg3[%add3A, %dma_start3A_123, %dma_start3A_124] : memref<32x160x64xi32, #tpu.memory_space<hbm>> -> memref<1x40x64xi32, #tpu.memory_space<hbm>>
      %dma_start3A_126 = tpu.memref_squeeze %dma_start3A_125 : memref<1x40x64xi32, #tpu.memory_space<hbm>> -> memref<40x64xi32, #tpu.memory_space<hbm>>
      tpu.enqueue_dma source(%dma_start3A_126 : memref<40x64xi32, #tpu.memory_space<hbm>>) target(%arg7 : memref<40x64xi32, #tpu.memory_space<vmem>>) target_semaphore(%run_scoped3A : memref<!tpu.dma_semaphore, #tpu.memory_space<semaphore_mem>>)
      %dma_wait3A_127 = arith.constant 40 : i32
      %dma_wait3A_128 = arith.constant 0 : i32
      %dma_wait3A_129 = tpu.memref_slice %arg3[%add3A, %dma_wait3A_127, %dma_wait3A_128] : memref<32x160x64xi32, #tpu.memory_space<hbm>> -> memref<1x40x64xi32, #tpu.memory_space<hbm>>
      %dma_wait3A_130 = tpu.memref_squeeze %dma_wait3A_129 : memref<1x40x64xi32, #tpu.memory_space<hbm>> -> memref<40x64xi32, #tpu.memory_space<hbm>>
      %dma_wait3A_131 = arith.constant 40 : i32
      %dma_wait3A_132 = arith.constant 0 : i32
      %dma_wait3A_133 = tpu.memref_slice %arg3[%add3A, %dma_wait3A_131, %dma_wait3A_132] : memref<32x160x64xi32, #tpu.memory_space<hbm>> -> memref<1x40x64xi32, #tpu.memory_space<hbm>>
      %dma_wait3A_134 = tpu.memref_squeeze %dma_wait3A_133 : memref<1x40x64xi32, #tpu.memory_space<hbm>> -> memref<40x64xi32, #tpu.memory_space<hbm>>
      tpu.wait_dma2 semaphore(%run_scoped3A : memref<!tpu.dma_semaphore, #tpu.memory_space<semaphore_mem>>) src(%dma_wait3A_134 : memref<40x64xi32, #tpu.memory_space<hbm>>) dst(%arg7 : memref<40x64xi32, #tpu.memory_space<vmem>>)
      tpu.yield
    }) : () -> ()
    "tpu.region"() ({
      %run_scoped3A = tpu.sem_alloc : memref<!tpu.dma_semaphore, #tpu.memory_space<semaphore_mem>>
      %dma_start3A_119 = arith.constant 40 : i32
      %dma_start3A_120 = arith.constant 0 : i32
      %dma_start3A_121 = tpu.memref_slice %arg4[%add3A, %dma_start3A_119, %dma_start3A_120] : memref<32x160x64xi32, #tpu.memory_space<hbm>> -> memref<1x40x64xi32, #tpu.memory_space<hbm>>
      %dma_start3A_122 = tpu.memref_squeeze %dma_start3A_121 : memref<1x40x64xi32, #tpu.memory_space<hbm>> -> memref<40x64xi32, #tpu.memory_space<hbm>>
      %dma_start3A_123 = arith.constant 40 : i32
      %dma_start3A_124 = arith.constant 0 : i32
      %dma_start3A_125 = tpu.memref_slice %arg4[%add3A, %dma_start3A_123, %dma_start3A_124] : memref<32x160x64xi32, #tpu.memory_space<hbm>> -> memref<1x40x64xi32, #tpu.memory_space<hbm>>
      %dma_start3A_126 = tpu.memref_squeeze %dma_start3A_125 : memref<1x40x64xi32, #tpu.memory_space<hbm>> -> memref<40x64xi32, #tpu.memory_space<hbm>>
      tpu.enqueue_dma source(%dma_start3A_126 : memref<40x64xi32, #tpu.memory_space<hbm>>) target(%arg8 : memref<40x64xi32, #tpu.memory_space<vmem>>) target_semaphore(%run_scoped3A : memref<!tpu.dma_semaphore, #tpu.memory_space<semaphore_mem>>)
      %dma_wait3A_127 = arith.constant 40 : i32
      %dma_wait3A_128 = arith.constant 0 : i32
      %dma_wait3A_129 = tpu.memref_slice %arg4[%add3A, %dma_wait3A_127, %dma_wait3A_128] : memref<32x160x64xi32, #tpu.memory_space<hbm>> -> memref<1x40x64xi32, #tpu.memory_space<hbm>>
      %dma_wait3A_130 = tpu.memref_squeeze %dma_wait3A_129 : memref<1x40x64xi32, #tpu.memory_space<hbm>> -> memref<40x64xi32, #tpu.memory_space<hbm>>
      %dma_wait3A_131 = arith.constant 40 : i32
      %dma_wait3A_132 = arith.constant 0 : i32
      %dma_wait3A_133 = tpu.memref_slice %arg4[%add3A, %dma_wait3A_131, %dma_wait3A_132] : memref<32x160x64xi32, #tpu.memory_space<hbm>> -> memref<1x40x64xi32, #tpu.memory_space<hbm>>
      %dma_wait3A_134 = tpu.memref_squeeze %dma_wait3A_133 : memref<1x40x64xi32, #tpu.memory_space<hbm>> -> memref<40x64xi32, #tpu.memory_space<hbm>>
      tpu.wait_dma2 semaphore(%run_scoped3A : memref<!tpu.dma_semaphore, #tpu.memory_space<semaphore_mem>>) src(%dma_wait3A_134 : memref<40x64xi32, #tpu.memory_space<hbm>>) dst(%arg8 : memref<40x64xi32, #tpu.memory_space<vmem>>)
      tpu.yield
    }) : () -> ()
    %dma_start3A_37 = arith.constant 0 : i32
    %dma_start3A_38 = arith.constant 0 : i32
    %dma_start3A_39 = tpu.memref_slice %arg7[%dma_start3A_37, %dma_start3A_38] : memref<40x64xi32, #tpu.memory_space<vmem>> -> memref<1x64xi32, #tpu.memory_space<vmem>>
    %dma_start3A_40 = tpu.memref_squeeze %dma_start3A_39 : memref<1x64xi32, #tpu.memory_space<vmem>> -> memref<64xi32, #tpu.memory_space<vmem>>
    %dma_start3A_41 = arith.constant 0 : i32
    %dma_start3A_42 = arith.constant 0 : i32
    %dma_start3A_43 = tpu.memref_slice %arg2[%dma_start3A_41, %dma_start3A_42] : memref<10112x128xf32, #tpu.memory_space<hbm>> -> memref<10112x128xf32, #tpu.memory_space<hbm>>
    tpu.enqueue_indirect_dma source(%dma_start3A_43 : memref<10112x128xf32, #tpu.memory_space<hbm>>) target(%arg9 : memref<64x128xf32, #tpu.memory_space<vmem>>) offsets(%dma_start3A_40 : memref<64xi32, #tpu.memory_space<vmem>>) semaphore(%arg14 : memref<!tpu.dma_semaphore, #tpu.memory_space<semaphore_mem>>)
    %dma_start3A_44 = arith.constant 1 : i32
    %dma_start3A_45 = arith.constant 0 : i32
    %dma_start3A_46 = tpu.memref_slice %arg7[%dma_start3A_44, %dma_start3A_45] : memref<40x64xi32, #tpu.memory_space<vmem>> -> memref<1x64xi32, #tpu.memory_space<vmem>>
    %dma_start3A_47 = tpu.memref_squeeze %dma_start3A_46 : memref<1x64xi32, #tpu.memory_space<vmem>> -> memref<64xi32, #tpu.memory_space<vmem>>
    %dma_start3A_48 = arith.constant 0 : i32
    %dma_start3A_49 = arith.constant 0 : i32
    %dma_start3A_50 = tpu.memref_slice %arg2[%dma_start3A_48, %dma_start3A_49] : memref<10112x128xf32, #tpu.memory_space<hbm>> -> memref<10112x128xf32, #tpu.memory_space<hbm>>
    tpu.enqueue_indirect_dma source(%dma_start3A_50 : memref<10112x128xf32, #tpu.memory_space<hbm>>) target(%arg10 : memref<64x128xf32, #tpu.memory_space<vmem>>) offsets(%dma_start3A_47 : memref<64xi32, #tpu.memory_space<vmem>>) semaphore(%arg15 : memref<!tpu.dma_semaphore, #tpu.memory_space<semaphore_mem>>)
    %dma_start3A_51 = arith.constant 2 : i32
    %dma_start3A_52 = arith.constant 0 : i32
    %dma_start3A_53 = tpu.memref_slice %arg7[%dma_start3A_51, %dma_start3A_52] : memref<40x64xi32, #tpu.memory_space<vmem>> -> memref<1x64xi32, #tpu.memory_space<vmem>>
    %dma_start3A_54 = tpu.memref_squeeze %dma_start3A_53 : memref<1x64xi32, #tpu.memory_space<vmem>> -> memref<64xi32, #tpu.memory_space<vmem>>
    %dma_start3A_55 = arith.constant 0 : i32
    %dma_start3A_56 = arith.constant 0 : i32
    %dma_start3A_57 = tpu.memref_slice %arg2[%dma_start3A_55, %dma_start3A_56] : memref<10112x128xf32, #tpu.memory_space<hbm>> -> memref<10112x128xf32, #tpu.memory_space<hbm>>
    tpu.enqueue_indirect_dma source(%dma_start3A_57 : memref<10112x128xf32, #tpu.memory_space<hbm>>) target(%arg11 : memref<64x128xf32, #tpu.memory_space<vmem>>) offsets(%dma_start3A_54 : memref<64xi32, #tpu.memory_space<vmem>>) semaphore(%arg16 : memref<!tpu.dma_semaphore, #tpu.memory_space<semaphore_mem>>)
    %scan3A_58 = arith.constant 0 : i32
    %scan3A_59 = arith.constant 0 : i32
    %scan3A_60 = arith.constant 10 : i32
    %scan3A_61 = arith.addi %scan3A_59, %scan3A_60 : i32
    %scan3A_62 = arith.constant 1 : i32
    scf.for %scan3A_119 = %scan3A_59 to %scan3A_61 step %scan3A_62  : i32 {
      %mul3A_120 = arith.constant 4 : i32
      %mul3A_121 = arith.muli %mul3A_120, %scan3A_119 : i32
      %add3A_122 = arith.constant 0 : i32
      %add3A_123 = arith.addi %mul3A_121, %add3A_122 : i32
      %add3A_124 = arith.constant 3 : i32
      %add3A_125 = arith.addi %add3A_123, %add3A_124 : i32
      %lt3A = arith.constant 40 : i32
      %lt3A_126 = arith.cmpi slt, %add3A_125, %lt3A : i32
      %convert_element_type3A_127 = arith.extui %lt3A_126 : i1 to i32
      %cond3A_128 = arith.constant 0 : i32
      %cond3A_129 = arith.cmpi ne, %convert_element_type3A_127, %cond3A_128 : i32
      scf.if %cond3A_129 {
        %dma_start3A_187 = arith.constant 0 : i32
        %dma_start3A_188 = tpu.memref_slice %arg7[%add3A_125, %dma_start3A_187] : memref<40x64xi32, #tpu.memory_space<vmem>> -> memref<1x64xi32, #tpu.memory_space<vmem>>
        %dma_start3A_189 = tpu.memref_squeeze %dma_start3A_188 : memref<1x64xi32, #tpu.memory_space<vmem>> -> memref<64xi32, #tpu.memory_space<vmem>>
        %dma_start3A_190 = arith.constant 0 : i32
        %dma_start3A_191 = arith.constant 0 : i32
        %dma_start3A_192 = tpu.memref_slice %arg2[%dma_start3A_190, %dma_start3A_191] : memref<10112x128xf32, #tpu.memory_space<hbm>> -> memref<10112x128xf32, #tpu.memory_space<hbm>>
        tpu.enqueue_indirect_dma source(%dma_start3A_192 : memref<10112x128xf32, #tpu.memory_space<hbm>>) target(%arg12 : memref<64x128xf32, #tpu.memory_space<vmem>>) offsets(%dma_start3A_189 : memref<64xi32, #tpu.memory_space<vmem>>) semaphore(%arg17 : memref<!tpu.dma_semaphore, #tpu.memory_space<semaphore_mem>>)
      } else {
      }
      %dma_wait3A_130 = arith.constant 0 : i32
      %dma_wait3A_131 = tpu.memref_slice %arg7[%add3A_123, %dma_wait3A_130] : memref<40x64xi32, #tpu.memory_space<vmem>> -> memref<1x64xi32, #tpu.memory_space<vmem>>
      %dma_wait3A_132 = tpu.memref_squeeze %dma_wait3A_131 : memref<1x64xi32, #tpu.memory_space<vmem>> -> memref<64xi32, #tpu.memory_space<vmem>>
      %dma_wait3A_133 = arith.constant 0 : i32
      %dma_wait3A_134 = arith.constant 0 : i32
      %dma_wait3A_135 = tpu.memref_slice %arg2[%dma_wait3A_133, %dma_wait3A_134] : memref<10112x128xf32, #tpu.memory_space<hbm>> -> memref<10112x128xf32, #tpu.memory_space<hbm>>
      tpu.wait_indirect_dma semaphore(%arg14 : memref<!tpu.dma_semaphore, #tpu.memory_space<semaphore_mem>>) src(%dma_wait3A_135 : memref<10112x128xf32, #tpu.memory_space<hbm>>) dst(%arg9 : memref<64x128xf32, #tpu.memory_space<vmem>>)
      "tpu.region"() ({
        %run_scoped3A = tpu.sem_alloc : memref<!tpu.dma_semaphore, #tpu.memory_space<semaphore_mem>>
        %dma_start3A_187 = arith.constant 0 : i32
        %dma_start3A_188 = tpu.memref_slice %arg8[%add3A_123, %dma_start3A_187] : memref<40x64xi32, #tpu.memory_space<vmem>> -> memref<1x64xi32, #tpu.memory_space<vmem>>
        %dma_start3A_189 = tpu.memref_squeeze %dma_start3A_188 : memref<1x64xi32, #tpu.memory_space<vmem>> -> memref<64xi32, #tpu.memory_space<vmem>>
        %dma_start3A_190 = arith.constant 0 : i32
        %dma_start3A_191 = arith.constant 0 : i32
        %dma_start3A_192 = tpu.memref_slice %arg13[%dma_start3A_190, %dma_start3A_191] : memref<10112x128xf32, #tpu.memory_space<vmem_shared>> -> memref<10112x128xf32, #tpu.memory_space<vmem_shared>>
        tpu.enqueue_indirect_dma source(%arg9 : memref<64x128xf32, #tpu.memory_space<vmem>>) target(%dma_start3A_192 : memref<10112x128xf32, #tpu.memory_space<vmem_shared>>) offsets(%dma_start3A_189 : memref<64xi32, #tpu.memory_space<vmem>>) semaphore(%run_scoped3A : memref<!tpu.dma_semaphore, #tpu.memory_space<semaphore_mem>>) {add = true}
        %dma_wait3A_193 = arith.constant 0 : i32
        %dma_wait3A_194 = tpu.memref_slice %arg8[%add3A_123, %dma_wait3A_193] : memref<40x64xi32, #tpu.memory_space<vmem>> -> memref<1x64xi32, #tpu.memory_space<vmem>>
        %dma_wait3A_195 = tpu.memref_squeeze %dma_wait3A_194 : memref<1x64xi32, #tpu.memory_space<vmem>> -> memref<64xi32, #tpu.memory_space<vmem>>
        %dma_wait3A_196 = arith.constant 0 : i32
        %dma_wait3A_197 = arith.constant 0 : i32
        %dma_wait3A_198 = tpu.memref_slice %arg13[%dma_wait3A_196, %dma_wait3A_197] : memref<10112x128xf32, #tpu.memory_space<vmem_shared>> -> memref<10112x128xf32, #tpu.memory_space<vmem_shared>>
        tpu.wait_indirect_dma semaphore(%run_scoped3A : memref<!tpu.dma_semaphore, #tpu.memory_space<semaphore_mem>>) src(%arg9 : memref<64x128xf32, #tpu.memory_space<vmem>>) dst(%dma_wait3A_198 : memref<10112x128xf32, #tpu.memory_space<vmem_shared>>)
        tpu.yield
      }) : () -> ()
      %mul3A_136 = arith.constant 4 : i32
      %mul3A_137 = arith.muli %mul3A_136, %scan3A_119 : i32
      %add3A_138 = arith.constant 1 : i32
      %add3A_139 = arith.addi %mul3A_137, %add3A_138 : i32
      %add3A_140 = arith.constant 3 : i32
      %add3A_141 = arith.addi %add3A_139, %add3A_140 : i32
      %lt3A_142 = arith.constant 40 : i32
      %lt3A_143 = arith.cmpi slt, %add3A_141, %lt3A_142 : i32
      %convert_element_type3A_144 = arith.extui %lt3A_143 : i1 to i32
      %cond3A_145 = arith.constant 0 : i32
      %cond3A_146 = arith.cmpi ne, %convert_element_type3A_144, %cond3A_145 : i32
      scf.if %cond3A_146 {
        %dma_start3A_187 = arith.constant 0 : i32
        %dma_start3A_188 = tpu.memref_slice %arg7[%add3A_141, %dma_start3A_187] : memref<40x64xi32, #tpu.memory_space<vmem>> -> memref<1x64xi32, #tpu.memory_space<vmem>>
        %dma_start3A_189 = tpu.memref_squeeze %dma_start3A_188 : memref<1x64xi32, #tpu.memory_space<vmem>> -> memref<64xi32, #tpu.memory_space<vmem>>
        %dma_start3A_190 = arith.constant 0 : i32
        %dma_start3A_191 = arith.constant 0 : i32
        %dma_start3A_192 = tpu.memref_slice %arg2[%dma_start3A_190, %dma_start3A_191] : memref<10112x128xf32, #tpu.memory_space<hbm>> -> memref<10112x128xf32, #tpu.memory_space<hbm>>
        tpu.enqueue_indirect_dma source(%dma_start3A_192 : memref<10112x128xf32, #tpu.memory_space<hbm>>) target(%arg9 : memref<64x128xf32, #tpu.memory_space<vmem>>) offsets(%dma_start3A_189 : memref<64xi32, #tpu.memory_space<vmem>>) semaphore(%arg14 : memref<!tpu.dma_semaphore, #tpu.memory_space<semaphore_mem>>)
      } else {
      }
      %dma_wait3A_147 = arith.constant 0 : i32
      %dma_wait3A_148 = tpu.memref_slice %arg7[%add3A_139, %dma_wait3A_147] : memref<40x64xi32, #tpu.memory_space<vmem>> -> memref<1x64xi32, #tpu.memory_space<vmem>>
      %dma_wait3A_149 = tpu.memref_squeeze %dma_wait3A_148 : memref<1x64xi32, #tpu.memory_space<vmem>> -> memref<64xi32, #tpu.memory_space<vmem>>
      %dma_wait3A_150 = arith.constant 0 : i32
      %dma_wait3A_151 = arith.constant 0 : i32
      %dma_wait3A_152 = tpu.memref_slice %arg2[%dma_wait3A_150, %dma_wait3A_151] : memref<10112x128xf32, #tpu.memory_space<hbm>> -> memref<10112x128xf32, #tpu.memory_space<hbm>>
      tpu.wait_indirect_dma semaphore(%arg15 : memref<!tpu.dma_semaphore, #tpu.memory_space<semaphore_mem>>) src(%dma_wait3A_152 : memref<10112x128xf32, #tpu.memory_space<hbm>>) dst(%arg10 : memref<64x128xf32, #tpu.memory_space<vmem>>)
      "tpu.region"() ({
        %run_scoped3A = tpu.sem_alloc : memref<!tpu.dma_semaphore, #tpu.memory_space<semaphore_mem>>
        %dma_start3A_187 = arith.constant 0 : i32
        %dma_start3A_188 = tpu.memref_slice %arg8[%add3A_139, %dma_start3A_187] : memref<40x64xi32, #tpu.memory_space<vmem>> -> memref<1x64xi32, #tpu.memory_space<vmem>>
        %dma_start3A_189 = tpu.memref_squeeze %dma_start3A_188 : memref<1x64xi32, #tpu.memory_space<vmem>> -> memref<64xi32, #tpu.memory_space<vmem>>
        %dma_start3A_190 = arith.constant 0 : i32
        %dma_start3A_191 = arith.constant 0 : i32
        %dma_start3A_192 = tpu.memref_slice %arg13[%dma_start3A_190, %dma_start3A_191] : memref<10112x128xf32, #tpu.memory_space<vmem_shared>> -> memref<10112x128xf32, #tpu.memory_space<vmem_shared>>
        tpu.enqueue_indirect_dma source(%arg10 : memref<64x128xf32, #tpu.memory_space<vmem>>) target(%dma_start3A_192 : memref<10112x128xf32, #tpu.memory_space<vmem_shared>>) offsets(%dma_start3A_189 : memref<64xi32, #tpu.memory_space<vmem>>) semaphore(%run_scoped3A : memref<!tpu.dma_semaphore, #tpu.memory_space<semaphore_mem>>) {add = true}
        %dma_wait3A_193 = arith.constant 0 : i32
        %dma_wait3A_194 = tpu.memref_slice %arg8[%add3A_139, %dma_wait3A_193] : memref<40x64xi32, #tpu.memory_space<vmem>> -> memref<1x64xi32, #tpu.memory_space<vmem>>
        %dma_wait3A_195 = tpu.memref_squeeze %dma_wait3A_194 : memref<1x64xi32, #tpu.memory_space<vmem>> -> memref<64xi32, #tpu.memory_space<vmem>>
        %dma_wait3A_196 = arith.constant 0 : i32
        %dma_wait3A_197 = arith.constant 0 : i32
        %dma_wait3A_198 = tpu.memref_slice %arg13[%dma_wait3A_196, %dma_wait3A_197] : memref<10112x128xf32, #tpu.memory_space<vmem_shared>> -> memref<10112x128xf32, #tpu.memory_space<vmem_shared>>
        tpu.wait_indirect_dma semaphore(%run_scoped3A : memref<!tpu.dma_semaphore, #tpu.memory_space<semaphore_mem>>) src(%arg10 : memref<64x128xf32, #tpu.memory_space<vmem>>) dst(%dma_wait3A_198 : memref<10112x128xf32, #tpu.memory_space<vmem_shared>>)
        tpu.yield
      }) : () -> ()
      %mul3A_153 = arith.constant 4 : i32
      %mul3A_154 = arith.muli %mul3A_153, %scan3A_119 : i32
      %add3A_155 = arith.constant 2 : i32
      %add3A_156 = arith.addi %mul3A_154, %add3A_155 : i32
      %add3A_157 = arith.constant 3 : i32
      %add3A_158 = arith.addi %add3A_156, %add3A_157 : i32
      %lt3A_159 = arith.constant 40 : i32
      %lt3A_160 = arith.cmpi slt, %add3A_158, %lt3A_159 : i32
      %convert_element_type3A_161 = arith.extui %lt3A_160 : i1 to i32
      %cond3A_162 = arith.constant 0 : i32
      %cond3A_163 = arith.cmpi ne, %convert_element_type3A_161, %cond3A_162 : i32
      scf.if %cond3A_163 {
        %dma_start3A_187 = arith.constant 0 : i32
        %dma_start3A_188 = tpu.memref_slice %arg7[%add3A_158, %dma_start3A_187] : memref<40x64xi32, #tpu.memory_space<vmem>> -> memref<1x64xi32, #tpu.memory_space<vmem>>
        %dma_start3A_189 = tpu.memref_squeeze %dma_start3A_188 : memref<1x64xi32, #tpu.memory_space<vmem>> -> memref<64xi32, #tpu.memory_space<vmem>>
        %dma_start3A_190 = arith.constant 0 : i32
        %dma_start3A_191 = arith.constant 0 : i32
        %dma_start3A_192 = tpu.memref_slice %arg2[%dma_start3A_190, %dma_start3A_191] : memref<10112x128xf32, #tpu.memory_space<hbm>> -> memref<10112x128xf32, #tpu.memory_space<hbm>>
        tpu.enqueue_indirect_dma source(%dma_start3A_192 : memref<10112x128xf32, #tpu.memory_space<hbm>>) target(%arg10 : memref<64x128xf32, #tpu.memory_space<vmem>>) offsets(%dma_start3A_189 : memref<64xi32, #tpu.memory_space<vmem>>) semaphore(%arg15 : memref<!tpu.dma_semaphore, #tpu.memory_space<semaphore_mem>>)
      } else {
      }
      %dma_wait3A_164 = arith.constant 0 : i32
      %dma_wait3A_165 = tpu.memref_slice %arg7[%add3A_156, %dma_wait3A_164] : memref<40x64xi32, #tpu.memory_space<vmem>> -> memref<1x64xi32, #tpu.memory_space<vmem>>
      %dma_wait3A_166 = tpu.memref_squeeze %dma_wait3A_165 : memref<1x64xi32, #tpu.memory_space<vmem>> -> memref<64xi32, #tpu.memory_space<vmem>>
      %dma_wait3A_167 = arith.constant 0 : i32
      %dma_wait3A_168 = arith.constant 0 : i32
      %dma_wait3A_169 = tpu.memref_slice %arg2[%dma_wait3A_167, %dma_wait3A_168] : memref<10112x128xf32, #tpu.memory_space<hbm>> -> memref<10112x128xf32, #tpu.memory_space<hbm>>
      tpu.wait_indirect_dma semaphore(%arg16 : memref<!tpu.dma_semaphore, #tpu.memory_space<semaphore_mem>>) src(%dma_wait3A_169 : memref<10112x128xf32, #tpu.memory_space<hbm>>) dst(%arg11 : memref<64x128xf32, #tpu.memory_space<vmem>>)
      "tpu.region"() ({
        %run_scoped3A = tpu.sem_alloc : memref<!tpu.dma_semaphore, #tpu.memory_space<semaphore_mem>>
        %dma_start3A_187 = arith.constant 0 : i32
        %dma_start3A_188 = tpu.memref_slice %arg8[%add3A_156, %dma_start3A_187] : memref<40x64xi32, #tpu.memory_space<vmem>> -> memref<1x64xi32, #tpu.memory_space<vmem>>
        %dma_start3A_189 = tpu.memref_squeeze %dma_start3A_188 : memref<1x64xi32, #tpu.memory_space<vmem>> -> memref<64xi32, #tpu.memory_space<vmem>>
        %dma_start3A_190 = arith.constant 0 : i32
        %dma_start3A_191 = arith.constant 0 : i32
        %dma_start3A_192 = tpu.memref_slice %arg13[%dma_start3A_190, %dma_start3A_191] : memref<10112x128xf32, #tpu.memory_space<vmem_shared>> -> memref<10112x128xf32, #tpu.memory_space<vmem_shared>>
        tpu.enqueue_indirect_dma source(%arg11 : memref<64x128xf32, #tpu.memory_space<vmem>>) target(%dma_start3A_192 : memref<10112x128xf32, #tpu.memory_space<vmem_shared>>) offsets(%dma_start3A_189 : memref<64xi32, #tpu.memory_space<vmem>>) semaphore(%run_scoped3A : memref<!tpu.dma_semaphore, #tpu.memory_space<semaphore_mem>>) {add = true}
        %dma_wait3A_193 = arith.constant 0 : i32
        %dma_wait3A_194 = tpu.memref_slice %arg8[%add3A_156, %dma_wait3A_193] : memref<40x64xi32, #tpu.memory_space<vmem>> -> memref<1x64xi32, #tpu.memory_space<vmem>>
        %dma_wait3A_195 = tpu.memref_squeeze %dma_wait3A_194 : memref<1x64xi32, #tpu.memory_space<vmem>> -> memref<64xi32, #tpu.memory_space<vmem>>
        %dma_wait3A_196 = arith.constant 0 : i32
        %dma_wait3A_197 = arith.constant 0 : i32
        %dma_wait3A_198 = tpu.memref_slice %arg13[%dma_wait3A_196, %dma_wait3A_197] : memref<10112x128xf32, #tpu.memory_space<vmem_shared>> -> memref<10112x128xf32, #tpu.memory_space<vmem_shared>>
        tpu.wait_indirect_dma semaphore(%run_scoped3A : memref<!tpu.dma_semaphore, #tpu.memory_space<semaphore_mem>>) src(%arg11 : memref<64x128xf32, #tpu.memory_space<vmem>>) dst(%dma_wait3A_198 : memref<10112x128xf32, #tpu.memory_space<vmem_shared>>)
        tpu.yield
      }) : () -> ()
      %mul3A_170 = arith.constant 4 : i32
      %mul3A_171 = arith.muli %mul3A_170, %scan3A_119 : i32
      %add3A_172 = arith.constant 3 : i32
      %add3A_173 = arith.addi %mul3A_171, %add3A_172 : i32
      %add3A_174 = arith.constant 3 : i32
      %add3A_175 = arith.addi %add3A_173, %add3A_174 : i32
      %lt3A_176 = arith.constant 40 : i32
      %lt3A_177 = arith.cmpi slt, %add3A_175, %lt3A_176 : i32
      %convert_element_type3A_178 = arith.extui %lt3A_177 : i1 to i32
      %cond3A_179 = arith.constant 0 : i32
      %cond3A_180 = arith.cmpi ne, %convert_element_type3A_178, %cond3A_179 : i32
      scf.if %cond3A_180 {
        %dma_start3A_187 = arith.constant 0 : i32
        %dma_start3A_188 = tpu.memref_slice %arg7[%add3A_175, %dma_start3A_187] : memref<40x64xi32, #tpu.memory_space<vmem>> -> memref<1x64xi32, #tpu.memory_space<vmem>>
        %dma_start3A_189 = tpu.memref_squeeze %dma_start3A_188 : memref<1x64xi32, #tpu.memory_space<vmem>> -> memref<64xi32, #tpu.memory_space<vmem>>
        %dma_start3A_190 = arith.constant 0 : i32
        %dma_start3A_191 = arith.constant 0 : i32
        %dma_start3A_192 = tpu.memref_slice %arg2[%dma_start3A_190, %dma_start3A_191] : memref<10112x128xf32, #tpu.memory_space<hbm>> -> memref<10112x128xf32, #tpu.memory_space<hbm>>
        tpu.enqueue_indirect_dma source(%dma_start3A_192 : memref<10112x128xf32, #tpu.memory_space<hbm>>) target(%arg11 : memref<64x128xf32, #tpu.memory_space<vmem>>) offsets(%dma_start3A_189 : memref<64xi32, #tpu.memory_space<vmem>>) semaphore(%arg16 : memref<!tpu.dma_semaphore, #tpu.memory_space<semaphore_mem>>)
      } else {
      }
      %dma_wait3A_181 = arith.constant 0 : i32
      %dma_wait3A_182 = tpu.memref_slice %arg7[%add3A_173, %dma_wait3A_181] : memref<40x64xi32, #tpu.memory_space<vmem>> -> memref<1x64xi32, #tpu.memory_space<vmem>>
      %dma_wait3A_183 = tpu.memref_squeeze %dma_wait3A_182 : memref<1x64xi32, #tpu.memory_space<vmem>> -> memref<64xi32, #tpu.memory_space<vmem>>
      %dma_wait3A_184 = arith.constant 0 : i32
      %dma_wait3A_185 = arith.constant 0 : i32
      %dma_wait3A_186 = tpu.memref_slice %arg2[%dma_wait3A_184, %dma_wait3A_185] : memref<10112x128xf32, #tpu.memory_space<hbm>> -> memref<10112x128xf32, #tpu.memory_space<hbm>>
      tpu.wait_indirect_dma semaphore(%arg17 : memref<!tpu.dma_semaphore, #tpu.memory_space<semaphore_mem>>) src(%dma_wait3A_186 : memref<10112x128xf32, #tpu.memory_space<hbm>>) dst(%arg12 : memref<64x128xf32, #tpu.memory_space<vmem>>)
      "tpu.region"() ({
        %run_scoped3A = tpu.sem_alloc : memref<!tpu.dma_semaphore, #tpu.memory_space<semaphore_mem>>
        %dma_start3A_187 = arith.constant 0 : i32
        %dma_start3A_188 = tpu.memref_slice %arg8[%add3A_173, %dma_start3A_187] : memref<40x64xi32, #tpu.memory_space<vmem>> -> memref<1x64xi32, #tpu.memory_space<vmem>>
        %dma_start3A_189 = tpu.memref_squeeze %dma_start3A_188 : memref<1x64xi32, #tpu.memory_space<vmem>> -> memref<64xi32, #tpu.memory_space<vmem>>
        %dma_start3A_190 = arith.constant 0 : i32
        %dma_start3A_191 = arith.constant 0 : i32
        %dma_start3A_192 = tpu.memref_slice %arg13[%dma_start3A_190, %dma_start3A_191] : memref<10112x128xf32, #tpu.memory_space<vmem_shared>> -> memref<10112x128xf32, #tpu.memory_space<vmem_shared>>
        tpu.enqueue_indirect_dma source(%arg12 : memref<64x128xf32, #tpu.memory_space<vmem>>) target(%dma_start3A_192 : memref<10112x128xf32, #tpu.memory_space<vmem_shared>>) offsets(%dma_start3A_189 : memref<64xi32, #tpu.memory_space<vmem>>) semaphore(%run_scoped3A : memref<!tpu.dma_semaphore, #tpu.memory_space<semaphore_mem>>) {add = true}
        %dma_wait3A_193 = arith.constant 0 : i32
        %dma_wait3A_194 = tpu.memref_slice %arg8[%add3A_173, %dma_wait3A_193] : memref<40x64xi32, #tpu.memory_space<vmem>> -> memref<1x64xi32, #tpu.memory_space<vmem>>
        %dma_wait3A_195 = tpu.memref_squeeze %dma_wait3A_194 : memref<1x64xi32, #tpu.memory_space<vmem>> -> memref<64xi32, #tpu.memory_space<vmem>>
        %dma_wait3A_196 = arith.constant 0 : i32
        %dma_wait3A_197 = arith.constant 0 : i32
        %dma_wait3A_198 = tpu.memref_slice %arg13[%dma_wait3A_196, %dma_wait3A_197] : memref<10112x128xf32, #tpu.memory_space<vmem_shared>> -> memref<10112x128xf32, #tpu.memory_space<vmem_shared>>
        tpu.wait_indirect_dma semaphore(%run_scoped3A : memref<!tpu.dma_semaphore, #tpu.memory_space<semaphore_mem>>) src(%arg12 : memref<64x128xf32, #tpu.memory_space<vmem>>) dst(%dma_wait3A_198 : memref<10112x128xf32, #tpu.memory_space<vmem_shared>>)
        tpu.yield
      }) : () -> ()
    }
    %scan3A_63 = arith.constant 10 : i32
    "tpu.region"() ({
      %run_scoped3A = tpu.sem_alloc : memref<!tpu.dma_semaphore, #tpu.memory_space<semaphore_mem>>
      %dma_start3A_119 = arith.constant 80 : i32
      %dma_start3A_120 = arith.constant 0 : i32
      %dma_start3A_121 = tpu.memref_slice %arg3[%add3A, %dma_start3A_119, %dma_start3A_120] : memref<32x160x64xi32, #tpu.memory_space<hbm>> -> memref<1x40x64xi32, #tpu.memory_space<hbm>>
      %dma_start3A_122 = tpu.memref_squeeze %dma_start3A_121 : memref<1x40x64xi32, #tpu.memory_space<hbm>> -> memref<40x64xi32, #tpu.memory_space<hbm>>
      %dma_start3A_123 = arith.constant 80 : i32
      %dma_start3A_124 = arith.constant 0 : i32
      %dma_start3A_125 = tpu.memref_slice %arg3[%add3A, %dma_start3A_123, %dma_start3A_124] : memref<32x160x64xi32, #tpu.memory_space<hbm>> -> memref<1x40x64xi32, #tpu.memory_space<hbm>>
      %dma_start3A_126 = tpu.memref_squeeze %dma_start3A_125 : memref<1x40x64xi32, #tpu.memory_space<hbm>> -> memref<40x64xi32, #tpu.memory_space<hbm>>
      tpu.enqueue_dma source(%dma_start3A_126 : memref<40x64xi32, #tpu.memory_space<hbm>>) target(%arg7 : memref<40x64xi32, #tpu.memory_space<vmem>>) target_semaphore(%run_scoped3A : memref<!tpu.dma_semaphore, #tpu.memory_space<semaphore_mem>>)
      %dma_wait3A_127 = arith.constant 80 : i32
      %dma_wait3A_128 = arith.constant 0 : i32
      %dma_wait3A_129 = tpu.memref_slice %arg3[%add3A, %dma_wait3A_127, %dma_wait3A_128] : memref<32x160x64xi32, #tpu.memory_space<hbm>> -> memref<1x40x64xi32, #tpu.memory_space<hbm>>
      %dma_wait3A_130 = tpu.memref_squeeze %dma_wait3A_129 : memref<1x40x64xi32, #tpu.memory_space<hbm>> -> memref<40x64xi32, #tpu.memory_space<hbm>>
      %dma_wait3A_131 = arith.constant 80 : i32
      %dma_wait3A_132 = arith.constant 0 : i32
      %dma_wait3A_133 = tpu.memref_slice %arg3[%add3A, %dma_wait3A_131, %dma_wait3A_132] : memref<32x160x64xi32, #tpu.memory_space<hbm>> -> memref<1x40x64xi32, #tpu.memory_space<hbm>>
      %dma_wait3A_134 = tpu.memref_squeeze %dma_wait3A_133 : memref<1x40x64xi32, #tpu.memory_space<hbm>> -> memref<40x64xi32, #tpu.memory_space<hbm>>
      tpu.wait_dma2 semaphore(%run_scoped3A : memref<!tpu.dma_semaphore, #tpu.memory_space<semaphore_mem>>) src(%dma_wait3A_134 : memref<40x64xi32, #tpu.memory_space<hbm>>) dst(%arg7 : memref<40x64xi32, #tpu.memory_space<vmem>>)
      tpu.yield
    }) : () -> ()
    "tpu.region"() ({
      %run_scoped3A = tpu.sem_alloc : memref<!tpu.dma_semaphore, #tpu.memory_space<semaphore_mem>>
      %dma_start3A_119 = arith.constant 80 : i32
      %dma_start3A_120 = arith.constant 0 : i32
      %dma_start3A_121 = tpu.memref_slice %arg4[%add3A, %dma_start3A_119, %dma_start3A_120] : memref<32x160x64xi32, #tpu.memory_space<hbm>> -> memref<1x40x64xi32, #tpu.memory_space<hbm>>
      %dma_start3A_122 = tpu.memref_squeeze %dma_start3A_121 : memref<1x40x64xi32, #tpu.memory_space<hbm>> -> memref<40x64xi32, #tpu.memory_space<hbm>>
      %dma_start3A_123 = arith.constant 80 : i32
      %dma_start3A_124 = arith.constant 0 : i32
      %dma_start3A_125 = tpu.memref_slice %arg4[%add3A, %dma_start3A_123, %dma_start3A_124] : memref<32x160x64xi32, #tpu.memory_space<hbm>> -> memref<1x40x64xi32, #tpu.memory_space<hbm>>
      %dma_start3A_126 = tpu.memref_squeeze %dma_start3A_125 : memref<1x40x64xi32, #tpu.memory_space<hbm>> -> memref<40x64xi32, #tpu.memory_space<hbm>>
      tpu.enqueue_dma source(%dma_start3A_126 : memref<40x64xi32, #tpu.memory_space<hbm>>) target(%arg8 : memref<40x64xi32, #tpu.memory_space<vmem>>) target_semaphore(%run_scoped3A : memref<!tpu.dma_semaphore, #tpu.memory_space<semaphore_mem>>)
      %dma_wait3A_127 = arith.constant 80 : i32
      %dma_wait3A_128 = arith.constant 0 : i32
      %dma_wait3A_129 = tpu.memref_slice %arg4[%add3A, %dma_wait3A_127, %dma_wait3A_128] : memref<32x160x64xi32, #tpu.memory_space<hbm>> -> memref<1x40x64xi32, #tpu.memory_space<hbm>>
      %dma_wait3A_130 = tpu.memref_squeeze %dma_wait3A_129 : memref<1x40x64xi32, #tpu.memory_space<hbm>> -> memref<40x64xi32, #tpu.memory_space<hbm>>
      %dma_wait3A_131 = arith.constant 80 : i32
      %dma_wait3A_132 = arith.constant 0 : i32
      %dma_wait3A_133 = tpu.memref_slice %arg4[%add3A, %dma_wait3A_131, %dma_wait3A_132] : memref<32x160x64xi32, #tpu.memory_space<hbm>> -> memref<1x40x64xi32, #tpu.memory_space<hbm>>
      %dma_wait3A_134 = tpu.memref_squeeze %dma_wait3A_133 : memref<1x40x64xi32, #tpu.memory_space<hbm>> -> memref<40x64xi32, #tpu.memory_space<hbm>>
      tpu.wait_dma2 semaphore(%run_scoped3A : memref<!tpu.dma_semaphore, #tpu.memory_space<semaphore_mem>>) src(%dma_wait3A_134 : memref<40x64xi32, #tpu.memory_space<hbm>>) dst(%arg8 : memref<40x64xi32, #tpu.memory_space<vmem>>)
      tpu.yield
    }) : () -> ()
    %dma_start3A_64 = arith.constant 0 : i32
    %dma_start3A_65 = arith.constant 0 : i32
    %dma_start3A_66 = tpu.memref_slice %arg7[%dma_start3A_64, %dma_start3A_65] : memref<40x64xi32, #tpu.memory_space<vmem>> -> memref<1x64xi32, #tpu.memory_space<vmem>>
    %dma_start3A_67 = tpu.memref_squeeze %dma_start3A_66 : memref<1x64xi32, #tpu.memory_space<vmem>> -> memref<64xi32, #tpu.memory_space<vmem>>
    %dma_start3A_68 = arith.constant 0 : i32
    %dma_start3A_69 = arith.constant 0 : i32
    %dma_start3A_70 = tpu.memref_slice %arg2[%dma_start3A_68, %dma_start3A_69] : memref<10112x128xf32, #tpu.memory_space<hbm>> -> memref<10112x128xf32, #tpu.memory_space<hbm>>
    tpu.enqueue_indirect_dma source(%dma_start3A_70 : memref<10112x128xf32, #tpu.memory_space<hbm>>) target(%arg9 : memref<64x128xf32, #tpu.memory_space<vmem>>) offsets(%dma_start3A_67 : memref<64xi32, #tpu.memory_space<vmem>>) semaphore(%arg14 : memref<!tpu.dma_semaphore, #tpu.memory_space<semaphore_mem>>)
    %dma_start3A_71 = arith.constant 1 : i32
    %dma_start3A_72 = arith.constant 0 : i32
    %dma_start3A_73 = tpu.memref_slice %arg7[%dma_start3A_71, %dma_start3A_72] : memref<40x64xi32, #tpu.memory_space<vmem>> -> memref<1x64xi32, #tpu.memory_space<vmem>>
    %dma_start3A_74 = tpu.memref_squeeze %dma_start3A_73 : memref<1x64xi32, #tpu.memory_space<vmem>> -> memref<64xi32, #tpu.memory_space<vmem>>
    %dma_start3A_75 = arith.constant 0 : i32
    %dma_start3A_76 = arith.constant 0 : i32
    %dma_start3A_77 = tpu.memref_slice %arg2[%dma_start3A_75, %dma_start3A_76] : memref<10112x128xf32, #tpu.memory_space<hbm>> -> memref<10112x128xf32, #tpu.memory_space<hbm>>
    tpu.enqueue_indirect_dma source(%dma_start3A_77 : memref<10112x128xf32, #tpu.memory_space<hbm>>) target(%arg10 : memref<64x128xf32, #tpu.memory_space<vmem>>) offsets(%dma_start3A_74 : memref<64xi32, #tpu.memory_space<vmem>>) semaphore(%arg15 : memref<!tpu.dma_semaphore, #tpu.memory_space<semaphore_mem>>)
    %dma_start3A_78 = arith.constant 2 : i32
    %dma_start3A_79 = arith.constant 0 : i32
    %dma_start3A_80 = tpu.memref_slice %arg7[%dma_start3A_78, %dma_start3A_79] : memref<40x64xi32, #tpu.memory_space<vmem>> -> memref<1x64xi32, #tpu.memory_space<vmem>>
    %dma_start3A_81 = tpu.memref_squeeze %dma_start3A_80 : memref<1x64xi32, #tpu.memory_space<vmem>> -> memref<64xi32, #tpu.memory_space<vmem>>
    %dma_start3A_82 = arith.constant 0 : i32
    %dma_start3A_83 = arith.constant 0 : i32
    %dma_start3A_84 = tpu.memref_slice %arg2[%dma_start3A_82, %dma_start3A_83] : memref<10112x128xf32, #tpu.memory_space<hbm>> -> memref<10112x128xf32, #tpu.memory_space<hbm>>
    tpu.enqueue_indirect_dma source(%dma_start3A_84 : memref<10112x128xf32, #tpu.memory_space<hbm>>) target(%arg11 : memref<64x128xf32, #tpu.memory_space<vmem>>) offsets(%dma_start3A_81 : memref<64xi32, #tpu.memory_space<vmem>>) semaphore(%arg16 : memref<!tpu.dma_semaphore, #tpu.memory_space<semaphore_mem>>)
    %scan3A_85 = arith.constant 0 : i32
    %scan3A_86 = arith.constant 0 : i32
    %scan3A_87 = arith.constant 10 : i32
    %scan3A_88 = arith.addi %scan3A_86, %scan3A_87 : i32
    %scan3A_89 = arith.constant 1 : i32
    scf.for %scan3A_119 = %scan3A_86 to %scan3A_88 step %scan3A_89  : i32 {
      %mul3A_120 = arith.constant 4 : i32
      %mul3A_121 = arith.muli %mul3A_120, %scan3A_119 : i32
      %add3A_122 = arith.constant 0 : i32
      %add3A_123 = arith.addi %mul3A_121, %add3A_122 : i32
      %add3A_124 = arith.constant 3 : i32
      %add3A_125 = arith.addi %add3A_123, %add3A_124 : i32
      %lt3A = arith.constant 40 : i32
      %lt3A_126 = arith.cmpi slt, %add3A_125, %lt3A : i32
      %convert_element_type3A_127 = arith.extui %lt3A_126 : i1 to i32
      %cond3A_128 = arith.constant 0 : i32
      %cond3A_129 = arith.cmpi ne, %convert_element_type3A_127, %cond3A_128 : i32
      scf.if %cond3A_129 {
        %dma_start3A_187 = arith.constant 0 : i32
        %dma_start3A_188 = tpu.memref_slice %arg7[%add3A_125, %dma_start3A_187] : memref<40x64xi32, #tpu.memory_space<vmem>> -> memref<1x64xi32, #tpu.memory_space<vmem>>
        %dma_start3A_189 = tpu.memref_squeeze %dma_start3A_188 : memref<1x64xi32, #tpu.memory_space<vmem>> -> memref<64xi32, #tpu.memory_space<vmem>>
        %dma_start3A_190 = arith.constant 0 : i32
        %dma_start3A_191 = arith.constant 0 : i32
        %dma_start3A_192 = tpu.memref_slice %arg2[%dma_start3A_190, %dma_start3A_191] : memref<10112x128xf32, #tpu.memory_space<hbm>> -> memref<10112x128xf32, #tpu.memory_space<hbm>>
        tpu.enqueue_indirect_dma source(%dma_start3A_192 : memref<10112x128xf32, #tpu.memory_space<hbm>>) target(%arg12 : memref<64x128xf32, #tpu.memory_space<vmem>>) offsets(%dma_start3A_189 : memref<64xi32, #tpu.memory_space<vmem>>) semaphore(%arg17 : memref<!tpu.dma_semaphore, #tpu.memory_space<semaphore_mem>>)
      } else {
      }
      %dma_wait3A_130 = arith.constant 0 : i32
      %dma_wait3A_131 = tpu.memref_slice %arg7[%add3A_123, %dma_wait3A_130] : memref<40x64xi32, #tpu.memory_space<vmem>> -> memref<1x64xi32, #tpu.memory_space<vmem>>
      %dma_wait3A_132 = tpu.memref_squeeze %dma_wait3A_131 : memref<1x64xi32, #tpu.memory_space<vmem>> -> memref<64xi32, #tpu.memory_space<vmem>>
      %dma_wait3A_133 = arith.constant 0 : i32
      %dma_wait3A_134 = arith.constant 0 : i32
      %dma_wait3A_135 = tpu.memref_slice %arg2[%dma_wait3A_133, %dma_wait3A_134] : memref<10112x128xf32, #tpu.memory_space<hbm>> -> memref<10112x128xf32, #tpu.memory_space<hbm>>
      tpu.wait_indirect_dma semaphore(%arg14 : memref<!tpu.dma_semaphore, #tpu.memory_space<semaphore_mem>>) src(%dma_wait3A_135 : memref<10112x128xf32, #tpu.memory_space<hbm>>) dst(%arg9 : memref<64x128xf32, #tpu.memory_space<vmem>>)
      "tpu.region"() ({
        %run_scoped3A = tpu.sem_alloc : memref<!tpu.dma_semaphore, #tpu.memory_space<semaphore_mem>>
        %dma_start3A_187 = arith.constant 0 : i32
        %dma_start3A_188 = tpu.memref_slice %arg8[%add3A_123, %dma_start3A_187] : memref<40x64xi32, #tpu.memory_space<vmem>> -> memref<1x64xi32, #tpu.memory_space<vmem>>
        %dma_start3A_189 = tpu.memref_squeeze %dma_start3A_188 : memref<1x64xi32, #tpu.memory_space<vmem>> -> memref<64xi32, #tpu.memory_space<vmem>>
        %dma_start3A_190 = arith.constant 0 : i32
        %dma_start3A_191 = arith.constant 0 : i32
        %dma_start3A_192 = tpu.memref_slice %arg13[%dma_start3A_190, %dma_start3A_191] : memref<10112x128xf32, #tpu.memory_space<vmem_shared>> -> memref<10112x128xf32, #tpu.memory_space<vmem_shared>>
        tpu.enqueue_indirect_dma source(%arg9 : memref<64x128xf32, #tpu.memory_space<vmem>>) target(%dma_start3A_192 : memref<10112x128xf32, #tpu.memory_space<vmem_shared>>) offsets(%dma_start3A_189 : memref<64xi32, #tpu.memory_space<vmem>>) semaphore(%run_scoped3A : memref<!tpu.dma_semaphore, #tpu.memory_space<semaphore_mem>>) {add = true}
        %dma_wait3A_193 = arith.constant 0 : i32
        %dma_wait3A_194 = tpu.memref_slice %arg8[%add3A_123, %dma_wait3A_193] : memref<40x64xi32, #tpu.memory_space<vmem>> -> memref<1x64xi32, #tpu.memory_space<vmem>>
        %dma_wait3A_195 = tpu.memref_squeeze %dma_wait3A_194 : memref<1x64xi32, #tpu.memory_space<vmem>> -> memref<64xi32, #tpu.memory_space<vmem>>
        %dma_wait3A_196 = arith.constant 0 : i32
        %dma_wait3A_197 = arith.constant 0 : i32
        %dma_wait3A_198 = tpu.memref_slice %arg13[%dma_wait3A_196, %dma_wait3A_197] : memref<10112x128xf32, #tpu.memory_space<vmem_shared>> -> memref<10112x128xf32, #tpu.memory_space<vmem_shared>>
        tpu.wait_indirect_dma semaphore(%run_scoped3A : memref<!tpu.dma_semaphore, #tpu.memory_space<semaphore_mem>>) src(%arg9 : memref<64x128xf32, #tpu.memory_space<vmem>>) dst(%dma_wait3A_198 : memref<10112x128xf32, #tpu.memory_space<vmem_shared>>)
        tpu.yield
      }) : () -> ()
      %mul3A_136 = arith.constant 4 : i32
      %mul3A_137 = arith.muli %mul3A_136, %scan3A_119 : i32
      %add3A_138 = arith.constant 1 : i32
      %add3A_139 = arith.addi %mul3A_137, %add3A_138 : i32
      %add3A_140 = arith.constant 3 : i32
      %add3A_141 = arith.addi %add3A_139, %add3A_140 : i32
      %lt3A_142 = arith.constant 40 : i32
      %lt3A_143 = arith.cmpi slt, %add3A_141, %lt3A_142 : i32
      %convert_element_type3A_144 = arith.extui %lt3A_143 : i1 to i32
      %cond3A_145 = arith.constant 0 : i32
      %cond3A_146 = arith.cmpi ne, %convert_element_type3A_144, %cond3A_145 : i32
      scf.if %cond3A_146 {
        %dma_start3A_187 = arith.constant 0 : i32
        %dma_start3A_188 = tpu.memref_slice %arg7[%add3A_141, %dma_start3A_187] : memref<40x64xi32, #tpu.memory_space<vmem>> -> memref<1x64xi32, #tpu.memory_space<vmem>>
        %dma_start3A_189 = tpu.memref_squeeze %dma_start3A_188 : memref<1x64xi32, #tpu.memory_space<vmem>> -> memref<64xi32, #tpu.memory_space<vmem>>
        %dma_start3A_190 = arith.constant 0 : i32
        %dma_start3A_191 = arith.constant 0 : i32
        %dma_start3A_192 = tpu.memref_slice %arg2[%dma_start3A_190, %dma_start3A_191] : memref<10112x128xf32, #tpu.memory_space<hbm>> -> memref<10112x128xf32, #tpu.memory_space<hbm>>
        tpu.enqueue_indirect_dma source(%dma_start3A_192 : memref<10112x128xf32, #tpu.memory_space<hbm>>) target(%arg9 : memref<64x128xf32, #tpu.memory_space<vmem>>) offsets(%dma_start3A_189 : memref<64xi32, #tpu.memory_space<vmem>>) semaphore(%arg14 : memref<!tpu.dma_semaphore, #tpu.memory_space<semaphore_mem>>)
      } else {
      }
      %dma_wait3A_147 = arith.constant 0 : i32
      %dma_wait3A_148 = tpu.memref_slice %arg7[%add3A_139, %dma_wait3A_147] : memref<40x64xi32, #tpu.memory_space<vmem>> -> memref<1x64xi32, #tpu.memory_space<vmem>>
      %dma_wait3A_149 = tpu.memref_squeeze %dma_wait3A_148 : memref<1x64xi32, #tpu.memory_space<vmem>> -> memref<64xi32, #tpu.memory_space<vmem>>
      %dma_wait3A_150 = arith.constant 0 : i32
      %dma_wait3A_151 = arith.constant 0 : i32
      %dma_wait3A_152 = tpu.memref_slice %arg2[%dma_wait3A_150, %dma_wait3A_151] : memref<10112x128xf32, #tpu.memory_space<hbm>> -> memref<10112x128xf32, #tpu.memory_space<hbm>>
      tpu.wait_indirect_dma semaphore(%arg15 : memref<!tpu.dma_semaphore, #tpu.memory_space<semaphore_mem>>) src(%dma_wait3A_152 : memref<10112x128xf32, #tpu.memory_space<hbm>>) dst(%arg10 : memref<64x128xf32, #tpu.memory_space<vmem>>)
      "tpu.region"() ({
        %run_scoped3A = tpu.sem_alloc : memref<!tpu.dma_semaphore, #tpu.memory_space<semaphore_mem>>
        %dma_start3A_187 = arith.constant 0 : i32
        %dma_start3A_188 = tpu.memref_slice %arg8[%add3A_139, %dma_start3A_187] : memref<40x64xi32, #tpu.memory_space<vmem>> -> memref<1x64xi32, #tpu.memory_space<vmem>>
        %dma_start3A_189 = tpu.memref_squeeze %dma_start3A_188 : memref<1x64xi32, #tpu.memory_space<vmem>> -> memref<64xi32, #tpu.memory_space<vmem>>
        %dma_start3A_190 = arith.constant 0 : i32
        %dma_start3A_191 = arith.constant 0 : i32
        %dma_start3A_192 = tpu.memref_slice %arg13[%dma_start3A_190, %dma_start3A_191] : memref<10112x128xf32, #tpu.memory_space<vmem_shared>> -> memref<10112x128xf32, #tpu.memory_space<vmem_shared>>
        tpu.enqueue_indirect_dma source(%arg10 : memref<64x128xf32, #tpu.memory_space<vmem>>) target(%dma_start3A_192 : memref<10112x128xf32, #tpu.memory_space<vmem_shared>>) offsets(%dma_start3A_189 : memref<64xi32, #tpu.memory_space<vmem>>) semaphore(%run_scoped3A : memref<!tpu.dma_semaphore, #tpu.memory_space<semaphore_mem>>) {add = true}
        %dma_wait3A_193 = arith.constant 0 : i32
        %dma_wait3A_194 = tpu.memref_slice %arg8[%add3A_139, %dma_wait3A_193] : memref<40x64xi32, #tpu.memory_space<vmem>> -> memref<1x64xi32, #tpu.memory_space<vmem>>
        %dma_wait3A_195 = tpu.memref_squeeze %dma_wait3A_194 : memref<1x64xi32, #tpu.memory_space<vmem>> -> memref<64xi32, #tpu.memory_space<vmem>>
        %dma_wait3A_196 = arith.constant 0 : i32
        %dma_wait3A_197 = arith.constant 0 : i32
        %dma_wait3A_198 = tpu.memref_slice %arg13[%dma_wait3A_196, %dma_wait3A_197] : memref<10112x128xf32, #tpu.memory_space<vmem_shared>> -> memref<10112x128xf32, #tpu.memory_space<vmem_shared>>
        tpu.wait_indirect_dma semaphore(%run_scoped3A : memref<!tpu.dma_semaphore, #tpu.memory_space<semaphore_mem>>) src(%arg10 : memref<64x128xf32, #tpu.memory_space<vmem>>) dst(%dma_wait3A_198 : memref<10112x128xf32, #tpu.memory_space<vmem_shared>>)
        tpu.yield
      }) : () -> ()
      %mul3A_153 = arith.constant 4 : i32
      %mul3A_154 = arith.muli %mul3A_153, %scan3A_119 : i32
      %add3A_155 = arith.constant 2 : i32
      %add3A_156 = arith.addi %mul3A_154, %add3A_155 : i32
      %add3A_157 = arith.constant 3 : i32
      %add3A_158 = arith.addi %add3A_156, %add3A_157 : i32
      %lt3A_159 = arith.constant 40 : i32
      %lt3A_160 = arith.cmpi slt, %add3A_158, %lt3A_159 : i32
      %convert_element_type3A_161 = arith.extui %lt3A_160 : i1 to i32
      %cond3A_162 = arith.constant 0 : i32
      %cond3A_163 = arith.cmpi ne, %convert_element_type3A_161, %cond3A_162 : i32
      scf.if %cond3A_163 {
        %dma_start3A_187 = arith.constant 0 : i32
        %dma_start3A_188 = tpu.memref_slice %arg7[%add3A_158, %dma_start3A_187] : memref<40x64xi32, #tpu.memory_space<vmem>> -> memref<1x64xi32, #tpu.memory_space<vmem>>
        %dma_start3A_189 = tpu.memref_squeeze %dma_start3A_188 : memref<1x64xi32, #tpu.memory_space<vmem>> -> memref<64xi32, #tpu.memory_space<vmem>>
        %dma_start3A_190 = arith.constant 0 : i32
        %dma_start3A_191 = arith.constant 0 : i32
        %dma_start3A_192 = tpu.memref_slice %arg2[%dma_start3A_190, %dma_start3A_191] : memref<10112x128xf32, #tpu.memory_space<hbm>> -> memref<10112x128xf32, #tpu.memory_space<hbm>>
        tpu.enqueue_indirect_dma source(%dma_start3A_192 : memref<10112x128xf32, #tpu.memory_space<hbm>>) target(%arg10 : memref<64x128xf32, #tpu.memory_space<vmem>>) offsets(%dma_start3A_189 : memref<64xi32, #tpu.memory_space<vmem>>) semaphore(%arg15 : memref<!tpu.dma_semaphore, #tpu.memory_space<semaphore_mem>>)
      } else {
      }
      %dma_wait3A_164 = arith.constant 0 : i32
      %dma_wait3A_165 = tpu.memref_slice %arg7[%add3A_156, %dma_wait3A_164] : memref<40x64xi32, #tpu.memory_space<vmem>> -> memref<1x64xi32, #tpu.memory_space<vmem>>
      %dma_wait3A_166 = tpu.memref_squeeze %dma_wait3A_165 : memref<1x64xi32, #tpu.memory_space<vmem>> -> memref<64xi32, #tpu.memory_space<vmem>>
      %dma_wait3A_167 = arith.constant 0 : i32
      %dma_wait3A_168 = arith.constant 0 : i32
      %dma_wait3A_169 = tpu.memref_slice %arg2[%dma_wait3A_167, %dma_wait3A_168] : memref<10112x128xf32, #tpu.memory_space<hbm>> -> memref<10112x128xf32, #tpu.memory_space<hbm>>
      tpu.wait_indirect_dma semaphore(%arg16 : memref<!tpu.dma_semaphore, #tpu.memory_space<semaphore_mem>>) src(%dma_wait3A_169 : memref<10112x128xf32, #tpu.memory_space<hbm>>) dst(%arg11 : memref<64x128xf32, #tpu.memory_space<vmem>>)
      "tpu.region"() ({
        %run_scoped3A = tpu.sem_alloc : memref<!tpu.dma_semaphore, #tpu.memory_space<semaphore_mem>>
        %dma_start3A_187 = arith.constant 0 : i32
        %dma_start3A_188 = tpu.memref_slice %arg8[%add3A_156, %dma_start3A_187] : memref<40x64xi32, #tpu.memory_space<vmem>> -> memref<1x64xi32, #tpu.memory_space<vmem>>
        %dma_start3A_189 = tpu.memref_squeeze %dma_start3A_188 : memref<1x64xi32, #tpu.memory_space<vmem>> -> memref<64xi32, #tpu.memory_space<vmem>>
        %dma_start3A_190 = arith.constant 0 : i32
        %dma_start3A_191 = arith.constant 0 : i32
        %dma_start3A_192 = tpu.memref_slice %arg13[%dma_start3A_190, %dma_start3A_191] : memref<10112x128xf32, #tpu.memory_space<vmem_shared>> -> memref<10112x128xf32, #tpu.memory_space<vmem_shared>>
        tpu.enqueue_indirect_dma source(%arg11 : memref<64x128xf32, #tpu.memory_space<vmem>>) target(%dma_start3A_192 : memref<10112x128xf32, #tpu.memory_space<vmem_shared>>) offsets(%dma_start3A_189 : memref<64xi32, #tpu.memory_space<vmem>>) semaphore(%run_scoped3A : memref<!tpu.dma_semaphore, #tpu.memory_space<semaphore_mem>>) {add = true}
        %dma_wait3A_193 = arith.constant 0 : i32
        %dma_wait3A_194 = tpu.memref_slice %arg8[%add3A_156, %dma_wait3A_193] : memref<40x64xi32, #tpu.memory_space<vmem>> -> memref<1x64xi32, #tpu.memory_space<vmem>>
        %dma_wait3A_195 = tpu.memref_squeeze %dma_wait3A_194 : memref<1x64xi32, #tpu.memory_space<vmem>> -> memref<64xi32, #tpu.memory_space<vmem>>
        %dma_wait3A_196 = arith.constant 0 : i32
        %dma_wait3A_197 = arith.constant 0 : i32
        %dma_wait3A_198 = tpu.memref_slice %arg13[%dma_wait3A_196, %dma_wait3A_197] : memref<10112x128xf32, #tpu.memory_space<vmem_shared>> -> memref<10112x128xf32, #tpu.memory_space<vmem_shared>>
        tpu.wait_indirect_dma semaphore(%run_scoped3A : memref<!tpu.dma_semaphore, #tpu.memory_space<semaphore_mem>>) src(%arg11 : memref<64x128xf32, #tpu.memory_space<vmem>>) dst(%dma_wait3A_198 : memref<10112x128xf32, #tpu.memory_space<vmem_shared>>)
        tpu.yield
      }) : () -> ()
      %mul3A_170 = arith.constant 4 : i32
      %mul3A_171 = arith.muli %mul3A_170, %scan3A_119 : i32
      %add3A_172 = arith.constant 3 : i32
      %add3A_173 = arith.addi %mul3A_171, %add3A_172 : i32
      %add3A_174 = arith.constant 3 : i32
      %add3A_175 = arith.addi %add3A_173, %add3A_174 : i32
      %lt3A_176 = arith.constant 40 : i32
      %lt3A_177 = arith.cmpi slt, %add3A_175, %lt3A_176 : i32
      %convert_element_type3A_178 = arith.extui %lt3A_177 : i1 to i32
      %cond3A_179 = arith.constant 0 : i32
      %cond3A_180 = arith.cmpi ne, %convert_element_type3A_178, %cond3A_179 : i32
      scf.if %cond3A_180 {
        %dma_start3A_187 = arith.constant 0 : i32
        %dma_start3A_188 = tpu.memref_slice %arg7[%add3A_175, %dma_start3A_187] : memref<40x64xi32, #tpu.memory_space<vmem>> -> memref<1x64xi32, #tpu.memory_space<vmem>>
        %dma_start3A_189 = tpu.memref_squeeze %dma_start3A_188 : memref<1x64xi32, #tpu.memory_space<vmem>> -> memref<64xi32, #tpu.memory_space<vmem>>
        %dma_start3A_190 = arith.constant 0 : i32
        %dma_start3A_191 = arith.constant 0 : i32
        %dma_start3A_192 = tpu.memref_slice %arg2[%dma_start3A_190, %dma_start3A_191] : memref<10112x128xf32, #tpu.memory_space<hbm>> -> memref<10112x128xf32, #tpu.memory_space<hbm>>
        tpu.enqueue_indirect_dma source(%dma_start3A_192 : memref<10112x128xf32, #tpu.memory_space<hbm>>) target(%arg11 : memref<64x128xf32, #tpu.memory_space<vmem>>) offsets(%dma_start3A_189 : memref<64xi32, #tpu.memory_space<vmem>>) semaphore(%arg16 : memref<!tpu.dma_semaphore, #tpu.memory_space<semaphore_mem>>)
      } else {
      }
      %dma_wait3A_181 = arith.constant 0 : i32
      %dma_wait3A_182 = tpu.memref_slice %arg7[%add3A_173, %dma_wait3A_181] : memref<40x64xi32, #tpu.memory_space<vmem>> -> memref<1x64xi32, #tpu.memory_space<vmem>>
      %dma_wait3A_183 = tpu.memref_squeeze %dma_wait3A_182 : memref<1x64xi32, #tpu.memory_space<vmem>> -> memref<64xi32, #tpu.memory_space<vmem>>
      %dma_wait3A_184 = arith.constant 0 : i32
      %dma_wait3A_185 = arith.constant 0 : i32
      %dma_wait3A_186 = tpu.memref_slice %arg2[%dma_wait3A_184, %dma_wait3A_185] : memref<10112x128xf32, #tpu.memory_space<hbm>> -> memref<10112x128xf32, #tpu.memory_space<hbm>>
      tpu.wait_indirect_dma semaphore(%arg17 : memref<!tpu.dma_semaphore, #tpu.memory_space<semaphore_mem>>) src(%dma_wait3A_186 : memref<10112x128xf32, #tpu.memory_space<hbm>>) dst(%arg12 : memref<64x128xf32, #tpu.memory_space<vmem>>)
      "tpu.region"() ({
        %run_scoped3A = tpu.sem_alloc : memref<!tpu.dma_semaphore, #tpu.memory_space<semaphore_mem>>
        %dma_start3A_187 = arith.constant 0 : i32
        %dma_start3A_188 = tpu.memref_slice %arg8[%add3A_173, %dma_start3A_187] : memref<40x64xi32, #tpu.memory_space<vmem>> -> memref<1x64xi32, #tpu.memory_space<vmem>>
        %dma_start3A_189 = tpu.memref_squeeze %dma_start3A_188 : memref<1x64xi32, #tpu.memory_space<vmem>> -> memref<64xi32, #tpu.memory_space<vmem>>
        %dma_start3A_190 = arith.constant 0 : i32
        %dma_start3A_191 = arith.constant 0 : i32
        %dma_start3A_192 = tpu.memref_slice %arg13[%dma_start3A_190, %dma_start3A_191] : memref<10112x128xf32, #tpu.memory_space<vmem_shared>> -> memref<10112x128xf32, #tpu.memory_space<vmem_shared>>
        tpu.enqueue_indirect_dma source(%arg12 : memref<64x128xf32, #tpu.memory_space<vmem>>) target(%dma_start3A_192 : memref<10112x128xf32, #tpu.memory_space<vmem_shared>>) offsets(%dma_start3A_189 : memref<64xi32, #tpu.memory_space<vmem>>) semaphore(%run_scoped3A : memref<!tpu.dma_semaphore, #tpu.memory_space<semaphore_mem>>) {add = true}
        %dma_wait3A_193 = arith.constant 0 : i32
        %dma_wait3A_194 = tpu.memref_slice %arg8[%add3A_173, %dma_wait3A_193] : memref<40x64xi32, #tpu.memory_space<vmem>> -> memref<1x64xi32, #tpu.memory_space<vmem>>
        %dma_wait3A_195 = tpu.memref_squeeze %dma_wait3A_194 : memref<1x64xi32, #tpu.memory_space<vmem>> -> memref<64xi32, #tpu.memory_space<vmem>>
        %dma_wait3A_196 = arith.constant 0 : i32
        %dma_wait3A_197 = arith.constant 0 : i32
        %dma_wait3A_198 = tpu.memref_slice %arg13[%dma_wait3A_196, %dma_wait3A_197] : memref<10112x128xf32, #tpu.memory_space<vmem_shared>> -> memref<10112x128xf32, #tpu.memory_space<vmem_shared>>
        tpu.wait_indirect_dma semaphore(%run_scoped3A : memref<!tpu.dma_semaphore, #tpu.memory_space<semaphore_mem>>) src(%arg12 : memref<64x128xf32, #tpu.memory_space<vmem>>) dst(%dma_wait3A_198 : memref<10112x128xf32, #tpu.memory_space<vmem_shared>>)
        tpu.yield
      }) : () -> ()
    }
    %scan3A_90 = arith.constant 10 : i32
    "tpu.region"() ({
      %run_scoped3A = tpu.sem_alloc : memref<!tpu.dma_semaphore, #tpu.memory_space<semaphore_mem>>
      %dma_start3A_119 = arith.constant 120 : i32
      %dma_start3A_120 = arith.constant 0 : i32
      %dma_start3A_121 = tpu.memref_slice %arg3[%add3A, %dma_start3A_119, %dma_start3A_120] : memref<32x160x64xi32, #tpu.memory_space<hbm>> -> memref<1x40x64xi32, #tpu.memory_space<hbm>>
      %dma_start3A_122 = tpu.memref_squeeze %dma_start3A_121 : memref<1x40x64xi32, #tpu.memory_space<hbm>> -> memref<40x64xi32, #tpu.memory_space<hbm>>
      %dma_start3A_123 = arith.constant 120 : i32
      %dma_start3A_124 = arith.constant 0 : i32
      %dma_start3A_125 = tpu.memref_slice %arg3[%add3A, %dma_start3A_123, %dma_start3A_124] : memref<32x160x64xi32, #tpu.memory_space<hbm>> -> memref<1x40x64xi32, #tpu.memory_space<hbm>>
      %dma_start3A_126 = tpu.memref_squeeze %dma_start3A_125 : memref<1x40x64xi32, #tpu.memory_space<hbm>> -> memref<40x64xi32, #tpu.memory_space<hbm>>
      tpu.enqueue_dma source(%dma_start3A_126 : memref<40x64xi32, #tpu.memory_space<hbm>>) target(%arg7 : memref<40x64xi32, #tpu.memory_space<vmem>>) target_semaphore(%run_scoped3A : memref<!tpu.dma_semaphore, #tpu.memory_space<semaphore_mem>>)
      %dma_wait3A_127 = arith.constant 120 : i32
      %dma_wait3A_128 = arith.constant 0 : i32
      %dma_wait3A_129 = tpu.memref_slice %arg3[%add3A, %dma_wait3A_127, %dma_wait3A_128] : memref<32x160x64xi32, #tpu.memory_space<hbm>> -> memref<1x40x64xi32, #tpu.memory_space<hbm>>
      %dma_wait3A_130 = tpu.memref_squeeze %dma_wait3A_129 : memref<1x40x64xi32, #tpu.memory_space<hbm>> -> memref<40x64xi32, #tpu.memory_space<hbm>>
      %dma_wait3A_131 = arith.constant 120 : i32
      %dma_wait3A_132 = arith.constant 0 : i32
      %dma_wait3A_133 = tpu.memref_slice %arg3[%add3A, %dma_wait3A_131, %dma_wait3A_132] : memref<32x160x64xi32, #tpu.memory_space<hbm>> -> memref<1x40x64xi32, #tpu.memory_space<hbm>>
      %dma_wait3A_134 = tpu.memref_squeeze %dma_wait3A_133 : memref<1x40x64xi32, #tpu.memory_space<hbm>> -> memref<40x64xi32, #tpu.memory_space<hbm>>
      tpu.wait_dma2 semaphore(%run_scoped3A : memref<!tpu.dma_semaphore, #tpu.memory_space<semaphore_mem>>) src(%dma_wait3A_134 : memref<40x64xi32, #tpu.memory_space<hbm>>) dst(%arg7 : memref<40x64xi32, #tpu.memory_space<vmem>>)
      tpu.yield
    }) : () -> ()
    "tpu.region"() ({
      %run_scoped3A = tpu.sem_alloc : memref<!tpu.dma_semaphore, #tpu.memory_space<semaphore_mem>>
      %dma_start3A_119 = arith.constant 120 : i32
      %dma_start3A_120 = arith.constant 0 : i32
      %dma_start3A_121 = tpu.memref_slice %arg4[%add3A, %dma_start3A_119, %dma_start3A_120] : memref<32x160x64xi32, #tpu.memory_space<hbm>> -> memref<1x40x64xi32, #tpu.memory_space<hbm>>
      %dma_start3A_122 = tpu.memref_squeeze %dma_start3A_121 : memref<1x40x64xi32, #tpu.memory_space<hbm>> -> memref<40x64xi32, #tpu.memory_space<hbm>>
      %dma_start3A_123 = arith.constant 120 : i32
      %dma_start3A_124 = arith.constant 0 : i32
      %dma_start3A_125 = tpu.memref_slice %arg4[%add3A, %dma_start3A_123, %dma_start3A_124] : memref<32x160x64xi32, #tpu.memory_space<hbm>> -> memref<1x40x64xi32, #tpu.memory_space<hbm>>
      %dma_start3A_126 = tpu.memref_squeeze %dma_start3A_125 : memref<1x40x64xi32, #tpu.memory_space<hbm>> -> memref<40x64xi32, #tpu.memory_space<hbm>>
      tpu.enqueue_dma source(%dma_start3A_126 : memref<40x64xi32, #tpu.memory_space<hbm>>) target(%arg8 : memref<40x64xi32, #tpu.memory_space<vmem>>) target_semaphore(%run_scoped3A : memref<!tpu.dma_semaphore, #tpu.memory_space<semaphore_mem>>)
      %dma_wait3A_127 = arith.constant 120 : i32
      %dma_wait3A_128 = arith.constant 0 : i32
      %dma_wait3A_129 = tpu.memref_slice %arg4[%add3A, %dma_wait3A_127, %dma_wait3A_128] : memref<32x160x64xi32, #tpu.memory_space<hbm>> -> memref<1x40x64xi32, #tpu.memory_space<hbm>>
      %dma_wait3A_130 = tpu.memref_squeeze %dma_wait3A_129 : memref<1x40x64xi32, #tpu.memory_space<hbm>> -> memref<40x64xi32, #tpu.memory_space<hbm>>
      %dma_wait3A_131 = arith.constant 120 : i32
      %dma_wait3A_132 = arith.constant 0 : i32
      %dma_wait3A_133 = tpu.memref_slice %arg4[%add3A, %dma_wait3A_131, %dma_wait3A_132] : memref<32x160x64xi32, #tpu.memory_space<hbm>> -> memref<1x40x64xi32, #tpu.memory_space<hbm>>
      %dma_wait3A_134 = tpu.memref_squeeze %dma_wait3A_133 : memref<1x40x64xi32, #tpu.memory_space<hbm>> -> memref<40x64xi32, #tpu.memory_space<hbm>>
      tpu.wait_dma2 semaphore(%run_scoped3A : memref<!tpu.dma_semaphore, #tpu.memory_space<semaphore_mem>>) src(%dma_wait3A_134 : memref<40x64xi32, #tpu.memory_space<hbm>>) dst(%arg8 : memref<40x64xi32, #tpu.memory_space<vmem>>)
      tpu.yield
    }) : () -> ()
    %dma_start3A_91 = arith.constant 0 : i32
    %dma_start3A_92 = arith.constant 0 : i32
    %dma_start3A_93 = tpu.memref_slice %arg7[%dma_start3A_91, %dma_start3A_92] : memref<40x64xi32, #tpu.memory_space<vmem>> -> memref<1x64xi32, #tpu.memory_space<vmem>>
    %dma_start3A_94 = tpu.memref_squeeze %dma_start3A_93 : memref<1x64xi32, #tpu.memory_space<vmem>> -> memref<64xi32, #tpu.memory_space<vmem>>
    %dma_start3A_95 = arith.constant 0 : i32
    %dma_start3A_96 = arith.constant 0 : i32
    %dma_start3A_97 = tpu.memref_slice %arg2[%dma_start3A_95, %dma_start3A_96] : memref<10112x128xf32, #tpu.memory_space<hbm>> -> memref<10112x128xf32, #tpu.memory_space<hbm>>
    tpu.enqueue_indirect_dma source(%dma_start3A_97 : memref<10112x128xf32, #tpu.memory_space<hbm>>) target(%arg9 : memref<64x128xf32, #tpu.memory_space<vmem>>) offsets(%dma_start3A_94 : memref<64xi32, #tpu.memory_space<vmem>>) semaphore(%arg14 : memref<!tpu.dma_semaphore, #tpu.memory_space<semaphore_mem>>)
    %dma_start3A_98 = arith.constant 1 : i32
    %dma_start3A_99 = arith.constant 0 : i32
    %dma_start3A_100 = tpu.memref_slice %arg7[%dma_start3A_98, %dma_start3A_99] : memref<40x64xi32, #tpu.memory_space<vmem>> -> memref<1x64xi32, #tpu.memory_space<vmem>>
    %dma_start3A_101 = tpu.memref_squeeze %dma_start3A_100 : memref<1x64xi32, #tpu.memory_space<vmem>> -> memref<64xi32, #tpu.memory_space<vmem>>
    %dma_start3A_102 = arith.constant 0 : i32
    %dma_start3A_103 = arith.constant 0 : i32
    %dma_start3A_104 = tpu.memref_slice %arg2[%dma_start3A_102, %dma_start3A_103] : memref<10112x128xf32, #tpu.memory_space<hbm>> -> memref<10112x128xf32, #tpu.memory_space<hbm>>
    tpu.enqueue_indirect_dma source(%dma_start3A_104 : memref<10112x128xf32, #tpu.memory_space<hbm>>) target(%arg10 : memref<64x128xf32, #tpu.memory_space<vmem>>) offsets(%dma_start3A_101 : memref<64xi32, #tpu.memory_space<vmem>>) semaphore(%arg15 : memref<!tpu.dma_semaphore, #tpu.memory_space<semaphore_mem>>)
    %dma_start3A_105 = arith.constant 2 : i32
    %dma_start3A_106 = arith.constant 0 : i32
    %dma_start3A_107 = tpu.memref_slice %arg7[%dma_start3A_105, %dma_start3A_106] : memref<40x64xi32, #tpu.memory_space<vmem>> -> memref<1x64xi32, #tpu.memory_space<vmem>>
    %dma_start3A_108 = tpu.memref_squeeze %dma_start3A_107 : memref<1x64xi32, #tpu.memory_space<vmem>> -> memref<64xi32, #tpu.memory_space<vmem>>
    %dma_start3A_109 = arith.constant 0 : i32
    %dma_start3A_110 = arith.constant 0 : i32
    %dma_start3A_111 = tpu.memref_slice %arg2[%dma_start3A_109, %dma_start3A_110] : memref<10112x128xf32, #tpu.memory_space<hbm>> -> memref<10112x128xf32, #tpu.memory_space<hbm>>
    tpu.enqueue_indirect_dma source(%dma_start3A_111 : memref<10112x128xf32, #tpu.memory_space<hbm>>) target(%arg11 : memref<64x128xf32, #tpu.memory_space<vmem>>) offsets(%dma_start3A_108 : memref<64xi32, #tpu.memory_space<vmem>>) semaphore(%arg16 : memref<!tpu.dma_semaphore, #tpu.memory_space<semaphore_mem>>)
    %scan3A_112 = arith.constant 0 : i32
    %scan3A_113 = arith.constant 0 : i32
    %scan3A_114 = arith.constant 10 : i32
    %scan3A_115 = arith.addi %scan3A_113, %scan3A_114 : i32
    %scan3A_116 = arith.constant 1 : i32
    scf.for %scan3A_119 = %scan3A_113 to %scan3A_115 step %scan3A_116  : i32 {
      %mul3A_120 = arith.constant 4 : i32
      %mul3A_121 = arith.muli %mul3A_120, %scan3A_119 : i32
      %add3A_122 = arith.constant 0 : i32
      %add3A_123 = arith.addi %mul3A_121, %add3A_122 : i32
      %add3A_124 = arith.constant 3 : i32
      %add3A_125 = arith.addi %add3A_123, %add3A_124 : i32
      %lt3A = arith.constant 40 : i32
      %lt3A_126 = arith.cmpi slt, %add3A_125, %lt3A : i32
      %convert_element_type3A_127 = arith.extui %lt3A_126 : i1 to i32
      %cond3A_128 = arith.constant 0 : i32
      %cond3A_129 = arith.cmpi ne, %convert_element_type3A_127, %cond3A_128 : i32
      scf.if %cond3A_129 {
        %dma_start3A_187 = arith.constant 0 : i32
        %dma_start3A_188 = tpu.memref_slice %arg7[%add3A_125, %dma_start3A_187] : memref<40x64xi32, #tpu.memory_space<vmem>> -> memref<1x64xi32, #tpu.memory_space<vmem>>
        %dma_start3A_189 = tpu.memref_squeeze %dma_start3A_188 : memref<1x64xi32, #tpu.memory_space<vmem>> -> memref<64xi32, #tpu.memory_space<vmem>>
        %dma_start3A_190 = arith.constant 0 : i32
        %dma_start3A_191 = arith.constant 0 : i32
        %dma_start3A_192 = tpu.memref_slice %arg2[%dma_start3A_190, %dma_start3A_191] : memref<10112x128xf32, #tpu.memory_space<hbm>> -> memref<10112x128xf32, #tpu.memory_space<hbm>>
        tpu.enqueue_indirect_dma source(%dma_start3A_192 : memref<10112x128xf32, #tpu.memory_space<hbm>>) target(%arg12 : memref<64x128xf32, #tpu.memory_space<vmem>>) offsets(%dma_start3A_189 : memref<64xi32, #tpu.memory_space<vmem>>) semaphore(%arg17 : memref<!tpu.dma_semaphore, #tpu.memory_space<semaphore_mem>>)
      } else {
      }
      %dma_wait3A_130 = arith.constant 0 : i32
      %dma_wait3A_131 = tpu.memref_slice %arg7[%add3A_123, %dma_wait3A_130] : memref<40x64xi32, #tpu.memory_space<vmem>> -> memref<1x64xi32, #tpu.memory_space<vmem>>
      %dma_wait3A_132 = tpu.memref_squeeze %dma_wait3A_131 : memref<1x64xi32, #tpu.memory_space<vmem>> -> memref<64xi32, #tpu.memory_space<vmem>>
      %dma_wait3A_133 = arith.constant 0 : i32
      %dma_wait3A_134 = arith.constant 0 : i32
      %dma_wait3A_135 = tpu.memref_slice %arg2[%dma_wait3A_133, %dma_wait3A_134] : memref<10112x128xf32, #tpu.memory_space<hbm>> -> memref<10112x128xf32, #tpu.memory_space<hbm>>
      tpu.wait_indirect_dma semaphore(%arg14 : memref<!tpu.dma_semaphore, #tpu.memory_space<semaphore_mem>>) src(%dma_wait3A_135 : memref<10112x128xf32, #tpu.memory_space<hbm>>) dst(%arg9 : memref<64x128xf32, #tpu.memory_space<vmem>>)
      "tpu.region"() ({
        %run_scoped3A = tpu.sem_alloc : memref<!tpu.dma_semaphore, #tpu.memory_space<semaphore_mem>>
        %dma_start3A_187 = arith.constant 0 : i32
        %dma_start3A_188 = tpu.memref_slice %arg8[%add3A_123, %dma_start3A_187] : memref<40x64xi32, #tpu.memory_space<vmem>> -> memref<1x64xi32, #tpu.memory_space<vmem>>
        %dma_start3A_189 = tpu.memref_squeeze %dma_start3A_188 : memref<1x64xi32, #tpu.memory_space<vmem>> -> memref<64xi32, #tpu.memory_space<vmem>>
        %dma_start3A_190 = arith.constant 0 : i32
        %dma_start3A_191 = arith.constant 0 : i32
        %dma_start3A_192 = tpu.memref_slice %arg13[%dma_start3A_190, %dma_start3A_191] : memref<10112x128xf32, #tpu.memory_space<vmem_shared>> -> memref<10112x128xf32, #tpu.memory_space<vmem_shared>>
        tpu.enqueue_indirect_dma source(%arg9 : memref<64x128xf32, #tpu.memory_space<vmem>>) target(%dma_start3A_192 : memref<10112x128xf32, #tpu.memory_space<vmem_shared>>) offsets(%dma_start3A_189 : memref<64xi32, #tpu.memory_space<vmem>>) semaphore(%run_scoped3A : memref<!tpu.dma_semaphore, #tpu.memory_space<semaphore_mem>>) {add = true}
        %dma_wait3A_193 = arith.constant 0 : i32
        %dma_wait3A_194 = tpu.memref_slice %arg8[%add3A_123, %dma_wait3A_193] : memref<40x64xi32, #tpu.memory_space<vmem>> -> memref<1x64xi32, #tpu.memory_space<vmem>>
        %dma_wait3A_195 = tpu.memref_squeeze %dma_wait3A_194 : memref<1x64xi32, #tpu.memory_space<vmem>> -> memref<64xi32, #tpu.memory_space<vmem>>
        %dma_wait3A_196 = arith.constant 0 : i32
        %dma_wait3A_197 = arith.constant 0 : i32
        %dma_wait3A_198 = tpu.memref_slice %arg13[%dma_wait3A_196, %dma_wait3A_197] : memref<10112x128xf32, #tpu.memory_space<vmem_shared>> -> memref<10112x128xf32, #tpu.memory_space<vmem_shared>>
        tpu.wait_indirect_dma semaphore(%run_scoped3A : memref<!tpu.dma_semaphore, #tpu.memory_space<semaphore_mem>>) src(%arg9 : memref<64x128xf32, #tpu.memory_space<vmem>>) dst(%dma_wait3A_198 : memref<10112x128xf32, #tpu.memory_space<vmem_shared>>)
        tpu.yield
      }) : () -> ()
      %mul3A_136 = arith.constant 4 : i32
      %mul3A_137 = arith.muli %mul3A_136, %scan3A_119 : i32
      %add3A_138 = arith.constant 1 : i32
      %add3A_139 = arith.addi %mul3A_137, %add3A_138 : i32
      %add3A_140 = arith.constant 3 : i32
      %add3A_141 = arith.addi %add3A_139, %add3A_140 : i32
      %lt3A_142 = arith.constant 40 : i32
      %lt3A_143 = arith.cmpi slt, %add3A_141, %lt3A_142 : i32
      %convert_element_type3A_144 = arith.extui %lt3A_143 : i1 to i32
      %cond3A_145 = arith.constant 0 : i32
      %cond3A_146 = arith.cmpi ne, %convert_element_type3A_144, %cond3A_145 : i32
      scf.if %cond3A_146 {
        %dma_start3A_187 = arith.constant 0 : i32
        %dma_start3A_188 = tpu.memref_slice %arg7[%add3A_141, %dma_start3A_187] : memref<40x64xi32, #tpu.memory_space<vmem>> -> memref<1x64xi32, #tpu.memory_space<vmem>>
        %dma_start3A_189 = tpu.memref_squeeze %dma_start3A_188 : memref<1x64xi32, #tpu.memory_space<vmem>> -> memref<64xi32, #tpu.memory_space<vmem>>
        %dma_start3A_190 = arith.constant 0 : i32
        %dma_start3A_191 = arith.constant 0 : i32
        %dma_start3A_192 = tpu.memref_slice %arg2[%dma_start3A_190, %dma_start3A_191] : memref<10112x128xf32, #tpu.memory_space<hbm>> -> memref<10112x128xf32, #tpu.memory_space<hbm>>
        tpu.enqueue_indirect_dma source(%dma_start3A_192 : memref<10112x128xf32, #tpu.memory_space<hbm>>) target(%arg9 : memref<64x128xf32, #tpu.memory_space<vmem>>) offsets(%dma_start3A_189 : memref<64xi32, #tpu.memory_space<vmem>>) semaphore(%arg14 : memref<!tpu.dma_semaphore, #tpu.memory_space<semaphore_mem>>)
      } else {
      }
      %dma_wait3A_147 = arith.constant 0 : i32
      %dma_wait3A_148 = tpu.memref_slice %arg7[%add3A_139, %dma_wait3A_147] : memref<40x64xi32, #tpu.memory_space<vmem>> -> memref<1x64xi32, #tpu.memory_space<vmem>>
      %dma_wait3A_149 = tpu.memref_squeeze %dma_wait3A_148 : memref<1x64xi32, #tpu.memory_space<vmem>> -> memref<64xi32, #tpu.memory_space<vmem>>
      %dma_wait3A_150 = arith.constant 0 : i32
      %dma_wait3A_151 = arith.constant 0 : i32
      %dma_wait3A_152 = tpu.memref_slice %arg2[%dma_wait3A_150, %dma_wait3A_151] : memref<10112x128xf32, #tpu.memory_space<hbm>> -> memref<10112x128xf32, #tpu.memory_space<hbm>>
      tpu.wait_indirect_dma semaphore(%arg15 : memref<!tpu.dma_semaphore, #tpu.memory_space<semaphore_mem>>) src(%dma_wait3A_152 : memref<10112x128xf32, #tpu.memory_space<hbm>>) dst(%arg10 : memref<64x128xf32, #tpu.memory_space<vmem>>)
      "tpu.region"() ({
        %run_scoped3A = tpu.sem_alloc : memref<!tpu.dma_semaphore, #tpu.memory_space<semaphore_mem>>
        %dma_start3A_187 = arith.constant 0 : i32
        %dma_start3A_188 = tpu.memref_slice %arg8[%add3A_139, %dma_start3A_187] : memref<40x64xi32, #tpu.memory_space<vmem>> -> memref<1x64xi32, #tpu.memory_space<vmem>>
        %dma_start3A_189 = tpu.memref_squeeze %dma_start3A_188 : memref<1x64xi32, #tpu.memory_space<vmem>> -> memref<64xi32, #tpu.memory_space<vmem>>
        %dma_start3A_190 = arith.constant 0 : i32
        %dma_start3A_191 = arith.constant 0 : i32
        %dma_start3A_192 = tpu.memref_slice %arg13[%dma_start3A_190, %dma_start3A_191] : memref<10112x128xf32, #tpu.memory_space<vmem_shared>> -> memref<10112x128xf32, #tpu.memory_space<vmem_shared>>
        tpu.enqueue_indirect_dma source(%arg10 : memref<64x128xf32, #tpu.memory_space<vmem>>) target(%dma_start3A_192 : memref<10112x128xf32, #tpu.memory_space<vmem_shared>>) offsets(%dma_start3A_189 : memref<64xi32, #tpu.memory_space<vmem>>) semaphore(%run_scoped3A : memref<!tpu.dma_semaphore, #tpu.memory_space<semaphore_mem>>) {add = true}
        %dma_wait3A_193 = arith.constant 0 : i32
        %dma_wait3A_194 = tpu.memref_slice %arg8[%add3A_139, %dma_wait3A_193] : memref<40x64xi32, #tpu.memory_space<vmem>> -> memref<1x64xi32, #tpu.memory_space<vmem>>
        %dma_wait3A_195 = tpu.memref_squeeze %dma_wait3A_194 : memref<1x64xi32, #tpu.memory_space<vmem>> -> memref<64xi32, #tpu.memory_space<vmem>>
        %dma_wait3A_196 = arith.constant 0 : i32
        %dma_wait3A_197 = arith.constant 0 : i32
        %dma_wait3A_198 = tpu.memref_slice %arg13[%dma_wait3A_196, %dma_wait3A_197] : memref<10112x128xf32, #tpu.memory_space<vmem_shared>> -> memref<10112x128xf32, #tpu.memory_space<vmem_shared>>
        tpu.wait_indirect_dma semaphore(%run_scoped3A : memref<!tpu.dma_semaphore, #tpu.memory_space<semaphore_mem>>) src(%arg10 : memref<64x128xf32, #tpu.memory_space<vmem>>) dst(%dma_wait3A_198 : memref<10112x128xf32, #tpu.memory_space<vmem_shared>>)
        tpu.yield
      }) : () -> ()
      %mul3A_153 = arith.constant 4 : i32
      %mul3A_154 = arith.muli %mul3A_153, %scan3A_119 : i32
      %add3A_155 = arith.constant 2 : i32
      %add3A_156 = arith.addi %mul3A_154, %add3A_155 : i32
      %add3A_157 = arith.constant 3 : i32
      %add3A_158 = arith.addi %add3A_156, %add3A_157 : i32
      %lt3A_159 = arith.constant 40 : i32
      %lt3A_160 = arith.cmpi slt, %add3A_158, %lt3A_159 : i32
      %convert_element_type3A_161 = arith.extui %lt3A_160 : i1 to i32
      %cond3A_162 = arith.constant 0 : i32
      %cond3A_163 = arith.cmpi ne, %convert_element_type3A_161, %cond3A_162 : i32
      scf.if %cond3A_163 {
        %dma_start3A_187 = arith.constant 0 : i32
        %dma_start3A_188 = tpu.memref_slice %arg7[%add3A_158, %dma_start3A_187] : memref<40x64xi32, #tpu.memory_space<vmem>> -> memref<1x64xi32, #tpu.memory_space<vmem>>
        %dma_start3A_189 = tpu.memref_squeeze %dma_start3A_188 : memref<1x64xi32, #tpu.memory_space<vmem>> -> memref<64xi32, #tpu.memory_space<vmem>>
        %dma_start3A_190 = arith.constant 0 : i32
        %dma_start3A_191 = arith.constant 0 : i32
        %dma_start3A_192 = tpu.memref_slice %arg2[%dma_start3A_190, %dma_start3A_191] : memref<10112x128xf32, #tpu.memory_space<hbm>> -> memref<10112x128xf32, #tpu.memory_space<hbm>>
        tpu.enqueue_indirect_dma source(%dma_start3A_192 : memref<10112x128xf32, #tpu.memory_space<hbm>>) target(%arg10 : memref<64x128xf32, #tpu.memory_space<vmem>>) offsets(%dma_start3A_189 : memref<64xi32, #tpu.memory_space<vmem>>) semaphore(%arg15 : memref<!tpu.dma_semaphore, #tpu.memory_space<semaphore_mem>>)
      } else {
      }
      %dma_wait3A_164 = arith.constant 0 : i32
      %dma_wait3A_165 = tpu.memref_slice %arg7[%add3A_156, %dma_wait3A_164] : memref<40x64xi32, #tpu.memory_space<vmem>> -> memref<1x64xi32, #tpu.memory_space<vmem>>
      %dma_wait3A_166 = tpu.memref_squeeze %dma_wait3A_165 : memref<1x64xi32, #tpu.memory_space<vmem>> -> memref<64xi32, #tpu.memory_space<vmem>>
      %dma_wait3A_167 = arith.constant 0 : i32
      %dma_wait3A_168 = arith.constant 0 : i32
      %dma_wait3A_169 = tpu.memref_slice %arg2[%dma_wait3A_167, %dma_wait3A_168] : memref<10112x128xf32, #tpu.memory_space<hbm>> -> memref<10112x128xf32, #tpu.memory_space<hbm>>
      tpu.wait_indirect_dma semaphore(%arg16 : memref<!tpu.dma_semaphore, #tpu.memory_space<semaphore_mem>>) src(%dma_wait3A_169 : memref<10112x128xf32, #tpu.memory_space<hbm>>) dst(%arg11 : memref<64x128xf32, #tpu.memory_space<vmem>>)
      "tpu.region"() ({
        %run_scoped3A = tpu.sem_alloc : memref<!tpu.dma_semaphore, #tpu.memory_space<semaphore_mem>>
        %dma_start3A_187 = arith.constant 0 : i32
        %dma_start3A_188 = tpu.memref_slice %arg8[%add3A_156, %dma_start3A_187] : memref<40x64xi32, #tpu.memory_space<vmem>> -> memref<1x64xi32, #tpu.memory_space<vmem>>
        %dma_start3A_189 = tpu.memref_squeeze %dma_start3A_188 : memref<1x64xi32, #tpu.memory_space<vmem>> -> memref<64xi32, #tpu.memory_space<vmem>>
        %dma_start3A_190 = arith.constant 0 : i32
        %dma_start3A_191 = arith.constant 0 : i32
        %dma_start3A_192 = tpu.memref_slice %arg13[%dma_start3A_190, %dma_start3A_191] : memref<10112x128xf32, #tpu.memory_space<vmem_shared>> -> memref<10112x128xf32, #tpu.memory_space<vmem_shared>>
        tpu.enqueue_indirect_dma source(%arg11 : memref<64x128xf32, #tpu.memory_space<vmem>>) target(%dma_start3A_192 : memref<10112x128xf32, #tpu.memory_space<vmem_shared>>) offsets(%dma_start3A_189 : memref<64xi32, #tpu.memory_space<vmem>>) semaphore(%run_scoped3A : memref<!tpu.dma_semaphore, #tpu.memory_space<semaphore_mem>>) {add = true}
        %dma_wait3A_193 = arith.constant 0 : i32
        %dma_wait3A_194 = tpu.memref_slice %arg8[%add3A_156, %dma_wait3A_193] : memref<40x64xi32, #tpu.memory_space<vmem>> -> memref<1x64xi32, #tpu.memory_space<vmem>>
        %dma_wait3A_195 = tpu.memref_squeeze %dma_wait3A_194 : memref<1x64xi32, #tpu.memory_space<vmem>> -> memref<64xi32, #tpu.memory_space<vmem>>
        %dma_wait3A_196 = arith.constant 0 : i32
        %dma_wait3A_197 = arith.constant 0 : i32
        %dma_wait3A_198 = tpu.memref_slice %arg13[%dma_wait3A_196, %dma_wait3A_197] : memref<10112x128xf32, #tpu.memory_space<vmem_shared>> -> memref<10112x128xf32, #tpu.memory_space<vmem_shared>>
        tpu.wait_indirect_dma semaphore(%run_scoped3A : memref<!tpu.dma_semaphore, #tpu.memory_space<semaphore_mem>>) src(%arg11 : memref<64x128xf32, #tpu.memory_space<vmem>>) dst(%dma_wait3A_198 : memref<10112x128xf32, #tpu.memory_space<vmem_shared>>)
        tpu.yield
      }) : () -> ()
      %mul3A_170 = arith.constant 4 : i32
      %mul3A_171 = arith.muli %mul3A_170, %scan3A_119 : i32
      %add3A_172 = arith.constant 3 : i32
      %add3A_173 = arith.addi %mul3A_171, %add3A_172 : i32
      %add3A_174 = arith.constant 3 : i32
      %add3A_175 = arith.addi %add3A_173, %add3A_174 : i32
      %lt3A_176 = arith.constant 40 : i32
      %lt3A_177 = arith.cmpi slt, %add3A_175, %lt3A_176 : i32
      %convert_element_type3A_178 = arith.extui %lt3A_177 : i1 to i32
      %cond3A_179 = arith.constant 0 : i32
      %cond3A_180 = arith.cmpi ne, %convert_element_type3A_178, %cond3A_179 : i32
      scf.if %cond3A_180 {
        %dma_start3A_187 = arith.constant 0 : i32
        %dma_start3A_188 = tpu.memref_slice %arg7[%add3A_175, %dma_start3A_187] : memref<40x64xi32, #tpu.memory_space<vmem>> -> memref<1x64xi32, #tpu.memory_space<vmem>>
        %dma_start3A_189 = tpu.memref_squeeze %dma_start3A_188 : memref<1x64xi32, #tpu.memory_space<vmem>> -> memref<64xi32, #tpu.memory_space<vmem>>
        %dma_start3A_190 = arith.constant 0 : i32
        %dma_start3A_191 = arith.constant 0 : i32
        %dma_start3A_192 = tpu.memref_slice %arg2[%dma_start3A_190, %dma_start3A_191] : memref<10112x128xf32, #tpu.memory_space<hbm>> -> memref<10112x128xf32, #tpu.memory_space<hbm>>
        tpu.enqueue_indirect_dma source(%dma_start3A_192 : memref<10112x128xf32, #tpu.memory_space<hbm>>) target(%arg11 : memref<64x128xf32, #tpu.memory_space<vmem>>) offsets(%dma_start3A_189 : memref<64xi32, #tpu.memory_space<vmem>>) semaphore(%arg16 : memref<!tpu.dma_semaphore, #tpu.memory_space<semaphore_mem>>)
      } else {
      }
      %dma_wait3A_181 = arith.constant 0 : i32
      %dma_wait3A_182 = tpu.memref_slice %arg7[%add3A_173, %dma_wait3A_181] : memref<40x64xi32, #tpu.memory_space<vmem>> -> memref<1x64xi32, #tpu.memory_space<vmem>>
      %dma_wait3A_183 = tpu.memref_squeeze %dma_wait3A_182 : memref<1x64xi32, #tpu.memory_space<vmem>> -> memref<64xi32, #tpu.memory_space<vmem>>
      %dma_wait3A_184 = arith.constant 0 : i32
      %dma_wait3A_185 = arith.constant 0 : i32
      %dma_wait3A_186 = tpu.memref_slice %arg2[%dma_wait3A_184, %dma_wait3A_185] : memref<10112x128xf32, #tpu.memory_space<hbm>> -> memref<10112x128xf32, #tpu.memory_space<hbm>>
      tpu.wait_indirect_dma semaphore(%arg17 : memref<!tpu.dma_semaphore, #tpu.memory_space<semaphore_mem>>) src(%dma_wait3A_186 : memref<10112x128xf32, #tpu.memory_space<hbm>>) dst(%arg12 : memref<64x128xf32, #tpu.memory_space<vmem>>)
      "tpu.region"() ({
        %run_scoped3A = tpu.sem_alloc : memref<!tpu.dma_semaphore, #tpu.memory_space<semaphore_mem>>
        %dma_start3A_187 = arith.constant 0 : i32
        %dma_start3A_188 = tpu.memref_slice %arg8[%add3A_173, %dma_start3A_187] : memref<40x64xi32, #tpu.memory_space<vmem>> -> memref<1x64xi32, #tpu.memory_space<vmem>>
        %dma_start3A_189 = tpu.memref_squeeze %dma_start3A_188 : memref<1x64xi32, #tpu.memory_space<vmem>> -> memref<64xi32, #tpu.memory_space<vmem>>
        %dma_start3A_190 = arith.constant 0 : i32
        %dma_start3A_191 = arith.constant 0 : i32
        %dma_start3A_192 = tpu.memref_slice %arg13[%dma_start3A_190, %dma_start3A_191] : memref<10112x128xf32, #tpu.memory_space<vmem_shared>> -> memref<10112x128xf32, #tpu.memory_space<vmem_shared>>
        tpu.enqueue_indirect_dma source(%arg12 : memref<64x128xf32, #tpu.memory_space<vmem>>) target(%dma_start3A_192 : memref<10112x128xf32, #tpu.memory_space<vmem_shared>>) offsets(%dma_start3A_189 : memref<64xi32, #tpu.memory_space<vmem>>) semaphore(%run_scoped3A : memref<!tpu.dma_semaphore, #tpu.memory_space<semaphore_mem>>) {add = true}
        %dma_wait3A_193 = arith.constant 0 : i32
        %dma_wait3A_194 = tpu.memref_slice %arg8[%add3A_173, %dma_wait3A_193] : memref<40x64xi32, #tpu.memory_space<vmem>> -> memref<1x64xi32, #tpu.memory_space<vmem>>
        %dma_wait3A_195 = tpu.memref_squeeze %dma_wait3A_194 : memref<1x64xi32, #tpu.memory_space<vmem>> -> memref<64xi32, #tpu.memory_space<vmem>>
        %dma_wait3A_196 = arith.constant 0 : i32
        %dma_wait3A_197 = arith.constant 0 : i32
        %dma_wait3A_198 = tpu.memref_slice %arg13[%dma_wait3A_196, %dma_wait3A_197] : memref<10112x128xf32, #tpu.memory_space<vmem_shared>> -> memref<10112x128xf32, #tpu.memory_space<vmem_shared>>
        tpu.wait_indirect_dma semaphore(%run_scoped3A : memref<!tpu.dma_semaphore, #tpu.memory_space<semaphore_mem>>) src(%arg12 : memref<64x128xf32, #tpu.memory_space<vmem>>) dst(%dma_wait3A_198 : memref<10112x128xf32, #tpu.memory_space<vmem_shared>>)
        tpu.yield
      }) : () -> ()
    }
    %scan3A_117 = arith.constant 10 : i32
    %barrier3A_118 = arith.constant 0 : index
    tpu.barrier barrier_id(%barrier3A_118)
    "tpu.region"() ({
      %run_scoped3A = tpu.sem_alloc : memref<!tpu.dma_semaphore, #tpu.memory_space<semaphore_mem>>
      %dma_start3A_119 = arith.constant 0 : i32
      %dma_start3A_120 = tpu.memref_slice %arg6[%arg0, %mul3A_2, %dma_start3A_119] : memref<2x10112x128xf32, #tpu.memory_space<hbm>> -> memref<1x632x128xf32, #tpu.memory_space<hbm>>
      %dma_start3A_121 = tpu.memref_squeeze %dma_start3A_120 : memref<1x632x128xf32, #tpu.memory_space<hbm>> -> memref<632x128xf32, #tpu.memory_space<hbm>>
      %dma_start3A_122 = arith.constant 0 : i32
      %dma_start3A_123 = tpu.memref_slice %arg13[%mul3A_2, %dma_start3A_122] : memref<10112x128xf32, #tpu.memory_space<vmem_shared>> -> memref<632x128xf32, #tpu.memory_space<vmem_shared>>
      tpu.enqueue_dma source(%dma_start3A_123 : memref<632x128xf32, #tpu.memory_space<vmem_shared>>) target(%dma_start3A_121 : memref<632x128xf32, #tpu.memory_space<hbm>>) target_semaphore(%run_scoped3A : memref<!tpu.dma_semaphore, #tpu.memory_space<semaphore_mem>>)
      %dma_wait3A_124 = arith.constant 0 : i32
      %dma_wait3A_125 = tpu.memref_slice %arg6[%arg0, %mul3A_2, %dma_wait3A_124] : memref<2x10112x128xf32, #tpu.memory_space<hbm>> -> memref<1x632x128xf32, #tpu.memory_space<hbm>>
      %dma_wait3A_126 = tpu.memref_squeeze %dma_wait3A_125 : memref<1x632x128xf32, #tpu.memory_space<hbm>> -> memref<632x128xf32, #tpu.memory_space<hbm>>
      %dma_wait3A_127 = arith.constant 0 : i32
      %dma_wait3A_128 = tpu.memref_slice %arg13[%mul3A_2, %dma_wait3A_127] : memref<10112x128xf32, #tpu.memory_space<vmem_shared>> -> memref<632x128xf32, #tpu.memory_space<vmem_shared>>
      tpu.wait_dma2 semaphore(%run_scoped3A : memref<!tpu.dma_semaphore, #tpu.memory_space<semaphore_mem>>) src(%dma_wait3A_128 : memref<632x128xf32, #tpu.memory_space<vmem_shared>>) dst(%dma_wait3A_126 : memref<632x128xf32, #tpu.memory_space<hbm>>)
      tpu.yield
    }) : () -> ()
    return
  }
}

#map = affine_map<(d0, d1) -> (0, 0, 0)>
#map1 = affine_map<(d0, d1) -> (0)>
module attributes {stable_mosaic.version = 14 : i64} {
  func.func @_deg_kernel(%arg0: i32, %arg1: i32, %arg2: memref<32x160x64xi32, #tpu.memory_space<hbm>>, %arg3: memref<10112xi32, #tpu.memory_space<hbm>>, %arg4: memref<323584xi32, #tpu.memory_space<hbm>>, %arg5: memref<160x64xi32, #tpu.memory_space<vmem>>, %arg6: memref<10112xi32, #tpu.memory_space<vmem>>) attributes {dimension_semantics = [#tpu.dimension_semantics<core_parallel>, #tpu.dimension_semantics<subcore_parallel>], iteration_bounds = array<i64: 2, 16>, scalar_prefetch = 0 : i64, scratch_operands = 2 : i64, tpu.core_type = #tpu.core_type<sc_vector_subcore>, window_params = [{transform_indices = #map}, {transform_indices = #map1}, {transform_indices = #map1}]} {
    %mul3A = arith.constant 16 : i32
    %mul3A_0 = arith.muli %arg0, %mul3A : i32
    %add3A = arith.addi %mul3A_0, %arg1 : i32
    "tpu.region"() ({
      %run_scoped3A = tpu.sem_alloc : memref<!tpu.dma_semaphore, #tpu.memory_space<semaphore_mem>>
      %dma_start3A = arith.constant 0 : i32
      %dma_start3A_8 = arith.constant 0 : i32
      %dma_start3A_9 = tpu.memref_slice %arg2[%add3A, %dma_start3A, %dma_start3A_8] : memref<32x160x64xi32, #tpu.memory_space<hbm>> -> memref<1x160x64xi32, #tpu.memory_space<hbm>>
      %dma_start3A_10 = tpu.memref_squeeze %dma_start3A_9 : memref<1x160x64xi32, #tpu.memory_space<hbm>> -> memref<160x64xi32, #tpu.memory_space<hbm>>
      %dma_start3A_11 = arith.constant 0 : i32
      %dma_start3A_12 = arith.constant 0 : i32
      %dma_start3A_13 = tpu.memref_slice %arg2[%add3A, %dma_start3A_11, %dma_start3A_12] : memref<32x160x64xi32, #tpu.memory_space<hbm>> -> memref<1x160x64xi32, #tpu.memory_space<hbm>>
      %dma_start3A_14 = tpu.memref_squeeze %dma_start3A_13 : memref<1x160x64xi32, #tpu.memory_space<hbm>> -> memref<160x64xi32, #tpu.memory_space<hbm>>
      tpu.enqueue_dma source(%dma_start3A_14 : memref<160x64xi32, #tpu.memory_space<hbm>>) target(%arg5 : memref<160x64xi32, #tpu.memory_space<vmem>>) target_semaphore(%run_scoped3A : memref<!tpu.dma_semaphore, #tpu.memory_space<semaphore_mem>>)
      %dma_wait3A = arith.constant 0 : i32
      %dma_wait3A_15 = arith.constant 0 : i32
      %dma_wait3A_16 = tpu.memref_slice %arg2[%add3A, %dma_wait3A, %dma_wait3A_15] : memref<32x160x64xi32, #tpu.memory_space<hbm>> -> memref<1x160x64xi32, #tpu.memory_space<hbm>>
      %dma_wait3A_17 = tpu.memref_squeeze %dma_wait3A_16 : memref<1x160x64xi32, #tpu.memory_space<hbm>> -> memref<160x64xi32, #tpu.memory_space<hbm>>
      %dma_wait3A_18 = arith.constant 0 : i32
      %dma_wait3A_19 = arith.constant 0 : i32
      %dma_wait3A_20 = tpu.memref_slice %arg2[%add3A, %dma_wait3A_18, %dma_wait3A_19] : memref<32x160x64xi32, #tpu.memory_space<hbm>> -> memref<1x160x64xi32, #tpu.memory_space<hbm>>
      %dma_wait3A_21 = tpu.memref_squeeze %dma_wait3A_20 : memref<1x160x64xi32, #tpu.memory_space<hbm>> -> memref<160x64xi32, #tpu.memory_space<hbm>>
      tpu.wait_dma2 semaphore(%run_scoped3A : memref<!tpu.dma_semaphore, #tpu.memory_space<semaphore_mem>>) src(%dma_wait3A_21 : memref<160x64xi32, #tpu.memory_space<hbm>>) dst(%arg5 : memref<160x64xi32, #tpu.memory_space<vmem>>)
      tpu.yield
    }) : () -> ()
    "tpu.region"() ({
      %run_scoped3A = tpu.sem_alloc : memref<!tpu.dma_semaphore, #tpu.memory_space<semaphore_mem>>
      tpu.enqueue_dma source(%arg3 : memref<10112xi32, #tpu.memory_space<hbm>>) target(%arg6 : memref<10112xi32, #tpu.memory_space<vmem>>) target_semaphore(%run_scoped3A : memref<!tpu.dma_semaphore, #tpu.memory_space<semaphore_mem>>)
      tpu.wait_dma2 semaphore(%run_scoped3A : memref<!tpu.dma_semaphore, #tpu.memory_space<semaphore_mem>>) src(%arg3 : memref<10112xi32, #tpu.memory_space<hbm>>) dst(%arg6 : memref<10112xi32, #tpu.memory_space<vmem>>)
      tpu.yield
    }) : () -> ()
    %scan3A = arith.constant 0 : i32
    %scan3A_1 = arith.constant 0 : i32
    %scan3A_2 = arith.constant 80 : i32
    %scan3A_3 = arith.addi %scan3A_1, %scan3A_2 : i32
    %scan3A_4 = arith.constant 1 : i32
    scf.for %scan3A_8 = %scan3A_1 to %scan3A_3 step %scan3A_4  : i32 {
      %mul3A_9 = arith.constant 2 : i32
      %mul3A_10 = arith.muli %mul3A_9, %scan3A_8 : i32
      %add3A_11 = arith.constant 0 : i32
      %add3A_12 = arith.addi %mul3A_10, %add3A_11 : i32
      %get3A = arith.index_cast %add3A_12 : i32 to index
      %get3A_13 = arith.constant 0 : index
      %get3A_14 = tpu.vector_load %arg5[%get3A, %get3A_13] {strides = array<i32>} : memref<160x64xi32, #tpu.memory_space<vmem>>, vector<16xi32>,
      %broadcast_in_dim3A = arith.constant true
      %broadcast_in_dim3A_15 = vector.broadcast %broadcast_in_dim3A : i1 to vector<16xi1>
      %unique3A, %unique3A_16 = tpu.scan_count mask(%broadcast_in_dim3A_15 : vector<16xi1>) value(%get3A_14 : vector<16xi32>) : vector<16xi1>, vector<16xi32>
      tpu.vector_store_idx %arg6[%get3A_14], %unique3A_16 masked %unique3A {add = true} : memref<10112xi32, #tpu.memory_space<vmem>>[vector<16xi32>], vector<16xi32>, vector<16xi1>
      %mul3A_17 = arith.constant 2 : i32
      %mul3A_18 = arith.muli %mul3A_17, %scan3A_8 : i32
      %add3A_19 = arith.constant 0 : i32
      %add3A_20 = arith.addi %mul3A_18, %add3A_19 : i32
      %get3A_21 = arith.index_cast %add3A_20 : i32 to index
      %get3A_22 = arith.constant 16 : index
      %get3A_23 = tpu.vector_load %arg5[%get3A_21, %get3A_22] {strides = array<i32>} : memref<160x64xi32, #tpu.memory_space<vmem>>, vector<16xi32>,
      %broadcast_in_dim3A_24 = arith.constant true
      %broadcast_in_dim3A_25 = vector.broadcast %broadcast_in_dim3A_24 : i1 to vector<16xi1>
      %unique3A_26, %unique3A_27 = tpu.scan_count mask(%broadcast_in_dim3A_25 : vector<16xi1>) value(%get3A_23 : vector<16xi32>) : vector<16xi1>, vector<16xi32>
      tpu.vector_store_idx %arg6[%get3A_23], %unique3A_27 masked %unique3A_26 {add = true} : memref<10112xi32, #tpu.memory_space<vmem>>[vector<16xi32>], vector<16xi32>, vector<16xi1>
      %mul3A_28 = arith.constant 2 : i32
      %mul3A_29 = arith.muli %mul3A_28, %scan3A_8 : i32
      %add3A_30 = arith.constant 0 : i32
      %add3A_31 = arith.addi %mul3A_29, %add3A_30 : i32
      %get3A_32 = arith.index_cast %add3A_31 : i32 to index
      %get3A_33 = arith.constant 32 : index
      %get3A_34 = tpu.vector_load %arg5[%get3A_32, %get3A_33] {strides = array<i32>} : memref<160x64xi32, #tpu.memory_space<vmem>>, vector<16xi32>,
      %broadcast_in_dim3A_35 = arith.constant true
      %broadcast_in_dim3A_36 = vector.broadcast %broadcast_in_dim3A_35 : i1 to vector<16xi1>
      %unique3A_37, %unique3A_38 = tpu.scan_count mask(%broadcast_in_dim3A_36 : vector<16xi1>) value(%get3A_34 : vector<16xi32>) : vector<16xi1>, vector<16xi32>
      tpu.vector_store_idx %arg6[%get3A_34], %unique3A_38 masked %unique3A_37 {add = true} : memref<10112xi32, #tpu.memory_space<vmem>>[vector<16xi32>], vector<16xi32>, vector<16xi1>
      %mul3A_39 = arith.constant 2 : i32
      %mul3A_40 = arith.muli %mul3A_39, %scan3A_8 : i32
      %add3A_41 = arith.constant 0 : i32
      %add3A_42 = arith.addi %mul3A_40, %add3A_41 : i32
      %get3A_43 = arith.index_cast %add3A_42 : i32 to index
      %get3A_44 = arith.constant 48 : index
      %get3A_45 = tpu.vector_load %arg5[%get3A_43, %get3A_44] {strides = array<i32>} : memref<160x64xi32, #tpu.memory_space<vmem>>, vector<16xi32>,
      %broadcast_in_dim3A_46 = arith.constant true
      %broadcast_in_dim3A_47 = vector.broadcast %broadcast_in_dim3A_46 : i1 to vector<16xi1>
      %unique3A_48, %unique3A_49 = tpu.scan_count mask(%broadcast_in_dim3A_47 : vector<16xi1>) value(%get3A_45 : vector<16xi32>) : vector<16xi1>, vector<16xi32>
      tpu.vector_store_idx %arg6[%get3A_45], %unique3A_49 masked %unique3A_48 {add = true} : memref<10112xi32, #tpu.memory_space<vmem>>[vector<16xi32>], vector<16xi32>, vector<16xi1>
      %mul3A_50 = arith.constant 2 : i32
      %mul3A_51 = arith.muli %mul3A_50, %scan3A_8 : i32
      %add3A_52 = arith.constant 1 : i32
      %add3A_53 = arith.addi %mul3A_51, %add3A_52 : i32
      %get3A_54 = arith.index_cast %add3A_53 : i32 to index
      %get3A_55 = arith.constant 0 : index
      %get3A_56 = tpu.vector_load %arg5[%get3A_54, %get3A_55] {strides = array<i32>} : memref<160x64xi32, #tpu.memory_space<vmem>>, vector<16xi32>,
      %broadcast_in_dim3A_57 = arith.constant true
      %broadcast_in_dim3A_58 = vector.broadcast %broadcast_in_dim3A_57 : i1 to vector<16xi1>
      %unique3A_59, %unique3A_60 = tpu.scan_count mask(%broadcast_in_dim3A_58 : vector<16xi1>) value(%get3A_56 : vector<16xi32>) : vector<16xi1>, vector<16xi32>
      tpu.vector_store_idx %arg6[%get3A_56], %unique3A_60 masked %unique3A_59 {add = true} : memref<10112xi32, #tpu.memory_space<vmem>>[vector<16xi32>], vector<16xi32>, vector<16xi1>
      %mul3A_61 = arith.constant 2 : i32
      %mul3A_62 = arith.muli %mul3A_61, %scan3A_8 : i32
      %add3A_63 = arith.constant 1 : i32
      %add3A_64 = arith.addi %mul3A_62, %add3A_63 : i32
      %get3A_65 = arith.index_cast %add3A_64 : i32 to index
      %get3A_66 = arith.constant 16 : index
      %get3A_67 = tpu.vector_load %arg5[%get3A_65, %get3A_66] {strides = array<i32>} : memref<160x64xi32, #tpu.memory_space<vmem>>, vector<16xi32>,
      %broadcast_in_dim3A_68 = arith.constant true
      %broadcast_in_dim3A_69 = vector.broadcast %broadcast_in_dim3A_68 : i1 to vector<16xi1>
      %unique3A_70, %unique3A_71 = tpu.scan_count mask(%broadcast_in_dim3A_69 : vector<16xi1>) value(%get3A_67 : vector<16xi32>) : vector<16xi1>, vector<16xi32>
      tpu.vector_store_idx %arg6[%get3A_67], %unique3A_71 masked %unique3A_70 {add = true} : memref<10112xi32, #tpu.memory_space<vmem>>[vector<16xi32>], vector<16xi32>, vector<16xi1>
      %mul3A_72 = arith.constant 2 : i32
      %mul3A_73 = arith.muli %mul3A_72, %scan3A_8 : i32
      %add3A_74 = arith.constant 1 : i32
      %add3A_75 = arith.addi %mul3A_73, %add3A_74 : i32
      %get3A_76 = arith.index_cast %add3A_75 : i32 to index
      %get3A_77 = arith.constant 32 : index
      %get3A_78 = tpu.vector_load %arg5[%get3A_76, %get3A_77] {strides = array<i32>} : memref<160x64xi32, #tpu.memory_space<vmem>>, vector<16xi32>,
      %broadcast_in_dim3A_79 = arith.constant true
      %broadcast_in_dim3A_80 = vector.broadcast %broadcast_in_dim3A_79 : i1 to vector<16xi1>
      %unique3A_81, %unique3A_82 = tpu.scan_count mask(%broadcast_in_dim3A_80 : vector<16xi1>) value(%get3A_78 : vector<16xi32>) : vector<16xi1>, vector<16xi32>
      tpu.vector_store_idx %arg6[%get3A_78], %unique3A_82 masked %unique3A_81 {add = true} : memref<10112xi32, #tpu.memory_space<vmem>>[vector<16xi32>], vector<16xi32>, vector<16xi1>
      %mul3A_83 = arith.constant 2 : i32
      %mul3A_84 = arith.muli %mul3A_83, %scan3A_8 : i32
      %add3A_85 = arith.constant 1 : i32
      %add3A_86 = arith.addi %mul3A_84, %add3A_85 : i32
      %get3A_87 = arith.index_cast %add3A_86 : i32 to index
      %get3A_88 = arith.constant 48 : index
      %get3A_89 = tpu.vector_load %arg5[%get3A_87, %get3A_88] {strides = array<i32>} : memref<160x64xi32, #tpu.memory_space<vmem>>, vector<16xi32>,
      %broadcast_in_dim3A_90 = arith.constant true
      %broadcast_in_dim3A_91 = vector.broadcast %broadcast_in_dim3A_90 : i1 to vector<16xi1>
      %unique3A_92, %unique3A_93 = tpu.scan_count mask(%broadcast_in_dim3A_91 : vector<16xi1>) value(%get3A_89 : vector<16xi32>) : vector<16xi1>, vector<16xi32>
      tpu.vector_store_idx %arg6[%get3A_89], %unique3A_93 masked %unique3A_92 {add = true} : memref<10112xi32, #tpu.memory_space<vmem>>[vector<16xi32>], vector<16xi32>, vector<16xi1>
    }
    %scan3A_5 = arith.constant 80 : i32
    %mul3A_6 = arith.constant 10112 : i32
    %mul3A_7 = arith.muli %add3A, %mul3A_6 : i32
    "tpu.region"() ({
      %run_scoped3A = tpu.sem_alloc : memref<!tpu.dma_semaphore, #tpu.memory_space<semaphore_mem>>
      %dma_start3A = tpu.memref_slice %arg4[%mul3A_7] : memref<323584xi32, #tpu.memory_space<hbm>> -> memref<10112xi32, #tpu.memory_space<hbm>>
      %dma_start3A_8 = tpu.memref_slice %arg4[%mul3A_7] : memref<323584xi32, #tpu.memory_space<hbm>> -> memref<10112xi32, #tpu.memory_space<hbm>>
      tpu.enqueue_dma source(%arg6 : memref<10112xi32, #tpu.memory_space<vmem>>) target(%dma_start3A_8 : memref<10112xi32, #tpu.memory_space<hbm>>) target_semaphore(%run_scoped3A : memref<!tpu.dma_semaphore, #tpu.memory_space<semaphore_mem>>)
      %dma_wait3A = tpu.memref_slice %arg4[%mul3A_7] : memref<323584xi32, #tpu.memory_space<hbm>> -> memref<10112xi32, #tpu.memory_space<hbm>>
      %dma_wait3A_9 = tpu.memref_slice %arg4[%mul3A_7] : memref<323584xi32, #tpu.memory_space<hbm>> -> memref<10112xi32, #tpu.memory_space<hbm>>
      tpu.wait_dma2 semaphore(%run_scoped3A : memref<!tpu.dma_semaphore, #tpu.memory_space<semaphore_mem>>) src(%arg6 : memref<10112xi32, #tpu.memory_space<vmem>>) dst(%dma_wait3A_9 : memref<10112xi32, #tpu.memory_space<hbm>>)
      tpu.yield
    }) : () -> ()
    return
  }
}

module attributes {stable_mosaic.version = 14 : i64} {
  func.func @_h_body(%arg0: memref<10112x128xf32, #tpu.memory_space<vmem>>, %arg1: memref<128x128xf32, #tpu.memory_space<vmem>>, %arg2: memref<10112x128xf32, #tpu.memory_space<vmem>>) attributes {dimension_semantics = [], scalar_prefetch = 0 : i64, scratch_operands = 0 : i64, tpu.core_type = #tpu.core_type<tc>} {
    %get3A = arith.constant 0 : index
    %get3A_0 = arith.constant 0 : index
    %get3A_1 = vector.load %arg0[%get3A, %get3A_0] : memref<10112x128xf32, #tpu.memory_space<vmem>>, vector<10112x128xf32>
    %get3A_2 = arith.constant 0 : index
    %get3A_3 = arith.constant 0 : index
    %get3A_4 = vector.load %arg1[%get3A_2, %get3A_3] : memref<128x128xf32, #tpu.memory_space<vmem>>, vector<128x128xf32>
    %dot_general3A = arith.constant dense<0.000000e+00> : vector<10112x128xf32>
    %dot_general3A_5 = tpu.matmul %get3A_1, %get3A_4, %dot_general3A {dimension_numbers = #tpu.dot_dimension_numbers<[1], [0], [0], [1], [0, 0, 1, 1], [], []>, precision = #tpu.contract_precision<fp32>, transpose_lhs_hint = false} : vector<10112x128xf32>, vector<128x128xf32>, vector<10112x128xf32> -> vector<10112x128xf32>
    %swap3A = arith.constant 0 : index
    %swap3A_6 = arith.constant 0 : index
    %swap3A_7 = vector.load %arg2[%swap3A, %swap3A_6] : memref<10112x128xf32, #tpu.memory_space<vmem>>, vector<10112x128xf32>
    tpu.vector_store %arg2[%swap3A, %swap3A_6], %dot_general3A_5 {strides = array<i32>} : memref<10112x128xf32, #tpu.memory_space<vmem>>, vector<10112x128xf32>,
    return
  }
}

module attributes {stable_mosaic.version = 14 : i64} {
  func.func @_dinv_body(%arg0: memref<32x79x128xi32, #tpu.memory_space<vmem>>, %arg1: memref<79x128xf32, #tpu.memory_space<vmem>>) attributes {dimension_semantics = [], scalar_prefetch = 0 : i64, scratch_operands = 0 : i64, tpu.core_type = #tpu.core_type<tc>} {
    %get3A = arith.constant 0 : index
    %get3A_0 = arith.constant 0 : index
    %get3A_1 = arith.constant 0 : index
    %get3A_2 = vector.load %arg0[%get3A, %get3A_0, %get3A_1] : memref<32x79x128xi32, #tpu.memory_space<vmem>>, vector<32x79x128xi32>
    %reduce_sum3A = arith.constant dense<0> : vector<79x128xi32>
    %reduce_sum3A_3 = vector.multi_reduction <add>, %get3A_2, %reduce_sum3A [0] : vector<32x79x128xi32> to vector<79x128xi32>
    %convert_element_type3A = arith.sitofp %reduce_sum3A_3 : vector<79x128xi32> to vector<79x128xf32>
    %add3A = arith.constant 1.000000e+00 : f32
    %add3A_4 = vector.broadcast %add3A : f32 to vector<79x128xf32>
    %add3A_5 = arith.addf %convert_element_type3A, %add3A_4 : vector<79x128xf32>
    %rsqrt3A = math.rsqrt %add3A_5 : vector<79x128xf32>
    %swap3A = arith.constant 0 : index
    %swap3A_6 = arith.constant 0 : index
    %swap3A_7 = vector.load %arg1[%swap3A, %swap3A_6] : memref<79x128xf32, #tpu.memory_space<vmem>>, vector<79x128xf32>
    tpu.vector_store %arg1[%swap3A, %swap3A_6], %rsqrt3A {strides = array<i32>} : memref<79x128xf32, #tpu.memory_space<vmem>>, vector<79x128xf32>,
    return
  }
}

module attributes {stable_mosaic.version = 14 : i64} {
  func.func @_g_body(%arg0: memref<10112x128xf32, #tpu.memory_space<vmem>>, %arg1: memref<10112x1xf32, #tpu.memory_space<vmem>>, %arg2: memref<10112x128xf32, #tpu.memory_space<vmem>>) attributes {dimension_semantics = [], scalar_prefetch = 0 : i64, scratch_operands = 0 : i64, tpu.core_type = #tpu.core_type<tc>} {
    %get3A = arith.constant 0 : index
    %get3A_0 = arith.constant 0 : index
    %get3A_1 = vector.load %arg1[%get3A, %get3A_0] : memref<10112x1xf32, #tpu.memory_space<vmem>>, vector<10112x1xf32>
    %get3A_2 = arith.constant 0 : index
    %get3A_3 = arith.constant 0 : index
    %get3A_4 = vector.load %arg0[%get3A_2, %get3A_3] : memref<10112x128xf32, #tpu.memory_space<vmem>>, vector<10112x128xf32>
    %mul3A = vector.broadcast %get3A_1 : vector<10112x1xf32> to vector<10112x128xf32>
    %mul3A_5 = arith.mulf %mul3A, %get3A_4 : vector<10112x128xf32>
    %swap3A = arith.constant 0 : index
    %swap3A_6 = arith.constant 0 : index
    %swap3A_7 = vector.load %arg2[%swap3A, %swap3A_6] : memref<10112x128xf32, #tpu.memory_space<vmem>>, vector<10112x128xf32>
    tpu.vector_store %arg2[%swap3A, %swap3A_6], %mul3A_5 {strides = array<i32>} : memref<10112x128xf32, #tpu.memory_space<vmem>>, vector<10112x128xf32>,
    return
  }
}

module attributes {stable_mosaic.version = 14 : i64} {
  func.func @_out_body(%arg0: memref<2x10112x128xf32, #tpu.memory_space<vmem>>, %arg1: memref<10112x1xf32, #tpu.memory_space<vmem>>, %arg2: memref<1x128xf32, #tpu.memory_space<vmem>>, %arg3: memref<10000x128xf32, #tpu.memory_space<vmem>>) attributes {dimension_semantics = [], scalar_prefetch = 0 : i64, scratch_operands = 0 : i64, tpu.core_type = #tpu.core_type<tc>} {
    %get3A = arith.constant 0 : index
    %get3A_0 = arith.constant 0 : index
    %get3A_1 = arith.constant 0 : index
    %get3A_2 = vector.load %arg0[%get3A, %get3A_0, %get3A_1] : memref<2x10112x128xf32, #tpu.memory_space<vmem>>, vector<2x10112x128xf32>
    %slice3A = vector.extract_strided_slice %get3A_2 {offsets = [0, 0, 0], sizes = [1, 10000, 128], strides = [1, 1, 1]} : vector<2x10112x128xf32> to vector<1x10000x128xf32>
    %squeeze3A = vector.shape_cast %slice3A : vector<1x10000x128xf32> to vector<10000x128xf32>
    %slice3A_3 = vector.extract_strided_slice %get3A_2 {offsets = [1, 0, 0], sizes = [1, 10000, 128], strides = [1, 1, 1]} : vector<2x10112x128xf32> to vector<1x10000x128xf32>
    %squeeze3A_4 = vector.shape_cast %slice3A_3 : vector<1x10000x128xf32> to vector<10000x128xf32>
    %add3A = arith.addf %squeeze3A, %squeeze3A_4 : vector<10000x128xf32>
    %get3A_5 = arith.constant 0 : index
    %get3A_6 = arith.constant 0 : index
    %get3A_7 = vector.load %arg1[%get3A_5, %get3A_6] : memref<10112x1xf32, #tpu.memory_space<vmem>>, vector<10000x1xf32>
    %mul3A = vector.broadcast %get3A_7 : vector<10000x1xf32> to vector<10000x128xf32>
    %mul3A_8 = arith.mulf %mul3A, %add3A : vector<10000x128xf32>
    %get3A_9 = arith.constant 0 : index
    %get3A_10 = arith.constant 0 : index
    %get3A_11 = vector.load %arg2[%get3A_9, %get3A_10] : memref<1x128xf32, #tpu.memory_space<vmem>>, vector<1x128xf32>
    %add3A_12 = vector.broadcast %get3A_11 : vector<1x128xf32> to vector<10000x128xf32>
    %add3A_13 = arith.addf %mul3A_8, %add3A_12 : vector<10000x128xf32>
    %max3A = arith.constant 0.000000e+00 : f32
    %max3A_14 = vector.broadcast %max3A : f32 to vector<10000x128xf32>
    %max3A_15 = arith.maximumf %add3A_13, %max3A_14 : vector<10000x128xf32>
    %swap3A = arith.constant 0 : index
    %swap3A_16 = arith.constant 0 : index
    %swap3A_17 = vector.load %arg3[%swap3A, %swap3A_16] : memref<10000x128xf32, #tpu.memory_space<vmem>>, vector<10000x128xf32>
    tpu.vector_store %arg3[%swap3A, %swap3A_16], %max3A_15 {strides = array<i32>} : memref<10000x128xf32, #tpu.memory_space<vmem>>, vector<10000x128xf32>,
    return
  }
}

</mosaic_0001>

<sc_bundles>
// kernel: kernel.11.cloned.1.call-start
scs
__scs_entry_jumppad:
0x0: {  	(pc) =	sbr.rel $0x88, $3  }
0x1: {  	(tag) =	ssettag $0x0;
	lr =	simm.s32 $0x1  }
0x2: {  	[smem:$0x3F9D] =	sst lr;
	_ =	strace $0xD0000000  }
0x3: {  	_ = 	snop  }
0x4: {  	_ = 	snop  }
0x5: {  	_ = 	snop  }
0x6: {  	_ = 	snop  }
0x7: {  	_ = 	snop  }
__scs_overlays_trampoline_lowered:
0x8: {  	[smem:$0x3FAC] =	sst s0  }
0x9: {  	[smem:$0x3FAD] =	sst s1  }
0xa: {  	[smem:$0x3FAE] =	sst s2  }
0xb: {  	[smem:$0x3FAF] =	sst s3  }
0xc: {  	[smem:$0x3FB0] =	sst s4  }
0xd: {  	[smem:$0x3FB1] =	sst s5  }
0xe: {  	[smem:$0x3FB2] =	sst s6  }
0xf: {  	[smem:$0x3FB3] =	sst s7  }
0x10: {  	[smem:$0x3FB4] =	sst s8  }
0x11: {  	[smem:$0x3FB5] =	sst s9;
	s0 =	simm.s32 @!p0 $0x0  }
0x12: {  	s1 =	sld [smem:$0x3F9B];
	s0 =	simm.s32 @p0 $0x1  }
0x13: {  	[smem:$0x3FB6] =	sst s0;
	s0 =	simm.s32 @!p1 $0x0  }
0x14: {  	s2 =	sld [smem:$0x3F9A];
	s0 =	simm.s32 @p1 $0x1  }
0x15: {  	[smem:$0x3FB7] =	sst s0;
	s0 =	simm.s32 @!p2 $0x0  }
0x16: {  	s3 =	sld [smem:$0x3FDB];
	s0 =	simm.s32 @p2 $0x1  }
0x17: {  	s4 =	simm.s32 $0x1BF5;
	[smem:$0x3FB9] =	sst s0  }
0x18: {  	s0 =	sld [smem:$0x3F9C];
	_ =	swait.ge [sflag:s4], $0x0  }
0x19: {  	s7 =	sld [smem:$0x3F9D]  }
0x1a: {  	s8 =	sadd.s32 $0xFFFFE003, lr  }
0x1b: {  	s9 =	sadd.s32 $0xFFFFFEF7, lr;
	s5 =	simm.s32 $0xFFFFFFFF;
	p2 =	slt.u32 s8, $0xFFFFF086  }
0x1c: {  	p1 =	slt.u32 s9, $0xF7A;
	s5 =	simm.s32 @!p2 $0x0  }
0x1d: {  	s5 =	simm.s32 @p1 $0x1;
	p0 =	seq.s32 s7, s2  }
0x1e: {  	s7 =	smul.u32 @!p0 $0xF7A, s2;
	p2 =	seq.s32 @!p0 s5, $0x0  }
0x1f: {  	s9 =	smul.u32 $0xF7A, s1;
	s8 =	simm.s32 @!p0 $0x1BF5;
	p2 =	por !p2, p0  }
0x20: {  	[sflag:s8] =	ssyncset.s32 @!p0 $0xFFFFF086;
	s6 =	sadd.s32 @!p0 s3, s7;
	s7 =	simm.s32 @!p0 $0x108  }
0x21: {  	s3 =	sadd.s32 s3, s9;
	s6 =	sadd.s32 @!p0 $0x88, s6;
	s7 =	simm.s32 @p2 $0x1082  }
0x22: {  	[simem:s7], [sflag:s8] =	dma.local @!p0 [hbm:s6], $0xF7A  }
0x23: {  	s9 =	sor.u32 $0xD0000000, s2;
	s6 =	simm.s32 $0x108;
	_ =	swait.ge @!p0 [sflag:s8], $0x0  }
0x24: {  	s3 =	sadd.s32 $0x88, s3;
	s6 =	simm.s32 @!p1 $0x1082;
	[sflag:s4] =	ssyncset.s32 $0xFFFFF086  }
0x25: {  	[simem:s6], [sflag:s4] =	dma.local [hbm:s3], $0xF7A  }
0x26: {  	[smem:$0x3F9D] =	sst s1;
	(tag) =	ssettag s2;
	_ =	strace s9  }
0x27: {  	s1 =	sld [smem:$0x3FAD]  }
0x28: {  	s2 =	sld [smem:$0x3FAE]  }
0x29: {  	s4 =	sld [smem:$0x3FB0]  }
0x2a: {  	p0 =	seq.s32 s5, $0x0;
	s5 =	sld [smem:$0x3FB1]  }
0x2b: {  	s6 =	sld [smem:$0x3FB2]  }
0x2c: {  	s7 =	sld [smem:$0x3FB3]  }
0x2d: {  	s3 =	simm.s32 $0x108;
	s8 =	sld [smem:$0x3FB4]  }
0x2e: {  	s3 =	simm.s32 @!p0 $0x1082;
	s9 =	sld [smem:$0x3FB5]  }
0x2f: {  	lr =	sadd.s32 s0, s3;
	s0 =	sld [smem:$0x3FAC]  }
0x30: {  	s3 =	sld [smem:$0x3FAF]  }
0x31: {  	[smem:$0x3FB8] =	sst s10  }
0x32: {  	s10 =	sld [smem:$0x3FB6];
	_ =	sdelay $0x3  }
0x33: {  	p0 =	seq.s32 s10, $0x1;
	s10 =	sld [smem:$0x3FB8];
	_ =	sdelay $0x3  }
0x34: {  	[smem:$0x3FB8] =	sst s10  }
0x35: {  	s10 =	sld [smem:$0x3FB7];
	_ =	sdelay $0x3  }
0x36: {  	p1 =	seq.s32 s10, $0x1;
	s10 =	sld [smem:$0x3FB8];
	_ =	sdelay $0x3  }
0x37: {  	[smem:$0x3FB8] =	sst s10  }
0x38: {  	s10 =	sld [smem:$0x3FB9]  }
0x39: {  	_ = 	snop;
	(pc) =	sbr.ind lr, $3  }
0x3a: {  	_ = 	snop  }
0x3b: {  	_ = 	snop  }
0x3c: {  	p2 =	seq.s32 s10, $0x1;
	s10 =	sld [smem:$0x3FB8]  }
0x3d: {  	_ =	shalt  }
0x3e: {  	_ =	shalt  }
0x3f: {  	_ =	shalt  }
0x40: {  	_ =	shalt  }
0x41: {  	_ =	shalt  }
0x42: {  	_ =	shalt  }
0x43: {  	_ =	shalt  }
0x44: {  	_ =	shalt  }
0x45: {  	_ =	shalt  }
0x46: {  	_ =	shalt  }
0x47: {  	_ =	shalt  }
0x48: {  	_ =	shalt  }
0x49: {  	_ =	shalt  }
0x4a: {  	_ =	shalt  }
0x4b: {  	_ =	shalt  }
0x4c: {  	_ =	shalt  }
0x4d: {  	_ =	shalt  }
0x4e: {  	_ =	shalt  }
0x4f: {  	_ =	shalt  }
0x50: {  	_ =	shalt  }
0x51: {  	_ =	shalt  }
0x52: {  	_ =	shalt  }
0x53: {  	_ =	shalt  }
0x54: {  	_ =	shalt  }
0x55: {  	_ =	shalt  }
0x56: {  	_ =	shalt  }
0x57: {  	_ =	shalt  }
0x58: {  	_ =	shalt  }
0x59: {  	_ =	shalt  }
0x5a: {  	_ =	shalt  }
0x5b: {  	_ =	shalt  }
0x5c: {  	_ =	shalt  }
0x5d: {  	_ =	shalt  }
0x5e: {  	_ =	shalt  }
0x5f: {  	_ =	shalt  }
0x60: {  	_ =	shalt  }
0x61: {  	_ =	shalt  }
0x62: {  	_ =	shalt  }
0x63: {  	_ =	shalt  }
0x64: {  	_ =	shalt  }
0x65: {  	_ =	shalt  }
0x66: {  	_ =	shalt  }
0x67: {  	_ =	shalt  }
0x68: {  	_ =	shalt  }
0x69: {  	_ =	shalt  }
0x6a: {  	_ =	shalt  }
0x6b: {  	_ =	shalt  }
0x6c: {  	_ =	shalt  }
0x6d: {  	_ =	shalt  }
0x6e: {  	_ =	shalt  }
0x6f: {  	_ =	shalt  }
0x70: {  	_ =	shalt  }
0x71: {  	_ =	shalt  }
0x72: {  	_ =	shalt  }
0x73: {  	_ =	shalt  }
0x74: {  	_ =	shalt  }
0x75: {  	_ =	shalt  }
0x76: {  	_ =	shalt  }
0x77: {  	_ =	shalt  }
0x78: {  	_ =	shalt  }
0x79: {  	_ =	shalt  }
0x7a: {  	_ =	shalt  }
0x7b: {  	_ =	shalt  }
0x7c: {  	_ =	shalt  }
0x7d: {  	_ =	shalt  }
0x7e: {  	_ =	shalt  }
0x7f: {  	_ =	shalt  }
0x80: {  	_ =	shalt  }
0x81: {  	_ =	shalt  }
0x82: {  	_ =	shalt  }
0x83: {  	_ =	shalt  }
0x84: {  	_ =	shalt  }
0x85: {  	_ =	shalt  }
0x86: {  	_ =	shalt  }
0x87: {  	_ =	shalt  }
.Lfunc_end0:
.L_simem_size_0:
called_computation.1_lowered:
.L_overlay_start_0:
0x88: {  	s2 =	sld [smem:$0x3FD9]  }
0x89: {  	s3 =	sld [smem:$0x3FFE];
	_ =	sdelay $0x1  }
0x8a: {  	s1 =	srdreg.scid  }
0x8b: {  	s0 =	sand.u32 $0x1, s1  }
0x8c: {  	s17 =	sshll.u32 s0, $0xA;
	s2 =	sadd.s32 s3, s2  }
0x8d: {  	s2 =	sadd.s32 s2, s17  }
0x8e: {  	[smem:$0x3FC4] =	sst s2  }
0x8f: {  	_ = 	snop  }
0x90: {  	s2 =	sld [smem:$0x3FD0];
	(tm) =	ssettm $0x1  }
0x91: {  	s18 =	sld [smem:$0x3FFB];
	_ =	sdelay $0x3  }
0x92: {  	_ =	strace s18  }
0x93: {  	s3 =	sld [smem:$0x3FFC];
	_ =	sdelay $0x3  }
0x94: {  	_ =	strace s3  }
0x95: {  	s3 =	sld [smem:$0x3FFD];
	_ =	sdelay $0x3  }
0x96: {  	_ =	strace s3  }
0x97: {  	_ =	strace $0x8FFFFFFF  }
0x98: {  	s19 =	sld [smem:$0x3FDB];
	_ =	sdelay $0x1  }
0x99: {  	s4 =	simm.s32 $_scs_section_size  }
0x9a: {  	s5 =	simm.s32 $_size__tile_overlayer_lowered;
	s6 =	simm.s32 $_tile_overlayer_lowered  }
0x9b: {  	s22 =	simm.s32 $0x1BFF;
	s21 =	sshll.u32 s6, $0x1;
	s3 =	sadd.s32 s4, s19  }
0x9c: {  	s7 =	simm.s32 $0x0;
	s20 =	sshll.u32 s5, $0x1;
	s5 =	sadd.s32 s21, s3  }
0x9d: {  	[timem:s7], [sflag:s22] =	dma.local [hbm:s5], s20  }
0x9e: {  	_ =	swait.ge [sflag:s22], s20  }
0x9f: {  	s4 =	ssub.s32 $0x0, s20;
	[sflag:s22] =	ssyncset.done $0x0  }
0xa0: {  	[sflag:s22] =	ssyncadd.s32 s4;
	_ =	sdelay $0x1  }
0xa1: {  	s23 =	simm.s32 $0x1B8B  }
0xa2: {  	_ =	swait.ge [sflag:s23], $0x1  }
0xa3: {  	[sflag:s23] =	ssyncset.done $0x0  }
0xa4: {  	s25 =	simm.s32 $0x1B8E;
	s24 =	sld [smem:$0x3FFE];
	[sflag:s23] =	ssyncadd.s32 $0xFFFFFFFF  }
0xa5: {  	s26 =	simm.s32 $execute0_lowered;
	[smem:$0x3FD2] =	sst s25  }
0xa6: {  	s5 =	sshll.u32 s26, $0x1;
	_ =	strace $0x80000049;
	[dreg:$0x1] =	wrdreg $0xFFFFFFFF  }
0xa7: {  	s28 =	simm.s32 $_size_execute0_lowered;
	s3 =	sadd.s32 s3, s5;
	[dreg:$0x0] =	wrdreg $0x0  }
0xa8: {  	s5 =	sshll.u32 s28, $0x1;
	[dreg:$0x2] =	wrdreg s3  }
0xa9: {  	[dreg:$0x3] =	wrdreg s5  }
0xaa: {  	[dreg:$0x4] =	wrdreg $0xC0  }
0xab: {  	_ =	task [dreg:s7], $0x5FFFF  }
0xac: {  	[dreg:$0x1] =	wrdreg $0xFFFFFFFF  }
0xad: {  	[dreg:$0x0] =	wrdreg $0x60  }
0xae: {  	[dreg:$0x2] =	wrdreg s24  }
0xaf: {  	[dreg:$0x3] =	wrdreg s2  }
0xb0: {  	[dreg:$0x4] =	wrdreg $0xA8000  }
0xb1: {  	[dreg:$0x5] =	wrdreg $0x9  }
0xb2: {  	_ =	task.clear_ibuf [dreg:s7], $0x6FFFF;
	_ =	strace $0x90000049  }
0xb3: {  	s29 =	simm.s32 $0x9;
	_ =	strace $0x8000004B  }
0xb4: {  	_ =	swait.ge [sflag:s29], $0x1  }
0xb5: {  	[sflag:s29] =	ssyncadd.s32 $0xFFFFFFFF  }
0xb6: {  	_ =	strace $0x9000004B  }
0xb7: {  	_ =	sfence  }
0xb8: {  	s30 =	sld [smem:$0x0];
	_ =	sdelay $0x2  }
0xb9: {  	s31 =	sshll.u32 s1, $0xD;
	s1 =	sshrl.u32 s1, $0x2  }
0xba: {  	s3 =	sand.u32 $0x4000, s31;
	s1 =	sadd.s32 s1, s30  }
0xbb: {  	s0 =	sor.u32 s3, s0;
	s1 =	sshll.u32 s1, $0x11  }
0xbc: {  	s0 =	sor.u32 s1, s0  }
0xbd: {  	s0 =	sadd.s32 $0x8F2B, s0  }
0xbe: {  	[sflag:s0] =	ssyncadd.remote.s32 $0x1  }
0xbf: {  	_ =	sfence.sel $0xFFFF  }
0xc0: {  	[dreg:$0x0] =	wrdreg $0xFFFFFFFF;
	(pc) =	sbr.abs _section_cstart, $3  }
0xc1: {  	[dreg:$0x1] =	wrdreg $0xFFFFFFFF  }
0xc2: {  	_ =	task.clear_ibuf [dreg:s7], $0x2FFFF;
	_ =	strace $0x9FFFFFFF  }
0xc3: {  	(tm) =	ssettm $0x7FFFFFFF  }
tec
execute0_lowered:
.L_overlay_start_1:
0x0: {  	(tag) =	ssettag $0x1  }
0x1: {  	s0 =	rddreg [dreg:$0x0]  }
0x2: {  	s2 =	rddreg [dreg:$0x1]  }
0x3: {  	s1 =	rddreg [dreg:$0x2]  }
0x4: {  	s3 =	srdreg.scid;
	s13 =	stileid.u32;
	s28 =	simm.s32 $0x6800  }
0x5: {  	s29 =	simm.s32 $0x8800;
	s30 =	simm.s32 $0x1;
	s31 =	simm.s32 $0x2  }
0x6: {  	s5 =	sand.u32 $0x1, s3;
	s3 =	simm.s32 $0x0;
	s7 =	smul.u32 $0x13C00, s13  }
0x7: {  	s4 =	sadd.s32 $0x1F600, s0;
	s8 =	sadd.s32 $0xB600, s0;
	s11 =	smul.u32 $0x4F000, s13  }
0x8: {  	s9 =	sadd.s32 $0x46E00, s0;
	s17 =	smul.u32 $0x2780, s13;
	s14 =	sshll.u32 s13, $0x6  }
0x9: {  	s6 =	smul.u32 $0x13C000, s5;
	[smem:$0x7FF] =	sst s3;
	s25 =	sshll.u32 s5, $0x4  }
0xa: {  	s10 =	ssub.s32 $0x2, s5;
	p0 =	seq.s32 s5, $0x0;
	s5 =	simm.s32 $0x1380  }
0xb: {  	_ =	strace $0x8000004A;
	s12 =	sshrl.u32 s10, $0x1;
	s15 =	sshrl.u32 s11, $0x2  }
0xc: {  	s9 =	smov.u32 @p0 s4;
	s6 =	sadd.s32 s7, s6;
	s7 =	sor.u32 s13, s25  }
0xd: {  	s26 =	ssub.s32 s10, s12;
	s16 =	sadd.s32 s15, s1;
	s10 =	simm.s32 $0x0  }
0xe: {  	s6 =	sshrl.u32 s6, $0x3;
	s7 =	smul.u32 $0x5000, s7;
	s25 =	smax.u32 s26, $0x1  }
0xf: {  	s26 =	sadd.s32 s9, s17;
	s17 =	sor.u32 $0x1C05, s14;
	[dreg:$0xd] =	wrdreg s25  }
0x10: {  	s9 =	simm.s32 $0x2780;
	s0 =	sadd.s32 s6, s0;
	[dreg:$0xe] =	wrdreg s26  }
0x11: {  	s25 =	simm.s32 $0x4800;
	s26 =	simm.s32 $0x100;
	s7 =	sshrl.u32 s7, $0x3  }
0x12: {  	s6 =	simm.s32 $0x2600;
	s0 =	sadd.s32 $0x6E600, s0;
	s18 =	sadd.s32 s8, s7  }
0x13: {  	s19 =	sadd.s32 $0x280, s7;
	s20 =	sadd.s32 s2, s7;
	[dreg:$0xc] =	wrdreg s0  }
0x14: {  	s22 =	sadd.s32 $0x500, s7;
	s7 =	sadd.s32 $0x780, s7;
	[dreg:$0x4] =	wrdreg s18  }
0x15: {  	s0 =	simm.s32 $0x3;
	[dreg:$0x5] =	wrdreg s20;
	s21 =	sadd.s32 s8, s19  }
0x16: {  	s11 =	sadd.s32 s2, s19;
	s23 =	sadd.s32 s8, s22;
	[dreg:$0x6] =	wrdreg s21  }
0x17: {  	s24 =	sadd.s32 s2, s22;
	s8 =	sadd.s32 s8, s7;
	[dreg:$0x7] =	wrdreg s11  }
0x18: {  	s2 =	sadd.s32 s2, s7;
	s18 =	sshrl.u32 s16, $0x3;
	[dreg:$0x8] =	wrdreg s23  }
0x19: {  	s19 =	simm.s32 $0x6;
	s20 =	simm.s32 $0x1400;
	[dreg:$0x9] =	wrdreg s24  }
0x1a: {  	s22 =	simm.s32 $0x40;
	s7 =	simm.s32 $0x2680;
	[dreg:$0xa] =	wrdreg s8  }
0x1b: {  	[dreg:$0xb] =	wrdreg s2;
	s21 =	simm.s32 $0x5;
	s23 =	simm.s32 $0x2800  }
0x1c: {  	s24 =	simm.s32 $0x80;
	s2 =	simm.s32 $0x4;
	s8 =	simm.s32 $0x2700  }
.LBB2_1:
0x1d: {  	s11 =	rddreg [dreg:$0xe]  }
0x1e: {  	[spmem:s18], [sflag:s17] =	dma.local [hbm:s11], $0x2780  }
0x1f: {  	s11 =	rddreg [dreg:$0x4]  }
0x20: {  	[tilespmem:s3], [sflag:$0x6] =	stream.linear.gather [hbm4b:s11+s3], $0x1400, $0x38;
	[tilespmem:$0x1E400] =	vst v63  }
0x21: {  	_ =	swait.ge [sflag:s19], $0x1400  }
0x22: {  	[sflag:s19] =	ssyncset.done $0x0  }
0x23: {  	s16 =	rddreg [dreg:$0x5];
	[sflag:s19] =	ssyncadd.s32 $0xFFFFEC00  }
0x24: {  	[tilespmem:s20], [sflag:$0x6] =	stream.linear.gather [hbm4b:s16+s3], $0x1400, $0x38;
	[tilespmem:$0x1E400] =	vst v63  }
0x25: {  	_ =	swait.ge [sflag:s19], $0x1400  }
0x26: {  	[sflag:s19] =	ssyncset.done $0x0  }
0x27: {  	[sflag:s19] =	ssyncadd.s32 $0xFFFFEC00  }
0x28: {  	_ =	swait.ge [sflag:s21], $0x2780  }
0x29: {  	[sflag:s21] =	ssyncset.done $0x0  }
0x2a: {  	[sflag:s21] =	ssyncadd.s32 $0xFFFFD880  }
0x2b: {  	[bflag:$0x0] =	sbarrier.arrive $0xFFFF  }
0x2c: {  	[tilespmem:s23], [sflag:$0x1] =	stream.indirect.gather [hbm4b:s4+s22], $0x80, s3, s22, $0xb8;
	[tilespmem:$0x1E400] =	vst v63  }
0x2d: {  	_ = 	snop  }
0x2e: {  	[tilespmem:s25], [sflag:$0x2] =	stream.indirect.gather [hbm4b:s4+s22], $0x80, s24, s22, $0xb8;
	[tilespmem:$0x1E400] =	vst v63  }
0x2f: {  	_ = 	snop  }
0x30: {  	[tilespmem:s28], [sflag:$0x3] =	stream.indirect.gather [hbm4b:s4+s22], $0x80, s26, s22, $0xb8;
	[tilespmem:$0x1E400] =	vst v63  }
0x31: {  	s12 =	simm.s32 $0x180  }
0x32: {  	[tilespmem:s29], [sflag:$0x4] =	stream.indirect.gather [hbm4b:s4+s22], $0x80, s12, s22, $0xb8;
	[tilespmem:$0x1E400] =	vst v63  }
0x33: {  	_ =	swait.ge [sflag:s30], $0x2000  }
0x34: {  	[sflag:s30] =	ssyncset.done $0x0  }
0x35: {  	s13 =	simm.s32 $0x1400;
	[sflag:s30] =	ssyncadd.s32 $0xFFFFE000  }
0x36: {  	[spmem:s1] =	stream.indirect.scatter.add.f32 [tilespmem:s23], [sflag:$0x6], $0x80, s13, s22, $0xb8;
	[tilespmem:$0x1E400] =	vst v63  }
0x37: {  	_ =	swait.ge [sflag:s19], $0x2000  }
0x38: {  	[sflag:s19] =	ssyncset.done $0x0  }
0x39: {  	s15 =	simm.s32 $0x200;
	[sflag:s19] =	ssyncadd.s32 $0xFFFFE000  }
0x3a: {  	[tilespmem:s23], [sflag:$0x1] =	stream.indirect.gather [hbm4b:s4+s22], $0x80, s15, s22, $0xb8;
	[tilespmem:$0x1E400] =	vst v63  }
0x3b: {  	_ =	swait.ge [sflag:s31], $0x2000  }
0x3c: {  	[sflag:s31] =	ssyncset.done $0x0  }
0x3d: {  	s16 =	simm.s32 $0x1480;
	[sflag:s31] =	ssyncadd.s32 $0xFFFFE000  }
0x3e: {  	[spmem:s1] =	stream.indirect.scatter.add.f32 [tilespmem:s25], [sflag:$0x6], $0x80, s16, s22, $0xb8;
	[tilespmem:$0x1E400] =	vst v63  }
0x3f: {  	_ =	swait.ge [sflag:s19], $0x2000  }
0x40: {  	[sflag:s19] =	ssyncset.done $0x0  }
0x41: {  	s12 =	simm.s32 $0x280;
	[sflag:s19] =	ssyncadd.s32 $0xFFFFE000  }
0x42: {  	[tilespmem:s25], [sflag:$0x2] =	stream.indirect.gather [hbm4b:s4+s22], $0x80, s12, s22, $0xb8;
	[tilespmem:$0x1E400] =	vst v63  }
0x43: {  	_ =	swait.ge [sflag:s0], $0x2000  }
0x44: {  	[sflag:s0] =	ssyncset.done $0x0  }
0x45: {  	s13 =	simm.s32 $0x1500;
	[sflag:s0] =	ssyncadd.s32 $0xFFFFE000  }
0x46: {  	[spmem:s1] =	stream.indirect.scatter.add.f32 [tilespmem:s28], [sflag:$0x6], $0x80, s13, s22, $0xb8;
	[tilespmem:$0x1E400] =	vst v63  }
0x47: {  	_ =	swait.ge [sflag:s19], $0x2000  }
0x48: {  	[sflag:s19] =	ssyncset.done $0x0  }
0x49: {  	s15 =	simm.s32 $0x300;
	[sflag:s19] =	ssyncadd.s32 $0xFFFFE000  }
0x4a: {  	[tilespmem:s28], [sflag:$0x3] =	stream.indirect.gather [hbm4b:s4+s22], $0x80, s15, s22, $0xb8;
	[tilespmem:$0x1E400] =	vst v63  }
0x4b: {  	_ =	swait.ge [sflag:s2], $0x2000  }
0x4c: {  	[sflag:s2] =	ssyncset.done $0x0  }
0x4d: {  	s16 =	simm.s32 $0x1580;
	[sflag:s2] =	ssyncadd.s32 $0xFFFFE000  }
0x4e: {  	[spmem:s1] =	stream.indirect.scatter.add.f32 [tilespmem:s29], [sflag:$0x6], $0x80, s16, s22, $0xb8;
	[tilespmem:$0x1E400] =	vst v63  }
0x4f: {  	_ =	swait.ge [sflag:s19], $0x2000  }
0x50: {  	s11 =	simm.s32 $0x200;
	s12 =	simm.s32 $0x1000;
	[sflag:s19] =	ssyncset.done $0x0  }
.LBB2_2:
0x51: {  	s16 =	sadd.s32 $0x180, s11  }
0x52: {  	[sflag:s19] =	ssyncadd.s32 $0xFFFFE000;
	s13 =	smov.u32 s12;
	s15 =	sadd.s32 $0x800, s12  }
0x53: {  	[tilespmem:s29], [sflag:$0x4] =	stream.indirect.gather [hbm4b:s4+s22], $0x80, s16, s22, $0xb8;
	[tilespmem:$0x1E400] =	vst v63  }
0x54: {  	p0 =	sne.s32 s12, $0x4000;
	_ =	swait.ge [sflag:s30], $0x2000  }
0x55: {  	[sflag:s30] =	ssyncset.done $0x0  }
0x56: {  	s12 =	sadd.s32 $0x1400, s11;
	[sflag:s30] =	ssyncadd.s32 $0xFFFFE000  }
0x57: {  	[spmem:s1] =	stream.indirect.scatter.add.f32 [tilespmem:s23], [sflag:$0x6], $0x80, s12, s22, $0xb8;
	[tilespmem:$0x1E400] =	vst v63  }
0x58: {  	_ =	swait.ge [sflag:s19], $0x2000  }
0x59: {  	[sflag:s19] =	ssyncset.done $0x0  }
0x5a: {  	s12 =	sadd.s32 $0x200, s11;
	[sflag:s19] =	ssyncadd.s32 $0xFFFFE000  }
0x5b: {  	[tilespmem:s23], [sflag:$0x1] =	stream.indirect.gather [hbm4b:s4+s22], $0x80, s12, s22, $0xb8;
	[tilespmem:$0x1E400] =	vst v63  }
0x5c: {  	_ =	swait.ge [sflag:s31], $0x2000  }
0x5d: {  	[sflag:s31] =	ssyncset.done $0x0  }
0x5e: {  	s12 =	sadd.s32 $0x1480, s11;
	[sflag:s31] =	ssyncadd.s32 $0xFFFFE000  }
0x5f: {  	[spmem:s1] =	stream.indirect.scatter.add.f32 [tilespmem:s25], [sflag:$0x6], $0x80, s12, s22, $0xb8;
	[tilespmem:$0x1E400] =	vst v63  }
0x60: {  	_ =	swait.ge [sflag:s19], $0x2000  }
0x61: {  	[sflag:s19] =	ssyncset.done $0x0  }
0x62: {  	s12 =	sadd.s32 $0x280, s11;
	[sflag:s19] =	ssyncadd.s32 $0xFFFFE000  }
0x63: {  	[tilespmem:s25], [sflag:$0x2] =	stream.indirect.gather [hbm4b:s4+s22], $0x80, s12, s22, $0xb8;
	[tilespmem:$0x1E400] =	vst v63  }
0x64: {  	_ =	swait.ge [sflag:s0], $0x2000  }
0x65: {  	[sflag:s0] =	ssyncset.done $0x0  }
0x66: {  	s12 =	sadd.s32 $0x1500, s11;
	[sflag:s0] =	ssyncadd.s32 $0xFFFFE000  }
0x67: {  	[spmem:s1] =	stream.indirect.scatter.add.f32 [tilespmem:s28], [sflag:$0x6], $0x80, s12, s22, $0xb8;
	[tilespmem:$0x1E400] =	vst v63  }
0x68: {  	_ =	swait.ge [sflag:s19], $0x2000  }
0x69: {  	[sflag:s19] =	ssyncset.done $0x0  }
0x6a: {  	s12 =	sadd.s32 $0x300, s11;
	[sflag:s19] =	ssyncadd.s32 $0xFFFFE000  }
0x6b: {  	[tilespmem:s28], [sflag:$0x3] =	stream.indirect.gather [hbm4b:s4+s22], $0x80, s12, s22, $0xb8;
	[tilespmem:$0x1E400] =	vst v63  }
0x6c: {  	_ =	swait.ge [sflag:s2], $0x2000  }
.Ltmp0:
0x6d: {  	[sflag:s2] =	ssyncset.done $0x0;
	(pc) =	sbr.rel @p0 .LBB2_2-.Ltmp0, $4  }
0x6e: {  	s11 =	sadd.s32 $0x1580, s11;
	[sflag:s2] =	ssyncadd.s32 $0xFFFFE000  }
0x6f: {  	[spmem:s1] =	stream.indirect.scatter.add.f32 [tilespmem:s29], [sflag:$0x6], $0x80, s11, s22, $0xb8;
	[tilespmem:$0x1E400] =	vst v63  }
0x70: {  	_ =	swait.ge [sflag:s19], $0x2000  }
0x71: {  	s12 =	smov.u32 s15;
	s11 =	sshra.s32 s13, $0x2;
	[sflag:s19] =	ssyncset.done $0x0  }
0x72: {  	s12 =	sadd.s32 $0x180, s11;
	[sflag:s19] =	ssyncadd.s32 $0xFFFFE000  }
0x73: {  	[tilespmem:s29], [sflag:$0x4] =	stream.indirect.gather [hbm4b:s4+s22], $0x80, s12, s22, $0xb8;
	[tilespmem:$0x1E400] =	vst v63  }
0x74: {  	_ =	swait.ge [sflag:s30], $0x2000  }
0x75: {  	[sflag:s30] =	ssyncset.done $0x0  }
0x76: {  	s13 =	sadd.s32 $0x1400, s11;
	[sflag:s30] =	ssyncadd.s32 $0xFFFFE000  }
0x77: {  	[spmem:s1] =	stream.indirect.scatter.add.f32 [tilespmem:s23], [sflag:$0x6], $0x80, s13, s22, $0xb8;
	[tilespmem:$0x1E400] =	vst v63  }
0x78: {  	_ =	swait.ge [sflag:s19], $0x2000  }
0x79: {  	[sflag:s19] =	ssyncset.done $0x0  }
0x7a: {  	s15 =	sadd.s32 $0x200, s11;
	[sflag:s19] =	ssyncadd.s32 $0xFFFFE000  }
0x7b: {  	[tilespmem:s23], [sflag:$0x1] =	stream.indirect.gather [hbm4b:s4+s22], $0x80, s15, s22, $0xb8;
	[tilespmem:$0x1E400] =	vst v63  }
0x7c: {  	_ =	swait.ge [sflag:s31], $0x2000  }
0x7d: {  	[sflag:s31] =	ssyncset.done $0x0  }
0x7e: {  	s16 =	sadd.s32 $0x1480, s11;
	[sflag:s31] =	ssyncadd.s32 $0xFFFFE000  }
0x7f: {  	[spmem:s1] =	stream.indirect.scatter.add.f32 [tilespmem:s25], [sflag:$0x6], $0x80, s16, s22, $0xb8;
	[tilespmem:$0x1E400] =	vst v63  }
0x80: {  	_ =	swait.ge [sflag:s19], $0x2000  }
0x81: {  	[sflag:s19] =	ssyncset.done $0x0  }
0x82: {  	s13 =	sadd.s32 $0x280, s11;
	[sflag:s19] =	ssyncadd.s32 $0xFFFFE000  }
0x83: {  	[tilespmem:s25], [sflag:$0x2] =	stream.indirect.gather [hbm4b:s4+s22], $0x80, s13, s22, $0xb8;
	[tilespmem:$0x1E400] =	vst v63  }
0x84: {  	_ =	swait.ge [sflag:s0], $0x2000  }
0x85: {  	[sflag:s0] =	ssyncset.done $0x0  }
0x86: {  	s15 =	sadd.s32 $0x1500, s11;
	[sflag:s0] =	ssyncadd.s32 $0xFFFFE000  }
0x87: {  	[spmem:s1] =	stream.indirect.scatter.add.f32 [tilespmem:s28], [sflag:$0x6], $0x80, s15, s22, $0xb8;
	[tilespmem:$0x1E400] =	vst v63  }
0x88: {  	_ =	swait.ge [sflag:s19], $0x2000  }
0x89: {  	[sflag:s19] =	ssyncset.done $0x0  }
0x8a: {  	s16 =	sadd.s32 $0x300, s11;
	[sflag:s19] =	ssyncadd.s32 $0xFFFFE000  }
0x8b: {  	[tilespmem:s28], [sflag:$0x3] =	stream.indirect.gather [hbm4b:s4+s22], $0x80, s16, s22, $0xb8;
	[tilespmem:$0x1E400] =	vst v63  }
0x8c: {  	_ =	swait.ge [sflag:s2], $0x2000  }
0x8d: {  	[sflag:s2] =	ssyncset.done $0x0  }
0x8e: {  	s12 =	sadd.s32 $0x1580, s11;
	[sflag:s2] =	ssyncadd.s32 $0xFFFFE000  }
0x8f: {  	[spmem:s1] =	stream.indirect.scatter.add.f32 [tilespmem:s29], [sflag:$0x6], $0x80, s12, s22, $0xb8;
	[tilespmem:$0x1E400] =	vst v63  }
0x90: {  	_ =	swait.ge [sflag:s19], $0x2000  }
0x91: {  	[sflag:s19] =	ssyncset.done $0x0  }
0x92: {  	[sflag:s19] =	ssyncadd.s32 $0xFFFFE000  }
0x93: {  	[tilespmem:s29], [sflag:$0x4] =	stream.indirect.gather [hbm4b:s4+s22], $0x80, s5, s22, $0xb8;
	[tilespmem:$0x1E400] =	vst v63  }
0x94: {  	_ =	swait.ge [sflag:s30], $0x2000  }
0x95: {  	[sflag:s30] =	ssyncset.done $0x0  }
0x96: {  	[sflag:s30] =	ssyncadd.s32 $0xFFFFE000  }
0x97: {  	[spmem:s1] =	stream.indirect.scatter.add.f32 [tilespmem:s23], [sflag:$0x6], $0x80, s6, s22, $0xb8;
	[tilespmem:$0x1E400] =	vst v63  }
0x98: {  	_ =	swait.ge [sflag:s19], $0x2000  }
0x99: {  	[sflag:s19] =	ssyncset.done $0x0  }
0x9a: {  	[sflag:s19] =	ssyncadd.s32 $0xFFFFE000  }
0x9b: {  	_ =	swait.ge [sflag:s31], $0x2000  }
0x9c: {  	[sflag:s31] =	ssyncset.done $0x0  }
0x9d: {  	[sflag:s31] =	ssyncadd.s32 $0xFFFFE000  }
0x9e: {  	[spmem:s1] =	stream.indirect.scatter.add.f32 [tilespmem:s25], [sflag:$0x6], $0x80, s7, s22, $0xb8;
	[tilespmem:$0x1E400] =	vst v63  }
0x9f: {  	_ =	swait.ge [sflag:s19], $0x2000  }
0xa0: {  	[sflag:s19] =	ssyncset.done $0x0  }
0xa1: {  	[sflag:s19] =	ssyncadd.s32 $0xFFFFE000  }
0xa2: {  	_ =	swait.ge [sflag:s0], $0x2000  }
0xa3: {  	[sflag:s0] =	ssyncset.done $0x0  }
0xa4: {  	[sflag:s0] =	ssyncadd.s32 $0xFFFFE000  }
0xa5: {  	[spmem:s1] =	stream.indirect.scatter.add.f32 [tilespmem:s28], [sflag:$0x6], $0x80, s8, s22, $0xb8;
	[tilespmem:$0x1E400] =	vst v63  }
0xa6: {  	_ =	swait.ge [sflag:s19], $0x2000  }
0xa7: {  	[sflag:s19] =	ssyncset.done $0x0  }
0xa8: {  	[sflag:s19] =	ssyncadd.s32 $0xFFFFE000  }
0xa9: {  	_ =	swait.ge [sflag:s2], $0x2000  }
0xaa: {  	[sflag:s2] =	ssyncset.done $0x0  }
0xab: {  	[sflag:s2] =	ssyncadd.s32 $0xFFFFE000  }
0xac: {  	[spmem:s1] =	stream.indirect.scatter.add.f32 [tilespmem:s29], [sflag:$0x6], $0x80, s9, s22, $0xb8;
	[tilespmem:$0x1E400] =	vst v63  }
0xad: {  	_ =	swait.ge [sflag:s19], $0x2000  }
0xae: {  	[sflag:s19] =	ssyncset.done $0x0  }
0xaf: {  	s13 =	simm.s32 $0x0;
	s15 =	rddreg [dreg:$0x6];
	[sflag:s19] =	ssyncadd.s32 $0xFFFFE000  }
0xb0: {  	[tilespmem:s13], [sflag:$0x6] =	stream.linear.gather [hbm4b:s15+s13], $0x1400, $0x38;
	[tilespmem:$0x1E400] =	vst v63  }
0xb1: {  	_ =	swait.ge [sflag:s19], $0x1400  }
0xb2: {  	[sflag:s19] =	ssyncset.done $0x0  }
0xb3: {  	s16 =	rddreg [dreg:$0x7];
	[sflag:s19] =	ssyncadd.s32 $0xFFFFEC00  }
0xb4: {  	[tilespmem:s20], [sflag:$0x6] =	stream.linear.gather [hbm4b:s16+s13], $0x1400, $0x38;
	[tilespmem:$0x1E400] =	vst v63  }
0xb5: {  	_ =	swait.ge [sflag:s19], $0x1400  }
0xb6: {  	[sflag:s19] =	ssyncset.done $0x0  }
0xb7: {  	[sflag:s19] =	ssyncadd.s32 $0xFFFFEC00  }
0xb8: {  	[tilespmem:s23], [sflag:$0x1] =	stream.indirect.gather [hbm4b:s4+s22], $0x80, s13, s22, $0xb8;
	[tilespmem:$0x1E400] =	vst v63  }
0xb9: {  	_ = 	snop  }
0xba: {  	[tilespmem:s25], [sflag:$0x2] =	stream.indirect.gather [hbm4b:s4+s22], $0x80, s24, s22, $0xb8;
	[tilespmem:$0x1E400] =	vst v63  }
0xbb: {  	_ = 	snop  }
0xbc: {  	[tilespmem:s28], [sflag:$0x3] =	stream.indirect.gather [hbm4b:s4+s22], $0x80, s26, s22, $0xb8;
	[tilespmem:$0x1E400] =	vst v63  }
0xbd: {  	s12 =	simm.s32 $0x180  }
0xbe: {  	[tilespmem:s29], [sflag:$0x4] =	stream.indirect.gather [hbm4b:s4+s22], $0x80, s12, s22, $0xb8;
	[tilespmem:$0x1E400] =	vst v63  }
0xbf: {  	_ =	swait.ge [sflag:s30], $0x2000  }
0xc0: {  	[sflag:s30] =	ssyncset.done $0x0  }
0xc1: {  	s13 =	simm.s32 $0x1400;
	[sflag:s30] =	ssyncadd.s32 $0xFFFFE000  }
0xc2: {  	[spmem:s1] =	stream.indirect.scatter.add.f32 [tilespmem:s23], [sflag:$0x6], $0x80, s13, s22, $0xb8;
	[tilespmem:$0x1E400] =	vst v63  }
0xc3: {  	_ =	swait.ge [sflag:s19], $0x2000  }
0xc4: {  	[sflag:s19] =	ssyncset.done $0x0  }
0xc5: {  	s15 =	simm.s32 $0x200;
	[sflag:s19] =	ssyncadd.s32 $0xFFFFE000  }
0xc6: {  	[tilespmem:s23], [sflag:$0x1] =	stream.indirect.gather [hbm4b:s4+s22], $0x80, s15, s22, $0xb8;
	[tilespmem:$0x1E400] =	vst v63  }
0xc7: {  	_ =	swait.ge [sflag:s31], $0x2000  }
0xc8: {  	[sflag:s31] =	ssyncset.done $0x0  }
0xc9: {  	s16 =	simm.s32 $0x1480;
	[sflag:s31] =	ssyncadd.s32 $0xFFFFE000  }
0xca: {  	[spmem:s1] =	stream.indirect.scatter.add.f32 [tilespmem:s25], [sflag:$0x6], $0x80, s16, s22, $0xb8;
	[tilespmem:$0x1E400] =	vst v63  }
0xcb: {  	_ =	swait.ge [sflag:s19], $0x2000  }
0xcc: {  	[sflag:s19] =	ssyncset.done $0x0  }
0xcd: {  	s12 =	simm.s32 $0x280;
	[sflag:s19] =	ssyncadd.s32 $0xFFFFE000  }
0xce: {  	[tilespmem:s25], [sflag:$0x2] =	stream.indirect.gather [hbm4b:s4+s22], $0x80, s12, s22, $0xb8;
	[tilespmem:$0x1E400] =	vst v63  }
0xcf: {  	_ =	swait.ge [sflag:s0], $0x2000  }
0xd0: {  	[sflag:s0] =	ssyncset.done $0x0  }
0xd1: {  	s13 =	simm.s32 $0x1500;
	[sflag:s0] =	ssyncadd.s32 $0xFFFFE000  }
0xd2: {  	[spmem:s1] =	stream.indirect.scatter.add.f32 [tilespmem:s28], [sflag:$0x6], $0x80, s13, s22, $0xb8;
	[tilespmem:$0x1E400] =	vst v63  }
0xd3: {  	_ =	swait.ge [sflag:s19], $0x2000  }
0xd4: {  	[sflag:s19] =	ssyncset.done $0x0  }
0xd5: {  	s15 =	simm.s32 $0x300;
	[sflag:s19] =	ssyncadd.s32 $0xFFFFE000  }
0xd6: {  	[tilespmem:s28], [sflag:$0x3] =	stream.indirect.gather [hbm4b:s4+s22], $0x80, s15, s22, $0xb8;
	[tilespmem:$0x1E400] =	vst v63  }
0xd7: {  	_ =	swait.ge [sflag:s2], $0x2000  }
0xd8: {  	[sflag:s2] =	ssyncset.done $0x0  }
0xd9: {  	s16 =	simm.s32 $0x1580;
	[sflag:s2] =	ssyncadd.s32 $0xFFFFE000  }
0xda: {  	[spmem:s1] =	stream.indirect.scatter.add.f32 [tilespmem:s29], [sflag:$0x6], $0x80, s16, s22, $0xb8;
	[tilespmem:$0x1E400] =	vst v63  }
0xdb: {  	_ =	swait.ge [sflag:s19], $0x2000  }
0xdc: {  	s11 =	simm.s32 $0x200;
	s15 =	simm.s32 $0x1000;
	[sflag:s19] =	ssyncset.done $0x0  }
.LBB2_4:
0xdd: {  	s16 =	sadd.s32 $0x180, s11  }
0xde: {  	[sflag:s19] =	ssyncadd.s32 $0xFFFFE000;
	s13 =	smov.u32 s15;
	s12 =	sadd.s32 $0x800, s15  }
0xdf: {  	[tilespmem:s29], [sflag:$0x4] =	stream.indirect.gather [hbm4b:s4+s22], $0x80, s16, s22, $0xb8;
	[tilespmem:$0x1E400] =	vst v63  }
0xe0: {  	p0 =	sne.s32 s15, $0x4000;
	_ =	swait.ge [sflag:s30], $0x2000  }
0xe1: {  	[sflag:s30] =	ssyncset.done $0x0  }
0xe2: {  	s15 =	sadd.s32 $0x1400, s11;
	[sflag:s30] =	ssyncadd.s32 $0xFFFFE000  }
0xe3: {  	[spmem:s1] =	stream.indirect.scatter.add.f32 [tilespmem:s23], [sflag:$0x6], $0x80, s15, s22, $0xb8;
	[tilespmem:$0x1E400] =	vst v63  }
0xe4: {  	_ =	swait.ge [sflag:s19], $0x2000  }
0xe5: {  	[sflag:s19] =	ssyncset.done $0x0  }
0xe6: {  	s15 =	sadd.s32 $0x200, s11;
	[sflag:s19] =	ssyncadd.s32 $0xFFFFE000  }
0xe7: {  	[tilespmem:s23], [sflag:$0x1] =	stream.indirect.gather [hbm4b:s4+s22], $0x80, s15, s22, $0xb8;
	[tilespmem:$0x1E400] =	vst v63  }
0xe8: {  	_ =	swait.ge [sflag:s31], $0x2000  }
0xe9: {  	[sflag:s31] =	ssyncset.done $0x0  }
0xea: {  	s15 =	sadd.s32 $0x1480, s11;
	[sflag:s31] =	ssyncadd.s32 $0xFFFFE000  }
0xeb: {  	[spmem:s1] =	stream.indirect.scatter.add.f32 [tilespmem:s25], [sflag:$0x6], $0x80, s15, s22, $0xb8;
	[tilespmem:$0x1E400] =	vst v63  }
0xec: {  	_ =	swait.ge [sflag:s19], $0x2000  }
0xed: {  	[sflag:s19] =	ssyncset.done $0x0  }
0xee: {  	s15 =	sadd.s32 $0x280, s11;
	[sflag:s19] =	ssyncadd.s32 $0xFFFFE000  }
0xef: {  	[tilespmem:s25], [sflag:$0x2] =	stream.indirect.gather [hbm4b:s4+s22], $0x80, s15, s22, $0xb8;
	[tilespmem:$0x1E400] =	vst v63  }
0xf0: {  	_ =	swait.ge [sflag:s0], $0x2000  }
0xf1: {  	[sflag:s0] =	ssyncset.done $0x0  }
0xf2: {  	s15 =	sadd.s32 $0x1500, s11;
	[sflag:s0] =	ssyncadd.s32 $0xFFFFE000  }
0xf3: {  	[spmem:s1] =	stream.indirect.scatter.add.f32 [tilespmem:s28], [sflag:$0x6], $0x80, s15, s22, $0xb8;
	[tilespmem:$0x1E400] =	vst v63  }
0xf4: {  	_ =	swait.ge [sflag:s19], $0x2000  }
0xf5: {  	[sflag:s19] =	ssyncset.done $0x0  }
0xf6: {  	s15 =	sadd.s32 $0x300, s11;
	[sflag:s19] =	ssyncadd.s32 $0xFFFFE000  }
0xf7: {  	[tilespmem:s28], [sflag:$0x3] =	stream.indirect.gather [hbm4b:s4+s22], $0x80, s15, s22, $0xb8;
	[tilespmem:$0x1E400] =	vst v63  }
0xf8: {  	_ =	swait.ge [sflag:s2], $0x2000  }
.Ltmp1:
0xf9: {  	[sflag:s2] =	ssyncset.done $0x0;
	(pc) =	sbr.rel @p0 .LBB2_4-.Ltmp1, $4  }
0xfa: {  	s11 =	sadd.s32 $0x1580, s11;
	[sflag:s2] =	ssyncadd.s32 $0xFFFFE000  }
0xfb: {  	[spmem:s1] =	stream.indirect.scatter.add.f32 [tilespmem:s29], [sflag:$0x6], $0x80, s11, s22, $0xb8;
	[tilespmem:$0x1E400] =	vst v63  }
0xfc: {  	_ =	swait.ge [sflag:s19], $0x2000  }
0xfd: {  	s15 =	smov.u32 s12;
	s11 =	sshra.s32 s13, $0x2;
	[sflag:s19] =	ssyncset.done $0x0  }
0xfe: {  	s12 =	sadd.s32 $0x180, s11;
	[sflag:s19] =	ssyncadd.s32 $0xFFFFE000  }
0xff: {  	[tilespmem:s29], [sflag:$0x4] =	stream.indirect.gather [hbm4b:s4+s22], $0x80, s12, s22, $0xb8;
	[tilespmem:$0x1E400] =	vst v63  }
0x100: {  	_ =	swait.ge [sflag:s30], $0x2000  }
0x101: {  	[sflag:s30] =	ssyncset.done $0x0  }
0x102: {  	s13 =	sadd.s32 $0x1400, s11;
	[sflag:s30] =	ssyncadd.s32 $0xFFFFE000  }
0x103: {  	[spmem:s1] =	stream.indirect.scatter.add.f32 [tilespmem:s23], [sflag:$0x6], $0x80, s13, s22, $0xb8;
	[tilespmem:$0x1E400] =	vst v63  }
0x104: {  	_ =	swait.ge [sflag:s19], $0x2000  }
0x105: {  	[sflag:s19] =	ssyncset.done $0x0  }
0x106: {  	s15 =	sadd.s32 $0x200, s11;
	[sflag:s19] =	ssyncadd.s32 $0xFFFFE000  }
0x107: {  	[tilespmem:s23], [sflag:$0x1] =	stream.indirect.gather [hbm4b:s4+s22], $0x80, s15, s22, $0xb8;
	[tilespmem:$0x1E400] =	vst v63  }
0x108: {  	_ =	swait.ge [sflag:s31], $0x2000  }
0x109: {  	[sflag:s31] =	ssyncset.done $0x0  }
0x10a: {  	s16 =	sadd.s32 $0x1480, s11;
	[sflag:s31] =	ssyncadd.s32 $0xFFFFE000  }
0x10b: {  	[spmem:s1] =	stream.indirect.scatter.add.f32 [tilespmem:s25], [sflag:$0x6], $0x80, s16, s22, $0xb8;
	[tilespmem:$0x1E400] =	vst v63  }
0x10c: {  	_ =	swait.ge [sflag:s19], $0x2000  }
0x10d: {  	[sflag:s19] =	ssyncset.done $0x0  }
0x10e: {  	s13 =	sadd.s32 $0x280, s11;
	[sflag:s19] =	ssyncadd.s32 $0xFFFFE000  }
0x10f: {  	[tilespmem:s25], [sflag:$0x2] =	stream.indirect.gather [hbm4b:s4+s22], $0x80, s13, s22, $0xb8;
	[tilespmem:$0x1E400] =	vst v63  }
0x110: {  	_ =	swait.ge [sflag:s0], $0x2000  }
0x111: {  	[sflag:s0] =	ssyncset.done $0x0  }
0x112: {  	s15 =	sadd.s32 $0x1500, s11;
	[sflag:s0] =	ssyncadd.s32 $0xFFFFE000  }
0x113: {  	[spmem:s1] =	stream.indirect.scatter.add.f32 [tilespmem:s28], [sflag:$0x6], $0x80, s15, s22, $0xb8;
	[tilespmem:$0x1E400] =	vst v63  }
0x114: {  	_ =	swait.ge [sflag:s19], $0x2000  }
0x115: {  	[sflag:s19] =	ssyncset.done $0x0  }
0x116: {  	s16 =	sadd.s32 $0x300, s11;
	[sflag:s19] =	ssyncadd.s32 $0xFFFFE000  }
0x117: {  	[tilespmem:s28], [sflag:$0x3] =	stream.indirect.gather [hbm4b:s4+s22], $0x80, s16, s22, $0xb8;
	[tilespmem:$0x1E400] =	vst v63  }
0x118: {  	_ =	swait.ge [sflag:s2], $0x2000  }
0x119: {  	[sflag:s2] =	ssyncset.done $0x0  }
0x11a: {  	s12 =	sadd.s32 $0x1580, s11;
	[sflag:s2] =	ssyncadd.s32 $0xFFFFE000  }
0x11b: {  	[spmem:s1] =	stream.indirect.scatter.add.f32 [tilespmem:s29], [sflag:$0x6], $0x80, s12, s22, $0xb8;
	[tilespmem:$0x1E400] =	vst v63  }
0x11c: {  	_ =	swait.ge [sflag:s19], $0x2000  }
0x11d: {  	[sflag:s19] =	ssyncset.done $0x0  }
0x11e: {  	[sflag:s19] =	ssyncadd.s32 $0xFFFFE000  }
0x11f: {  	[tilespmem:s29], [sflag:$0x4] =	stream.indirect.gather [hbm4b:s4+s22], $0x80, s5, s22, $0xb8;
	[tilespmem:$0x1E400] =	vst v63  }
0x120: {  	_ =	swait.ge [sflag:s30], $0x2000  }
0x121: {  	[sflag:s30] =	ssyncset.done $0x0  }
0x122: {  	[sflag:s30] =	ssyncadd.s32 $0xFFFFE000  }
0x123: {  	[spmem:s1] =	stream.indirect.scatter.add.f32 [tilespmem:s23], [sflag:$0x6], $0x80, s6, s22, $0xb8;
	[tilespmem:$0x1E400] =	vst v63  }
0x124: {  	_ =	swait.ge [sflag:s19], $0x2000  }
0x125: {  	[sflag:s19] =	ssyncset.done $0x0  }
0x126: {  	[sflag:s19] =	ssyncadd.s32 $0xFFFFE000  }
0x127: {  	_ =	swait.ge [sflag:s31], $0x2000  }
0x128: {  	[sflag:s31] =	ssyncset.done $0x0  }
0x129: {  	[sflag:s31] =	ssyncadd.s32 $0xFFFFE000  }
0x12a: {  	[spmem:s1] =	stream.indirect.scatter.add.f32 [tilespmem:s25], [sflag:$0x6], $0x80, s7, s22, $0xb8;
	[tilespmem:$0x1E400] =	vst v63  }
0x12b: {  	_ =	swait.ge [sflag:s19], $0x2000  }
0x12c: {  	[sflag:s19] =	ssyncset.done $0x0  }
0x12d: {  	[sflag:s19] =	ssyncadd.s32 $0xFFFFE000  }
0x12e: {  	_ =	swait.ge [sflag:s0], $0x2000  }
0x12f: {  	[sflag:s0] =	ssyncset.done $0x0  }
0x130: {  	[sflag:s0] =	ssyncadd.s32 $0xFFFFE000  }
0x131: {  	[spmem:s1] =	stream.indirect.scatter.add.f32 [tilespmem:s28], [sflag:$0x6], $0x80, s8, s22, $0xb8;
	[tilespmem:$0x1E400] =	vst v63  }
0x132: {  	_ =	swait.ge [sflag:s19], $0x2000  }
0x133: {  	[sflag:s19] =	ssyncset.done $0x0  }
0x134: {  	[sflag:s19] =	ssyncadd.s32 $0xFFFFE000  }
0x135: {  	_ =	swait.ge [sflag:s2], $0x2000  }
0x136: {  	[sflag:s2] =	ssyncset.done $0x0  }
0x137: {  	[sflag:s2] =	ssyncadd.s32 $0xFFFFE000  }
0x138: {  	[spmem:s1] =	stream.indirect.scatter.add.f32 [tilespmem:s29], [sflag:$0x6], $0x80, s9, s22, $0xb8;
	[tilespmem:$0x1E400] =	vst v63  }
0x139: {  	_ =	swait.ge [sflag:s19], $0x2000  }
0x13a: {  	[sflag:s19] =	ssyncset.done $0x0  }
0x13b: {  	s13 =	simm.s32 $0x0;
	s15 =	rddreg [dreg:$0x8];
	[sflag:s19] =	ssyncadd.s32 $0xFFFFE000  }
0x13c: {  	[tilespmem:s13], [sflag:$0x6] =	stream.linear.gather [hbm4b:s15+s13], $0x1400, $0x38;
	[tilespmem:$0x1E400] =	vst v63  }
0x13d: {  	_ =	swait.ge [sflag:s19], $0x1400  }
0x13e: {  	[sflag:s19] =	ssyncset.done $0x0  }
0x13f: {  	s16 =	rddreg [dreg:$0x9];
	[sflag:s19] =	ssyncadd.s32 $0xFFFFEC00  }
0x140: {  	[tilespmem:s20], [sflag:$0x6] =	stream.linear.gather [hbm4b:s16+s13], $0x1400, $0x38;
	[tilespmem:$0x1E400] =	vst v63  }
0x141: {  	_ =	swait.ge [sflag:s19], $0x1400  }
0x142: {  	[sflag:s19] =	ssyncset.done $0x0  }
0x143: {  	[sflag:s19] =	ssyncadd.s32 $0xFFFFEC00  }
0x144: {  	[tilespmem:s23], [sflag:$0x1] =	stream.indirect.gather [hbm4b:s4+s22], $0x80, s13, s22, $0xb8;
	[tilespmem:$0x1E400] =	vst v63  }
0x145: {  	_ = 	snop  }
0x146: {  	[tilespmem:s25], [sflag:$0x2] =	stream.indirect.gather [hbm4b:s4+s22], $0x80, s24, s22, $0xb8;
	[tilespmem:$0x1E400] =	vst v63  }
0x147: {  	_ = 	snop  }
0x148: {  	[tilespmem:s28], [sflag:$0x3] =	stream.indirect.gather [hbm4b:s4+s22], $0x80, s26, s22, $0xb8;
	[tilespmem:$0x1E400] =	vst v63  }
0x149: {  	s12 =	simm.s32 $0x180  }
0x14a: {  	[tilespmem:s29], [sflag:$0x4] =	stream.indirect.gather [hbm4b:s4+s22], $0x80, s12, s22, $0xb8;
	[tilespmem:$0x1E400] =	vst v63  }
0x14b: {  	_ =	swait.ge [sflag:s30], $0x2000  }
0x14c: {  	[sflag:s30] =	ssyncset.done $0x0  }
0x14d: {  	s13 =	simm.s32 $0x1400;
	[sflag:s30] =	ssyncadd.s32 $0xFFFFE000  }
0x14e: {  	[spmem:s1] =	stream.indirect.scatter.add.f32 [tilespmem:s23], [sflag:$0x6], $0x80, s13, s22, $0xb8;
	[tilespmem:$0x1E400] =	vst v63  }
0x14f: {  	_ =	swait.ge [sflag:s19], $0x2000  }
0x150: {  	[sflag:s19] =	ssyncset.done $0x0  }
0x151: {  	s15 =	simm.s32 $0x200;
	[sflag:s19] =	ssyncadd.s32 $0xFFFFE000  }
0x152: {  	[tilespmem:s23], [sflag:$0x1] =	stream.indirect.gather [hbm4b:s4+s22], $0x80, s15, s22, $0xb8;
	[tilespmem:$0x1E400] =	vst v63  }
0x153: {  	_ =	swait.ge [sflag:s31], $0x2000  }
0x154: {  	[sflag:s31] =	ssyncset.done $0x0  }
0x155: {  	s16 =	simm.s32 $0x1480;
	[sflag:s31] =	ssyncadd.s32 $0xFFFFE000  }
0x156: {  	[spmem:s1] =	stream.indirect.scatter.add.f32 [tilespmem:s25], [sflag:$0x6], $0x80, s16, s22, $0xb8;
	[tilespmem:$0x1E400] =	vst v63  }
0x157: {  	_ =	swait.ge [sflag:s19], $0x2000  }
0x158: {  	[sflag:s19] =	ssyncset.done $0x0  }
0x159: {  	s12 =	simm.s32 $0x280;
	[sflag:s19] =	ssyncadd.s32 $0xFFFFE000  }
0x15a: {  	[tilespmem:s25], [sflag:$0x2] =	stream.indirect.gather [hbm4b:s4+s22], $0x80, s12, s22, $0xb8;
	[tilespmem:$0x1E400] =	vst v63  }
0x15b: {  	_ =	swait.ge [sflag:s0], $0x2000  }
0x15c: {  	[sflag:s0] =	ssyncset.done $0x0  }
0x15d: {  	s13 =	simm.s32 $0x1500;
	[sflag:s0] =	ssyncadd.s32 $0xFFFFE000  }
0x15e: {  	[spmem:s1] =	stream.indirect.scatter.add.f32 [tilespmem:s28], [sflag:$0x6], $0x80, s13, s22, $0xb8;
	[tilespmem:$0x1E400] =	vst v63  }
0x15f: {  	_ =	swait.ge [sflag:s19], $0x2000  }
0x160: {  	[sflag:s19] =	ssyncset.done $0x0  }
0x161: {  	s15 =	simm.s32 $0x300;
	[sflag:s19] =	ssyncadd.s32 $0xFFFFE000  }
0x162: {  	[tilespmem:s28], [sflag:$0x3] =	stream.indirect.gather [hbm4b:s4+s22], $0x80, s15, s22, $0xb8;
	[tilespmem:$0x1E400] =	vst v63  }
0x163: {  	_ =	swait.ge [sflag:s2], $0x2000  }
0x164: {  	[sflag:s2] =	ssyncset.done $0x0  }
0x165: {  	s16 =	simm.s32 $0x1580;
	[sflag:s2] =	ssyncadd.s32 $0xFFFFE000  }
0x166: {  	[spmem:s1] =	stream.indirect.scatter.add.f32 [tilespmem:s29], [sflag:$0x6], $0x80, s16, s22, $0xb8;
	[tilespmem:$0x1E400] =	vst v63  }
0x167: {  	_ =	swait.ge [sflag:s19], $0x2000  }
0x168: {  	s11 =	simm.s32 $0x200;
	s15 =	simm.s32 $0x1000;
	[sflag:s19] =	ssyncset.done $0x0  }
.LBB2_6:
0x169: {  	s16 =	sadd.s32 $0x180, s11  }
0x16a: {  	[sflag:s19] =	ssyncadd.s32 $0xFFFFE000;
	s13 =	smov.u32 s15;
	s12 =	sadd.s32 $0x800, s15  }
0x16b: {  	[tilespmem:s29], [sflag:$0x4] =	stream.indirect.gather [hbm4b:s4+s22], $0x80, s16, s22, $0xb8;
	[tilespmem:$0x1E400] =	vst v63  }
0x16c: {  	p0 =	sne.s32 s15, $0x4000;
	_ =	swait.ge [sflag:s30], $0x2000  }
0x16d: {  	[sflag:s30] =	ssyncset.done $0x0  }
0x16e: {  	s15 =	sadd.s32 $0x1400, s11;
	[sflag:s30] =	ssyncadd.s32 $0xFFFFE000  }
0x16f: {  	[spmem:s1] =	stream.indirect.scatter.add.f32 [tilespmem:s23], [sflag:$0x6], $0x80, s15, s22, $0xb8;
	[tilespmem:$0x1E400] =	vst v63  }
0x170: {  	_ =	swait.ge [sflag:s19], $0x2000  }
0x171: {  	[sflag:s19] =	ssyncset.done $0x0  }
0x172: {  	s15 =	sadd.s32 $0x200, s11;
	[sflag:s19] =	ssyncadd.s32 $0xFFFFE000  }
0x173: {  	[tilespmem:s23], [sflag:$0x1] =	stream.indirect.gather [hbm4b:s4+s22], $0x80, s15, s22, $0xb8;
	[tilespmem:$0x1E400] =	vst v63  }
0x174: {  	_ =	swait.ge [sflag:s31], $0x2000  }
0x175: {  	[sflag:s31] =	ssyncset.done $0x0  }
0x176: {  	s15 =	sadd.s32 $0x1480, s11;
	[sflag:s31] =	ssyncadd.s32 $0xFFFFE000  }
0x177: {  	[spmem:s1] =	stream.indirect.scatter.add.f32 [tilespmem:s25], [sflag:$0x6], $0x80, s15, s22, $0xb8;
	[tilespmem:$0x1E400] =	vst v63  }
0x178: {  	_ =	swait.ge [sflag:s19], $0x2000  }
0x179: {  	[sflag:s19] =	ssyncset.done $0x0  }
0x17a: {  	s15 =	sadd.s32 $0x280, s11;
	[sflag:s19] =	ssyncadd.s32 $0xFFFFE000  }
0x17b: {  	[tilespmem:s25], [sflag:$0x2] =	stream.indirect.gather [hbm4b:s4+s22], $0x80, s15, s22, $0xb8;
	[tilespmem:$0x1E400] =	vst v63  }
0x17c: {  	_ =	swait.ge [sflag:s0], $0x2000  }
0x17d: {  	[sflag:s0] =	ssyncset.done $0x0  }
0x17e: {  	s15 =	sadd.s32 $0x1500, s11;
	[sflag:s0] =	ssyncadd.s32 $0xFFFFE000  }
0x17f: {  	[spmem:s1] =	stream.indirect.scatter.add.f32 [tilespmem:s28], [sflag:$0x6], $0x80, s15, s22, $0xb8;
	[tilespmem:$0x1E400] =	vst v63  }
0x180: {  	_ =	swait.ge [sflag:s19], $0x2000  }
0x181: {  	[sflag:s19] =	ssyncset.done $0x0  }
0x182: {  	s15 =	sadd.s32 $0x300, s11;
	[sflag:s19] =	ssyncadd.s32 $0xFFFFE000  }
0x183: {  	[tilespmem:s28], [sflag:$0x3] =	stream.indirect.gather [hbm4b:s4+s22], $0x80, s15, s22, $0xb8;
	[tilespmem:$0x1E400] =	vst v63  }
0x184: {  	_ =	swait.ge [sflag:s2], $0x2000  }
.Ltmp2:
0x185: {  	[sflag:s2] =	ssyncset.done $0x0;
	(pc) =	sbr.rel @p0 .LBB2_6-.Ltmp2, $4  }
0x186: {  	s11 =	sadd.s32 $0x1580, s11;
	[sflag:s2] =	ssyncadd.s32 $0xFFFFE000  }
0x187: {  	[spmem:s1] =	stream.indirect.scatter.add.f32 [tilespmem:s29], [sflag:$0x6], $0x80, s11, s22, $0xb8;
	[tilespmem:$0x1E400] =	vst v63  }
0x188: {  	_ =	swait.ge [sflag:s19], $0x2000  }
0x189: {  	s15 =	smov.u32 s12;
	s11 =	sshra.s32 s13, $0x2;
	[sflag:s19] =	ssyncset.done $0x0  }
0x18a: {  	s12 =	sadd.s32 $0x180, s11;
	[sflag:s19] =	ssyncadd.s32 $0xFFFFE000  }
0x18b: {  	[tilespmem:s29], [sflag:$0x4] =	stream.indirect.gather [hbm4b:s4+s22], $0x80, s12, s22, $0xb8;
	[tilespmem:$0x1E400] =	vst v63  }
0x18c: {  	_ =	swait.ge [sflag:s30], $0x2000  }
0x18d: {  	[sflag:s30] =	ssyncset.done $0x0  }
0x18e: {  	s13 =	sadd.s32 $0x1400, s11;
	[sflag:s30] =	ssyncadd.s32 $0xFFFFE000  }
0x18f: {  	[spmem:s1] =	stream.indirect.scatter.add.f32 [tilespmem:s23], [sflag:$0x6], $0x80, s13, s22, $0xb8;
	[tilespmem:$0x1E400] =	vst v63  }
0x190: {  	_ =	swait.ge [sflag:s19], $0x2000  }
0x191: {  	[sflag:s19] =	ssyncset.done $0x0  }
0x192: {  	s15 =	sadd.s32 $0x200, s11;
	[sflag:s19] =	ssyncadd.s32 $0xFFFFE000  }
0x193: {  	[tilespmem:s23], [sflag:$0x1] =	stream.indirect.gather [hbm4b:s4+s22], $0x80, s15, s22, $0xb8;
	[tilespmem:$0x1E400] =	vst v63  }
0x194: {  	_ =	swait.ge [sflag:s31], $0x2000  }
0x195: {  	[sflag:s31] =	ssyncset.done $0x0  }
0x196: {  	s16 =	sadd.s32 $0x1480, s11;
	[sflag:s31] =	ssyncadd.s32 $0xFFFFE000  }
0x197: {  	[spmem:s1] =	stream.indirect.scatter.add.f32 [tilespmem:s25], [sflag:$0x6], $0x80, s16, s22, $0xb8;
	[tilespmem:$0x1E400] =	vst v63  }
0x198: {  	_ =	swait.ge [sflag:s19], $0x2000  }
0x199: {  	[sflag:s19] =	ssyncset.done $0x0  }
0x19a: {  	s13 =	sadd.s32 $0x280, s11;
	[sflag:s19] =	ssyncadd.s32 $0xFFFFE000  }
0x19b: {  	[tilespmem:s25], [sflag:$0x2] =	stream.indirect.gather [hbm4b:s4+s22], $0x80, s13, s22, $0xb8;
	[tilespmem:$0x1E400] =	vst v63  }
0x19c: {  	_ =	swait.ge [sflag:s0], $0x2000  }
0x19d: {  	[sflag:s0] =	ssyncset.done $0x0  }
0x19e: {  	s15 =	sadd.s32 $0x1500, s11;
	[sflag:s0] =	ssyncadd.s32 $0xFFFFE000  }
0x19f: {  	[spmem:s1] =	stream.indirect.scatter.add.f32 [tilespmem:s28], [sflag:$0x6], $0x80, s15, s22, $0xb8;
	[tilespmem:$0x1E400] =	vst v63  }
0x1a0: {  	_ =	swait.ge [sflag:s19], $0x2000  }
0x1a1: {  	[sflag:s19] =	ssyncset.done $0x0  }
0x1a2: {  	s16 =	sadd.s32 $0x300, s11;
	[sflag:s19] =	ssyncadd.s32 $0xFFFFE000  }
0x1a3: {  	[tilespmem:s28], [sflag:$0x3] =	stream.indirect.gather [hbm4b:s4+s22], $0x80, s16, s22, $0xb8;
	[tilespmem:$0x1E400] =	vst v63  }
0x1a4: {  	_ =	swait.ge [sflag:s2], $0x2000  }
0x1a5: {  	[sflag:s2] =	ssyncset.done $0x0  }
0x1a6: {  	s12 =	sadd.s32 $0x1580, s11;
	[sflag:s2] =	ssyncadd.s32 $0xFFFFE000  }
0x1a7: {  	[spmem:s1] =	stream.indirect.scatter.add.f32 [tilespmem:s29], [sflag:$0x6], $0x80, s12, s22, $0xb8;
	[tilespmem:$0x1E400] =	vst v63  }
0x1a8: {  	_ =	swait.ge [sflag:s19], $0x2000  }
0x1a9: {  	[sflag:s19] =	ssyncset.done $0x0  }
0x1aa: {  	[sflag:s19] =	ssyncadd.s32 $0xFFFFE000  }
0x1ab: {  	[tilespmem:s29], [sflag:$0x4] =	stream.indirect.gather [hbm4b:s4+s22], $0x80, s5, s22, $0xb8;
	[tilespmem:$0x1E400] =	vst v63  }
0x1ac: {  	_ =	swait.ge [sflag:s30], $0x2000  }
0x1ad: {  	[sflag:s30] =	ssyncset.done $0x0  }
0x1ae: {  	[sflag:s30] =	ssyncadd.s32 $0xFFFFE000  }
0x1af: {  	[spmem:s1] =	stream.indirect.scatter.add.f32 [tilespmem:s23], [sflag:$0x6], $0x80, s6, s22, $0xb8;
	[tilespmem:$0x1E400] =	vst v63  }
0x1b0: {  	_ =	swait.ge [sflag:s19], $0x2000  }
0x1b1: {  	[sflag:s19] =	ssyncset.done $0x0  }
0x1b2: {  	[sflag:s19] =	ssyncadd.s32 $0xFFFFE000  }
0x1b3: {  	_ =	swait.ge [sflag:s31], $0x2000  }
0x1b4: {  	[sflag:s31] =	ssyncset.done $0x0  }
0x1b5: {  	[sflag:s31] =	ssyncadd.s32 $0xFFFFE000  }
0x1b6: {  	[spmem:s1] =	stream.indirect.scatter.add.f32 [tilespmem:s25], [sflag:$0x6], $0x80, s7, s22, $0xb8;
	[tilespmem:$0x1E400] =	vst v63  }
0x1b7: {  	_ =	swait.ge [sflag:s19], $0x2000  }
0x1b8: {  	[sflag:s19] =	ssyncset.done $0x0  }
0x1b9: {  	[sflag:s19] =	ssyncadd.s32 $0xFFFFE000  }
0x1ba: {  	_ =	swait.ge [sflag:s0], $0x2000  }
0x1bb: {  	[sflag:s0] =	ssyncset.done $0x0  }
0x1bc: {  	[sflag:s0] =	ssyncadd.s32 $0xFFFFE000  }
0x1bd: {  	[spmem:s1] =	stream.indirect.scatter.add.f32 [tilespmem:s28], [sflag:$0x6], $0x80, s8, s22, $0xb8;
	[tilespmem:$0x1E400] =	vst v63  }
0x1be: {  	_ =	swait.ge [sflag:s19], $0x2000  }
0x1bf: {  	[sflag:s19] =	ssyncset.done $0x0  }
0x1c0: {  	[sflag:s19] =	ssyncadd.s32 $0xFFFFE000  }
0x1c1: {  	_ =	swait.ge [sflag:s2], $0x2000  }
0x1c2: {  	[sflag:s2] =	ssyncset.done $0x0  }
0x1c3: {  	[sflag:s2] =	ssyncadd.s32 $0xFFFFE000  }
0x1c4: {  	[spmem:s1] =	stream.indirect.scatter.add.f32 [tilespmem:s29], [sflag:$0x6], $0x80, s9, s22, $0xb8;
	[tilespmem:$0x1E400] =	vst v63  }
0x1c5: {  	_ =	swait.ge [sflag:s19], $0x2000  }
0x1c6: {  	[sflag:s19] =	ssyncset.done $0x0  }
0x1c7: {  	s13 =	simm.s32 $0x0;
	s15 =	rddreg [dreg:$0xa];
	[sflag:s19] =	ssyncadd.s32 $0xFFFFE000  }
0x1c8: {  	[tilespmem:s13], [sflag:$0x6] =	stream.linear.gather [hbm4b:s15+s13], $0x1400, $0x38;
	[tilespmem:$0x1E400] =	vst v63  }
0x1c9: {  	_ =	swait.ge [sflag:s19], $0x1400  }
0x1ca: {  	[sflag:s19] =	ssyncset.done $0x0  }
0x1cb: {  	s16 =	rddreg [dreg:$0xb];
	[sflag:s19] =	ssyncadd.s32 $0xFFFFEC00  }
0x1cc: {  	[tilespmem:s20], [sflag:$0x6] =	stream.linear.gather [hbm4b:s16+s13], $0x1400, $0x38;
	[tilespmem:$0x1E400] =	vst v63  }
0x1cd: {  	_ =	swait.ge [sflag:s19], $0x1400  }
0x1ce: {  	[sflag:s19] =	ssyncset.done $0x0  }
0x1cf: {  	[sflag:s19] =	ssyncadd.s32 $0xFFFFEC00  }
0x1d0: {  	[tilespmem:s23], [sflag:$0x1] =	stream.indirect.gather [hbm4b:s4+s22], $0x80, s13, s22, $0xb8;
	[tilespmem:$0x1E400] =	vst v63  }
0x1d1: {  	_ = 	snop  }
0x1d2: {  	[tilespmem:s25], [sflag:$0x2] =	stream.indirect.gather [hbm4b:s4+s22], $0x80, s24, s22, $0xb8;
	[tilespmem:$0x1E400] =	vst v63  }
0x1d3: {  	_ = 	snop  }
0x1d4: {  	[tilespmem:s28], [sflag:$0x3] =	stream.indirect.gather [hbm4b:s4+s22], $0x80, s26, s22, $0xb8;
	[tilespmem:$0x1E400] =	vst v63  }
0x1d5: {  	s12 =	simm.s32 $0x180  }
0x1d6: {  	[tilespmem:s29], [sflag:$0x4] =	stream.indirect.gather [hbm4b:s4+s22], $0x80, s12, s22, $0xb8;
	[tilespmem:$0x1E400] =	vst v63  }
0x1d7: {  	_ =	swait.ge [sflag:s30], $0x2000  }
0x1d8: {  	[sflag:s30] =	ssyncset.done $0x0  }
0x1d9: {  	s13 =	simm.s32 $0x1400;
	[sflag:s30] =	ssyncadd.s32 $0xFFFFE000  }
0x1da: {  	[spmem:s1] =	stream.indirect.scatter.add.f32 [tilespmem:s23], [sflag:$0x6], $0x80, s13, s22, $0xb8;
	[tilespmem:$0x1E400] =	vst v63  }
0x1db: {  	_ =	swait.ge [sflag:s19], $0x2000  }
0x1dc: {  	[sflag:s19] =	ssyncset.done $0x0  }
0x1dd: {  	s15 =	simm.s32 $0x200;
	[sflag:s19] =	ssyncadd.s32 $0xFFFFE000  }
0x1de: {  	[tilespmem:s23], [sflag:$0x1] =	stream.indirect.gather [hbm4b:s4+s22], $0x80, s15, s22, $0xb8;
	[tilespmem:$0x1E400] =	vst v63  }
0x1df: {  	_ =	swait.ge [sflag:s31], $0x2000  }
0x1e0: {  	[sflag:s31] =	ssyncset.done $0x0  }
0x1e1: {  	s16 =	simm.s32 $0x1480;
	[sflag:s31] =	ssyncadd.s32 $0xFFFFE000  }
0x1e2: {  	[spmem:s1] =	stream.indirect.scatter.add.f32 [tilespmem:s25], [sflag:$0x6], $0x80, s16, s22, $0xb8;
	[tilespmem:$0x1E400] =	vst v63  }
0x1e3: {  	_ =	swait.ge [sflag:s19], $0x2000  }
0x1e4: {  	[sflag:s19] =	ssyncset.done $0x0  }
0x1e5: {  	s12 =	simm.s32 $0x280;
	[sflag:s19] =	ssyncadd.s32 $0xFFFFE000  }
0x1e6: {  	[tilespmem:s25], [sflag:$0x2] =	stream.indirect.gather [hbm4b:s4+s22], $0x80, s12, s22, $0xb8;
	[tilespmem:$0x1E400] =	vst v63  }
0x1e7: {  	_ =	swait.ge [sflag:s0], $0x2000  }
0x1e8: {  	[sflag:s0] =	ssyncset.done $0x0  }
0x1e9: {  	s13 =	simm.s32 $0x1500;
	[sflag:s0] =	ssyncadd.s32 $0xFFFFE000  }
0x1ea: {  	[spmem:s1] =	stream.indirect.scatter.add.f32 [tilespmem:s28], [sflag:$0x6], $0x80, s13, s22, $0xb8;
	[tilespmem:$0x1E400] =	vst v63  }
0x1eb: {  	_ =	swait.ge [sflag:s19], $0x2000  }
0x1ec: {  	[sflag:s19] =	ssyncset.done $0x0  }
0x1ed: {  	s15 =	simm.s32 $0x300;
	[sflag:s19] =	ssyncadd.s32 $0xFFFFE000  }
0x1ee: {  	[tilespmem:s28], [sflag:$0x3] =	stream.indirect.gather [hbm4b:s4+s22], $0x80, s15, s22, $0xb8;
	[tilespmem:$0x1E400] =	vst v63  }
0x1ef: {  	_ =	swait.ge [sflag:s2], $0x2000  }
0x1f0: {  	[sflag:s2] =	ssyncset.done $0x0  }
0x1f1: {  	s16 =	simm.s32 $0x1580;
	[sflag:s2] =	ssyncadd.s32 $0xFFFFE000  }
0x1f2: {  	[spmem:s1] =	stream.indirect.scatter.add.f32 [tilespmem:s29], [sflag:$0x6], $0x80, s16, s22, $0xb8;
	[tilespmem:$0x1E400] =	vst v63  }
0x1f3: {  	_ =	swait.ge [sflag:s19], $0x2000  }
0x1f4: {  	s11 =	simm.s32 $0x200;
	s15 =	simm.s32 $0x1000;
	[sflag:s19] =	ssyncset.done $0x0  }
.LBB2_8:
0x1f5: {  	s16 =	sadd.s32 $0x180, s11  }
0x1f6: {  	[sflag:s19] =	ssyncadd.s32 $0xFFFFE000;
	s13 =	smov.u32 s15;
	s12 =	sadd.s32 $0x800, s15  }
0x1f7: {  	[tilespmem:s29], [sflag:$0x4] =	stream.indirect.gather [hbm4b:s4+s22], $0x80, s16, s22, $0xb8;
	[tilespmem:$0x1E400] =	vst v63  }
0x1f8: {  	p0 =	sne.s32 s15, $0x4000;
	_ =	swait.ge [sflag:s30], $0x2000  }
0x1f9: {  	[sflag:s30] =	ssyncset.done $0x0  }
0x1fa: {  	s15 =	sadd.s32 $0x1400, s11;
	[sflag:s30] =	ssyncadd.s32 $0xFFFFE000  }
0x1fb: {  	[spmem:s1] =	stream.indirect.scatter.add.f32 [tilespmem:s23], [sflag:$0x6], $0x80, s15, s22, $0xb8;
	[tilespmem:$0x1E400] =	vst v63  }
0x1fc: {  	_ =	swait.ge [sflag:s19], $0x2000  }
0x1fd: {  	[sflag:s19] =	ssyncset.done $0x0  }
0x1fe: {  	s15 =	sadd.s32 $0x200, s11;
	[sflag:s19] =	ssyncadd.s32 $0xFFFFE000  }
0x1ff: {  	[tilespmem:s23], [sflag:$0x1] =	stream.indirect.gather [hbm4b:s4+s22], $0x80, s15, s22, $0xb8;
	[tilespmem:$0x1E400] =	vst v63  }
0x200: {  	_ =	swait.ge [sflag:s31], $0x2000  }
0x201: {  	[sflag:s31] =	ssyncset.done $0x0  }
0x202: {  	s15 =	sadd.s32 $0x1480, s11;
	[sflag:s31] =	ssyncadd.s32 $0xFFFFE000  }
0x203: {  	[spmem:s1] =	stream.indirect.scatter.add.f32 [tilespmem:s25], [sflag:$0x6], $0x80, s15, s22, $0xb8;
	[tilespmem:$0x1E400] =	vst v63  }
0x204: {  	_ =	swait.ge [sflag:s19], $0x2000  }
0x205: {  	[sflag:s19] =	ssyncset.done $0x0  }
0x206: {  	s15 =	sadd.s32 $0x280, s11;
	[sflag:s19] =	ssyncadd.s32 $0xFFFFE000  }
0x207: {  	[tilespmem:s25], [sflag:$0x2] =	stream.indirect.gather [hbm4b:s4+s22], $0x80, s15, s22, $0xb8;
	[tilespmem:$0x1E400] =	vst v63  }
0x208: {  	_ =	swait.ge [sflag:s0], $0x2000  }
0x209: {  	[sflag:s0] =	ssyncset.done $0x0  }
0x20a: {  	s15 =	sadd.s32 $0x1500, s11;
	[sflag:s0] =	ssyncadd.s32 $0xFFFFE000  }
0x20b: {  	[spmem:s1] =	stream.indirect.scatter.add.f32 [tilespmem:s28], [sflag:$0x6], $0x80, s15, s22, $0xb8;
	[tilespmem:$0x1E400] =	vst v63  }
0x20c: {  	_ =	swait.ge [sflag:s19], $0x2000  }
0x20d: {  	[sflag:s19] =	ssyncset.done $0x0  }
0x20e: {  	s15 =	sadd.s32 $0x300, s11;
	[sflag:s19] =	ssyncadd.s32 $0xFFFFE000  }
0x20f: {  	[tilespmem:s28], [sflag:$0x3] =	stream.indirect.gather [hbm4b:s4+s22], $0x80, s15, s22, $0xb8;
	[tilespmem:$0x1E400] =	vst v63  }
0x210: {  	_ =	swait.ge [sflag:s2], $0x2000  }
.Ltmp3:
0x211: {  	[sflag:s2] =	ssyncset.done $0x0;
	(pc) =	sbr.rel @p0 .LBB2_8-.Ltmp3, $4  }
0x212: {  	s11 =	sadd.s32 $0x1580, s11;
	[sflag:s2] =	ssyncadd.s32 $0xFFFFE000  }
0x213: {  	[spmem:s1] =	stream.indirect.scatter.add.f32 [tilespmem:s29], [sflag:$0x6], $0x80, s11, s22, $0xb8;
	[tilespmem:$0x1E400] =	vst v63  }
0x214: {  	_ =	swait.ge [sflag:s19], $0x2000  }
0x215: {  	s15 =	smov.u32 s12;
	s11 =	sshra.s32 s13, $0x2;
	[sflag:s19] =	ssyncset.done $0x0  }
0x216: {  	s12 =	sadd.s32 $0x180, s11;
	[sflag:s19] =	ssyncadd.s32 $0xFFFFE000  }
0x217: {  	[tilespmem:s29], [sflag:$0x4] =	stream.indirect.gather [hbm4b:s4+s22], $0x80, s12, s22, $0xb8;
	[tilespmem:$0x1E400] =	vst v63  }
0x218: {  	_ =	swait.ge [sflag:s30], $0x2000  }
0x219: {  	[sflag:s30] =	ssyncset.done $0x0  }
0x21a: {  	s13 =	sadd.s32 $0x1400, s11;
	[sflag:s30] =	ssyncadd.s32 $0xFFFFE000  }
0x21b: {  	[spmem:s1] =	stream.indirect.scatter.add.f32 [tilespmem:s23], [sflag:$0x6], $0x80, s13, s22, $0xb8;
	[tilespmem:$0x1E400] =	vst v63  }
0x21c: {  	_ =	swait.ge [sflag:s19], $0x2000  }
0x21d: {  	[sflag:s19] =	ssyncset.done $0x0  }
0x21e: {  	s15 =	sadd.s32 $0x200, s11;
	[sflag:s19] =	ssyncadd.s32 $0xFFFFE000  }
0x21f: {  	[tilespmem:s23], [sflag:$0x1] =	stream.indirect.gather [hbm4b:s4+s22], $0x80, s15, s22, $0xb8;
	[tilespmem:$0x1E400] =	vst v63  }
0x220: {  	_ =	swait.ge [sflag:s31], $0x2000  }
0x221: {  	[sflag:s31] =	ssyncset.done $0x0  }
0x222: {  	s16 =	sadd.s32 $0x1480, s11;
	[sflag:s31] =	ssyncadd.s32 $0xFFFFE000  }
0x223: {  	[spmem:s1] =	stream.indirect.scatter.add.f32 [tilespmem:s25], [sflag:$0x6], $0x80, s16, s22, $0xb8;
	[tilespmem:$0x1E400] =	vst v63  }
0x224: {  	_ =	swait.ge [sflag:s19], $0x2000  }
0x225: {  	[sflag:s19] =	ssyncset.done $0x0  }
0x226: {  	s13 =	sadd.s32 $0x280, s11;
	[sflag:s19] =	ssyncadd.s32 $0xFFFFE000  }
0x227: {  	[tilespmem:s25], [sflag:$0x2] =	stream.indirect.gather [hbm4b:s4+s22], $0x80, s13, s22, $0xb8;
	[tilespmem:$0x1E400] =	vst v63  }
0x228: {  	_ =	swait.ge [sflag:s0], $0x2000  }
0x229: {  	[sflag:s0] =	ssyncset.done $0x0  }
0x22a: {  	s15 =	sadd.s32 $0x1500, s11;
	[sflag:s0] =	ssyncadd.s32 $0xFFFFE000  }
0x22b: {  	[spmem:s1] =	stream.indirect.scatter.add.f32 [tilespmem:s28], [sflag:$0x6], $0x80, s15, s22, $0xb8;
	[tilespmem:$0x1E400] =	vst v63  }
0x22c: {  	_ =	swait.ge [sflag:s19], $0x2000  }
0x22d: {  	[sflag:s19] =	ssyncset.done $0x0  }
0x22e: {  	s16 =	sadd.s32 $0x300, s11;
	[sflag:s19] =	ssyncadd.s32 $0xFFFFE000  }
0x22f: {  	[tilespmem:s28], [sflag:$0x3] =	stream.indirect.gather [hbm4b:s4+s22], $0x80, s16, s22, $0xb8;
	[tilespmem:$0x1E400] =	vst v63  }
0x230: {  	_ =	swait.ge [sflag:s2], $0x2000  }
0x231: {  	[sflag:s2] =	ssyncset.done $0x0  }
0x232: {  	s12 =	sadd.s32 $0x1580, s11;
	[sflag:s2] =	ssyncadd.s32 $0xFFFFE000  }
0x233: {  	[spmem:s1] =	stream.indirect.scatter.add.f32 [tilespmem:s29], [sflag:$0x6], $0x80, s12, s22, $0xb8;
	[tilespmem:$0x1E400] =	vst v63  }
0x234: {  	_ =	swait.ge [sflag:s19], $0x2000  }
0x235: {  	[sflag:s19] =	ssyncset.done $0x0  }
0x236: {  	[sflag:s19] =	ssyncadd.s32 $0xFFFFE000  }
0x237: {  	[tilespmem:s29], [sflag:$0x4] =	stream.indirect.gather [hbm4b:s4+s22], $0x80, s5, s22, $0xb8;
	[tilespmem:$0x1E400] =	vst v63  }
0x238: {  	_ =	swait.ge [sflag:s30], $0x2000  }
0x239: {  	[sflag:s30] =	ssyncset.done $0x0  }
0x23a: {  	[sflag:s30] =	ssyncadd.s32 $0xFFFFE000  }
0x23b: {  	[spmem:s1] =	stream.indirect.scatter.add.f32 [tilespmem:s23], [sflag:$0x6], $0x80, s6, s22, $0xb8;
	[tilespmem:$0x1E400] =	vst v63  }
0x23c: {  	_ =	swait.ge [sflag:s19], $0x2000  }
0x23d: {  	[sflag:s19] =	ssyncset.done $0x0  }
0x23e: {  	[sflag:s19] =	ssyncadd.s32 $0xFFFFE000  }
0x23f: {  	_ =	swait.ge [sflag:s31], $0x2000  }
0x240: {  	[sflag:s31] =	ssyncset.done $0x0  }
0x241: {  	[sflag:s31] =	ssyncadd.s32 $0xFFFFE000  }
0x242: {  	[spmem:s1] =	stream.indirect.scatter.add.f32 [tilespmem:s25], [sflag:$0x6], $0x80, s7, s22, $0xb8;
	[tilespmem:$0x1E400] =	vst v63  }
0x243: {  	_ =	swait.ge [sflag:s19], $0x2000  }
0x244: {  	[sflag:s19] =	ssyncset.done $0x0  }
0x245: {  	[sflag:s19] =	ssyncadd.s32 $0xFFFFE000  }
0x246: {  	_ =	swait.ge [sflag:s0], $0x2000  }
0x247: {  	[sflag:s0] =	ssyncset.done $0x0  }
0x248: {  	[sflag:s0] =	ssyncadd.s32 $0xFFFFE000  }
0x249: {  	[spmem:s1] =	stream.indirect.scatter.add.f32 [tilespmem:s28], [sflag:$0x6], $0x80, s8, s22, $0xb8;
	[tilespmem:$0x1E400] =	vst v63  }
0x24a: {  	_ =	swait.ge [sflag:s19], $0x2000  }
0x24b: {  	[sflag:s19] =	ssyncset.done $0x0  }
0x24c: {  	[sflag:s19] =	ssyncadd.s32 $0xFFFFE000  }
0x24d: {  	_ =	swait.ge [sflag:s2], $0x2000  }
0x24e: {  	[sflag:s2] =	ssyncset.done $0x0  }
0x24f: {  	[sflag:s2] =	ssyncadd.s32 $0xFFFFE000  }
0x250: {  	[spmem:s1] =	stream.indirect.scatter.add.f32 [tilespmem:s29], [sflag:$0x6], $0x80, s9, s22, $0xb8;
	[tilespmem:$0x1E400] =	vst v63  }
0x251: {  	_ =	swait.ge [sflag:s19], $0x2000  }
0x252: {  	[sflag:s19] =	ssyncset.done $0x0  }
0x253: {  	[sflag:s19] =	ssyncadd.s32 $0xFFFFE000  }
0x254: {  	[bflag:$0x0] =	sbarrier.arrive $0xFFFF  }
0x255: {  	s13 =	sor.u32 $0x1C06, s14;
	s15 =	rddreg [dreg:$0xc]  }
0x256: {  	[hbm:s15], [sflag:s13] =	dma.local [spmem:s18], $0x2780  }
0x257: {  	_ =	swait.ge [sflag:s19], $0x2780  }
0x258: {  	s10 =	sadd.s32 $0x1, s10;
	s16 =	rddreg [dreg:$0xd]  }
0x259: {  	p0 =	sne.s32 s10, s16  }
.Ltmp4:
0x25a: {  	_ = 	snop;
	(pc) =	sbr.rel @p0 .LBB2_1-.Ltmp4, $3  }
0x25b: {  	_ =	sdelay $0x1  }
0x25c: {  	[sflag:s19] =	ssyncset.done $0x0  }
0x25d: {  	[sflag:s19] =	ssyncadd.s32 $0xFFFFD880  }
0x25e: {  	_ =	sfence.sel $0x180000  }
0x25f: {  	[bflag:$0x0] =	sbarrier.arrive $0xFFFF  }
0x260: {  	_ =	strace $0x9000004A  }
0x261: {  	s0 =	stileid.u32;
	[bflag:$0x2] =	sbarrier.arrive $0xFFFF  }
0x262: {  	p0 =	sne.s32 s0, $0x0;
	s0 =	rddreg [dreg:$0x3]  }
0x263: {  	s0 =	sadd.s32 @!p0 $0x100000, s0  }
0x264: {  	[sflag:s0] =	ssyncadd.tile.s32 @!p0 $0x1;
	_ =	shalt  }
.Lfunc_end2:
_tile_overlayer_lowered:
.L_overlay_start_2:
0x265: {  	(tag) =	ssettag $0x2  }
0x266: {  	s0 =	rddreg [dreg:$0x0];
	s2 =	stileid.u32  }
0x267: {  	s1 =	rddreg [dreg:$0x1];
	p0 =	sne.s32 s2, $0x0  }
0x268: {  	s3 =	rddreg [dreg:$0x2];
	[bflag:$0x3] =	sbarrier.arrive $0xFFFF;
	s2 =	simm.s32 @!p0 $0x1C06  }
0x269: {  	[timem:s3], [sflag:s2] =	dma.local @!p0 [hbm:s0], s1  }
0x26a: {  	s0 =	simm.s32 @!p0 $0x6  }
0x26b: {  	_ =	swait.ge @!p0 [sflag:s0], s1  }
0x26c: {  	s1 =	ssub.s32 @!p0 $0x0, s1;
	[sflag:s0] =	ssyncset.done @!p0 $0x0  }
0x26d: {  	[sflag:s0] =	ssyncadd.s32 @!p0 s1  }
0x26e: {  	[bflag:$0x3] =	sbarrier.arrive $0xFFFF  }
0x26f: {  	_ =	shalt  }

// kernel: kernel.8.cloned.1.call-start
scs
__scs_entry_jumppad:
0x0: {  	(pc) =	sbr.rel $0x88, $3  }
0x1: {  	(tag) =	ssettag $0x0;
	lr =	simm.s32 $0x1  }
0x2: {  	[smem:$0x3F9D] =	sst lr;
	_ =	strace $0xD0000000  }
0x3: {  	_ = 	snop  }
0x4: {  	_ = 	snop  }
0x5: {  	_ = 	snop  }
0x6: {  	_ = 	snop  }
0x7: {  	_ = 	snop  }
__scs_overlays_trampoline_lowered:
0x8: {  	[smem:$0x3FAC] =	sst s0  }
0x9: {  	[smem:$0x3FAD] =	sst s1  }
0xa: {  	[smem:$0x3FAE] =	sst s2  }
0xb: {  	[smem:$0x3FAF] =	sst s3  }
0xc: {  	[smem:$0x3FB0] =	sst s4  }
0xd: {  	[smem:$0x3FB1] =	sst s5  }
0xe: {  	[smem:$0x3FB2] =	sst s6  }
0xf: {  	[smem:$0x3FB3] =	sst s7  }
0x10: {  	[smem:$0x3FB4] =	sst s8  }
0x11: {  	[smem:$0x3FB5] =	sst s9;
	s0 =	simm.s32 @!p0 $0x0  }
0x12: {  	s1 =	sld [smem:$0x3F9B];
	s0 =	simm.s32 @p0 $0x1  }
0x13: {  	[smem:$0x3FB6] =	sst s0;
	s0 =	simm.s32 @!p1 $0x0  }
0x14: {  	s2 =	sld [smem:$0x3F9A];
	s0 =	simm.s32 @p1 $0x1  }
0x15: {  	[smem:$0x3FB7] =	sst s0;
	s0 =	simm.s32 @!p2 $0x0  }
0x16: {  	s3 =	sld [smem:$0x3FDB];
	s0 =	simm.s32 @p2 $0x1  }
0x17: {  	s4 =	simm.s32 $0x1BF5;
	[smem:$0x3FB9] =	sst s0  }
0x18: {  	s0 =	sld [smem:$0x3F9C];
	_ =	swait.ge [sflag:s4], $0x0  }
0x19: {  	s7 =	sld [smem:$0x3F9D]  }
0x1a: {  	s8 =	sadd.s32 $0xFFFFE003, lr  }
0x1b: {  	s9 =	sadd.s32 $0xFFFFFEF7, lr;
	s5 =	simm.s32 $0xFFFFFFFF;
	p2 =	slt.u32 s8, $0xFFFFF086  }
0x1c: {  	p1 =	slt.u32 s9, $0xF7A;
	s5 =	simm.s32 @!p2 $0x0  }
0x1d: {  	s5 =	simm.s32 @p1 $0x1;
	p0 =	seq.s32 s7, s2  }
0x1e: {  	s7 =	smul.u32 @!p0 $0xF7A, s2;
	p2 =	seq.s32 @!p0 s5, $0x0  }
0x1f: {  	s9 =	smul.u32 $0xF7A, s1;
	s8 =	simm.s32 @!p0 $0x1BF5;
	p2 =	por !p2, p0  }
0x20: {  	[sflag:s8] =	ssyncset.s32 @!p0 $0xFFFFF086;
	s6 =	sadd.s32 @!p0 s3, s7;
	s7 =	simm.s32 @!p0 $0x108  }
0x21: {  	s3 =	sadd.s32 s3, s9;
	s6 =	sadd.s32 @!p0 $0x88, s6;
	s7 =	simm.s32 @p2 $0x1082  }
0x22: {  	[simem:s7], [sflag:s8] =	dma.local @!p0 [hbm:s6], $0xF7A  }
0x23: {  	s9 =	sor.u32 $0xD0000000, s2;
	s6 =	simm.s32 $0x108;
	_ =	swait.ge @!p0 [sflag:s8], $0x0  }
0x24: {  	s3 =	sadd.s32 $0x88, s3;
	s6 =	simm.s32 @!p1 $0x1082;
	[sflag:s4] =	ssyncset.s32 $0xFFFFF086  }
0x25: {  	[simem:s6], [sflag:s4] =	dma.local [hbm:s3], $0xF7A  }
0x26: {  	[smem:$0x3F9D] =	sst s1;
	(tag) =	ssettag s2;
	_ =	strace s9  }
0x27: {  	s1 =	sld [smem:$0x3FAD]  }
0x28: {  	s2 =	sld [smem:$0x3FAE]  }
0x29: {  	s4 =	sld [smem:$0x3FB0]  }
0x2a: {  	p0 =	seq.s32 s5, $0x0;
	s5 =	sld [smem:$0x3FB1]  }
0x2b: {  	s6 =	sld [smem:$0x3FB2]  }
0x2c: {  	s7 =	sld [smem:$0x3FB3]  }
0x2d: {  	s3 =	simm.s32 $0x108;
	s8 =	sld [smem:$0x3FB4]  }
0x2e: {  	s3 =	simm.s32 @!p0 $0x1082;
	s9 =	sld [smem:$0x3FB5]  }
0x2f: {  	lr =	sadd.s32 s0, s3;
	s0 =	sld [smem:$0x3FAC]  }
0x30: {  	s3 =	sld [smem:$0x3FAF]  }
0x31: {  	[smem:$0x3FB8] =	sst s10  }
0x32: {  	s10 =	sld [smem:$0x3FB6];
	_ =	sdelay $0x3  }
0x33: {  	p0 =	seq.s32 s10, $0x1;
	s10 =	sld [smem:$0x3FB8];
	_ =	sdelay $0x3  }
0x34: {  	[smem:$0x3FB8] =	sst s10  }
0x35: {  	s10 =	sld [smem:$0x3FB7];
	_ =	sdelay $0x3  }
0x36: {  	p1 =	seq.s32 s10, $0x1;
	s10 =	sld [smem:$0x3FB8];
	_ =	sdelay $0x3  }
0x37: {  	[smem:$0x3FB8] =	sst s10  }
0x38: {  	s10 =	sld [smem:$0x3FB9]  }
0x39: {  	_ = 	snop;
	(pc) =	sbr.ind lr, $3  }
0x3a: {  	_ = 	snop  }
0x3b: {  	_ = 	snop  }
0x3c: {  	p2 =	seq.s32 s10, $0x1;
	s10 =	sld [smem:$0x3FB8]  }
0x3d: {  	_ =	shalt  }
0x3e: {  	_ =	shalt  }
0x3f: {  	_ =	shalt  }
0x40: {  	_ =	shalt  }
0x41: {  	_ =	shalt  }
0x42: {  	_ =	shalt  }
0x43: {  	_ =	shalt  }
0x44: {  	_ =	shalt  }
0x45: {  	_ =	shalt  }
0x46: {  	_ =	shalt  }
0x47: {  	_ =	shalt  }
0x48: {  	_ =	shalt  }
0x49: {  	_ =	shalt  }
0x4a: {  	_ =	shalt  }
0x4b: {  	_ =	shalt  }
0x4c: {  	_ =	shalt  }
0x4d: {  	_ =	shalt  }
0x4e: {  	_ =	shalt  }
0x4f: {  	_ =	shalt  }
0x50: {  	_ =	shalt  }
0x51: {  	_ =	shalt  }
0x52: {  	_ =	shalt  }
0x53: {  	_ =	shalt  }
0x54: {  	_ =	shalt  }
0x55: {  	_ =	shalt  }
0x56: {  	_ =	shalt  }
0x57: {  	_ =	shalt  }
0x58: {  	_ =	shalt  }
0x59: {  	_ =	shalt  }
0x5a: {  	_ =	shalt  }
0x5b: {  	_ =	shalt  }
0x5c: {  	_ =	shalt  }
0x5d: {  	_ =	shalt  }
0x5e: {  	_ =	shalt  }
0x5f: {  	_ =	shalt  }
0x60: {  	_ =	shalt  }
0x61: {  	_ =	shalt  }
0x62: {  	_ =	shalt  }
0x63: {  	_ =	shalt  }
0x64: {  	_ =	shalt  }
0x65: {  	_ =	shalt  }
0x66: {  	_ =	shalt  }
0x67: {  	_ =	shalt  }
0x68: {  	_ =	shalt  }
0x69: {  	_ =	shalt  }
0x6a: {  	_ =	shalt  }
0x6b: {  	_ =	shalt  }
0x6c: {  	_ =	shalt  }
0x6d: {  	_ =	shalt  }
0x6e: {  	_ =	shalt  }
0x6f: {  	_ =	shalt  }
0x70: {  	_ =	shalt  }
0x71: {  	_ =	shalt  }
0x72: {  	_ =	shalt  }
0x73: {  	_ =	shalt  }
0x74: {  	_ =	shalt  }
0x75: {  	_ =	shalt  }
0x76: {  	_ =	shalt  }
0x77: {  	_ =	shalt  }
0x78: {  	_ =	shalt  }
0x79: {  	_ =	shalt  }
0x7a: {  	_ =	shalt  }
0x7b: {  	_ =	shalt  }
0x7c: {  	_ =	shalt  }
0x7d: {  	_ =	shalt  }
0x7e: {  	_ =	shalt  }
0x7f: {  	_ =	shalt  }
0x80: {  	_ =	shalt  }
0x81: {  	_ =	shalt  }
0x82: {  	_ =	shalt  }
0x83: {  	_ =	shalt  }
0x84: {  	_ =	shalt  }
0x85: {  	_ =	shalt  }
0x86: {  	_ =	shalt  }
0x87: {  	_ =	shalt  }
.Lfunc_end0:
.L_simem_size_0:
called_computation_lowered:
.L_overlay_start_0:
0x88: {  	s2 =	sld [smem:$0x3FD9]  }
0x89: {  	s3 =	sld [smem:$0x3FFE];
	_ =	sdelay $0x1  }
0x8a: {  	s1 =	srdreg.scid  }
0x8b: {  	s0 =	sand.u32 $0x1, s1  }
0x8c: {  	s17 =	sshll.u32 s0, $0xA;
	s2 =	sadd.s32 s3, s2  }
0x8d: {  	s2 =	sadd.s32 s2, s17  }
0x8e: {  	[smem:$0x3FC4] =	sst s2  }
0x8f: {  	_ = 	snop  }
0x90: {  	s2 =	sld [smem:$0x3FD0];
	(tm) =	ssettm $0x1  }
0x91: {  	s18 =	sld [smem:$0x3FFB];
	_ =	sdelay $0x3  }
0x92: {  	_ =	strace s18  }
0x93: {  	s3 =	sld [smem:$0x3FFC];
	_ =	sdelay $0x3  }
0x94: {  	_ =	strace s3  }
0x95: {  	s3 =	sld [smem:$0x3FFD];
	_ =	sdelay $0x3  }
0x96: {  	_ =	strace s3  }
0x97: {  	_ =	strace $0x8FFFFFFF  }
0x98: {  	s19 =	sld [smem:$0x3FDB];
	_ =	sdelay $0x1  }
0x99: {  	s4 =	simm.s32 $_scs_section_size  }
0x9a: {  	s5 =	simm.s32 $_size__tile_overlayer_lowered;
	s6 =	simm.s32 $_tile_overlayer_lowered  }
0x9b: {  	s22 =	simm.s32 $0x1BFF;
	s21 =	sshll.u32 s6, $0x1;
	s3 =	sadd.s32 s4, s19  }
0x9c: {  	s7 =	simm.s32 $0x0;
	s20 =	sshll.u32 s5, $0x1;
	s5 =	sadd.s32 s21, s3  }
0x9d: {  	[timem:s7], [sflag:s22] =	dma.local [hbm:s5], s20  }
0x9e: {  	_ =	swait.ge [sflag:s22], s20  }
0x9f: {  	s4 =	ssub.s32 $0x0, s20;
	[sflag:s22] =	ssyncset.done $0x0  }
0xa0: {  	[sflag:s22] =	ssyncadd.s32 s4;
	_ =	sdelay $0x1  }
0xa1: {  	s23 =	simm.s32 $0x1B8B  }
0xa2: {  	_ =	swait.ge [sflag:s23], $0x1  }
0xa3: {  	[sflag:s23] =	ssyncset.done $0x0  }
0xa4: {  	s25 =	simm.s32 $0x1B8E;
	s24 =	sld [smem:$0x3FFE];
	[sflag:s23] =	ssyncadd.s32 $0xFFFFFFFF  }
0xa5: {  	s26 =	simm.s32 $execute0_lowered;
	[smem:$0x3FD2] =	sst s25  }
0xa6: {  	s5 =	sshll.u32 s26, $0x1;
	_ =	strace $0x80000046;
	[dreg:$0x1] =	wrdreg $0xFFFFFFFF  }
0xa7: {  	s28 =	simm.s32 $_size_execute0_lowered;
	s3 =	sadd.s32 s3, s5;
	[dreg:$0x0] =	wrdreg $0x0  }
0xa8: {  	s5 =	sshll.u32 s28, $0x1;
	[dreg:$0x2] =	wrdreg s3  }
0xa9: {  	[dreg:$0x3] =	wrdreg s5  }
0xaa: {  	[dreg:$0x4] =	wrdreg $0xC0  }
0xab: {  	_ =	task [dreg:s7], $0x5FFFF  }
0xac: {  	[dreg:$0x1] =	wrdreg $0xFFFFFFFF  }
0xad: {  	[dreg:$0x0] =	wrdreg $0x60  }
0xae: {  	[dreg:$0x2] =	wrdreg s2  }
0xaf: {  	[dreg:$0x3] =	wrdreg s24  }
0xb0: {  	[dreg:$0x4] =	wrdreg $0x9  }
0xb1: {  	_ =	task.clear_ibuf [dreg:s7], $0x5FFFF;
	_ =	strace $0x90000046  }
0xb2: {  	s29 =	simm.s32 $0x9;
	_ =	strace $0x80000048  }
0xb3: {  	_ =	swait.ge [sflag:s29], $0x1  }
0xb4: {  	[sflag:s29] =	ssyncadd.s32 $0xFFFFFFFF  }
0xb5: {  	_ =	strace $0x90000048  }
0xb6: {  	_ =	sfence  }
0xb7: {  	s30 =	sld [smem:$0x0];
	_ =	sdelay $0x2  }
0xb8: {  	s31 =	sshll.u32 s1, $0xD;
	s1 =	sshrl.u32 s1, $0x2  }
0xb9: {  	s3 =	sand.u32 $0x4000, s31;
	s1 =	sadd.s32 s1, s30  }
0xba: {  	s0 =	sor.u32 s3, s0;
	s1 =	sshll.u32 s1, $0x11  }
0xbb: {  	s0 =	sor.u32 s1, s0  }
0xbc: {  	s0 =	sadd.s32 $0x8F2B, s0  }
0xbd: {  	[sflag:s0] =	ssyncadd.remote.s32 $0x1  }
0xbe: {  	_ =	sfence.sel $0xFFFF  }
0xbf: {  	[dreg:$0x0] =	wrdreg $0xFFFFFFFF;
	(pc) =	sbr.abs _section_cstart, $3  }
0xc0: {  	[dreg:$0x1] =	wrdreg $0xFFFFFFFF  }
0xc1: {  	_ =	task.clear_ibuf [dreg:s7], $0x2FFFF;
	_ =	strace $0x9FFFFFFF  }
0xc2: {  	(tm) =	ssettm $0x7FFFFFFF  }
0xc3: {  	_ =	shalt  }
tec
execute0_lowered:
.L_overlay_start_1:
0x0: {  	(tag) =	ssettag $0x1  }
0x1: {  	s0 =	srdreg.scid  }
0x2: {  	s4 =	rddreg [dreg:$0x0];
	s3 =	sand.u32 $0x1, s0  }
0x3: {  	s5 =	rddreg [dreg:$0x1];
	s1 =	stileid.u32;
	s6 =	sshll.u32 s3, $0x4  }
0x4: {  	s2 =	simm.s32 $0x0;
	s0 =	rddreg [dreg:$0x2];
	s6 =	sor.u32 s1, s6  }
0x5: {  	[smem:$0x7FF] =	sst s2;
	s8 =	ssub.s32 $0x2, s3;
	s7 =	smul.u32 $0x4F0, s6  }
0x6: {  	_ =	strace $0x80000047;
	s9 =	sshrl.u32 s8, $0x1;
	s6 =	smul.u32 $0xA00, s6  }
0x7: {  	s3 =	sadd.s32 $0x1200, s5;
	s31 =	ssub.s32 s8, s9;
	s8 =	simm.s32 $0x5000  }
0x8: {  	s9 =	simm.s32 $0x0;
	s5 =	sadd.s32 s7, s5;
	s4 =	sadd.s32 s4, s6  }
0x9: {  	s6 =	smax.u32 s31, $0x1;
	s7 =	simm.s32 $0x1;
	s5 =	sadd.s32 $0x1800, s5  }
.LBB2_1:
0xa: {  	[tilespmem:s2], [sflag:$0x1] =	stream.linear.gather [hbm4b:s4+s2], $0x5000, $0x38;
	[tilespmem:$0x7780] =	vst v63  }
0xb: {  	_ =	swait.ge [sflag:s7], $0x5000  }
0xc: {  	[sflag:s7] =	ssyncset.done $0x0  }
0xd: {  	[sflag:s7] =	ssyncadd.s32 $0xFFFFB000  }
0xe: {  	[tilespmem:s8], [sflag:$0x1] =	stream.linear.gather [hbm4b:s3+s2], $0x2780, $0x38;
	[tilespmem:$0x7780] =	vst v63  }
0xf: {  	_ =	swait.ge [sflag:s7], $0x2780  }
0x10: {  	[sflag:s7] =	ssyncset.done $0x0  }
0x11: {  	s10 =	simm.s32 $0x0;
	[sflag:s7] =	ssyncadd.s32 $0xFFFFD880  }
.LBB2_2:
0x12: {  	s11 =	sshra.s32 s10, $0x2  }
0x13: {  	v0 =	vld [tilespmem:s11+$0x0];
	_ =	sdelay $0x4  }
0x14: {  	(xrf1) =	vunique.msk.u32 $0xffff, v0;
	_ =	sdelay $0xd  }
0x15: {  	_, v1, vm0 =	vpop (xrf1);
	_ =	sdelay $0x5  }
0x16: {  	[tilespmem:v0+s8+$0x0] =	vst.idx.add.s32.msk vm0, v1  }
0x17: {  	v0 =	vld [tilespmem:s11+$0x10];
	_ =	sdelay $0x4  }
0x18: {  	(xrf1) =	vunique.msk.u32 $0xffff, v0;
	_ =	sdelay $0xd  }
0x19: {  	_, v1, vm0 =	vpop (xrf1);
	_ =	sdelay $0x5  }
0x1a: {  	[tilespmem:v0+s8+$0x0] =	vst.idx.add.s32.msk vm0, v1  }
0x1b: {  	v0 =	vld [tilespmem:s11+$0x20];
	_ =	sdelay $0x4  }
0x1c: {  	(xrf1) =	vunique.msk.u32 $0xffff, v0;
	_ =	sdelay $0xd  }
0x1d: {  	_, v1, vm0 =	vpop (xrf1);
	_ =	sdelay $0x5  }
0x1e: {  	[tilespmem:v0+s8+$0x0] =	vst.idx.add.s32.msk vm0, v1  }
0x1f: {  	v0 =	vld [tilespmem:s11+$0x30];
	_ =	sdelay $0x4  }
0x20: {  	(xrf1) =	vunique.msk.u32 $0xffff, v0;
	_ =	sdelay $0xd  }
0x21: {  	_, v1, vm0 =	vpop (xrf1);
	_ =	sdelay $0x5  }
0x22: {  	[tilespmem:v0+s8+$0x0] =	vst.idx.add.s32.msk vm0, v1  }
0x23: {  	v0 =	vld [tilespmem:s11+$0x80];
	_ =	sdelay $0x4  }
0x24: {  	(xrf1) =	vunique.msk.u32 $0xffff, v0;
	_ =	sdelay $0xd  }
0x25: {  	_, v1, vm0 =	vpop (xrf1);
	_ =	sdelay $0x5  }
0x26: {  	[tilespmem:v0+s8+$0x0] =	vst.idx.add.s32.msk vm0, v1  }
0x27: {  	v0 =	vld [tilespmem:s11+$0x90];
	_ =	sdelay $0x4  }
0x28: {  	(xrf1) =	vunique.msk.u32 $0xffff, v0;
	_ =	sdelay $0xd  }
0x29: {  	_, v1, vm0 =	vpop (xrf1);
	_ =	sdelay $0x5  }
0x2a: {  	[tilespmem:v0+s8+$0x0] =	vst.idx.add.s32.msk vm0, v1  }
0x2b: {  	v0 =	vld [tilespmem:s11+$0xA0];
	_ =	sdelay $0x4  }
0x2c: {  	(xrf1) =	vunique.msk.u32 $0xffff, v0;
	_ =	sdelay $0xd  }
0x2d: {  	_, v1, vm0 =	vpop (xrf1);
	_ =	sdelay $0x5  }
0x2e: {  	[tilespmem:v0+s8+$0x0] =	vst.idx.add.s32.msk vm0, v1  }
0x2f: {  	v0 =	vld [tilespmem:s11+$0xB0];
	_ =	sdelay $0x4  }
0x30: {  	(xrf1) =	vunique.msk.u32 $0xffff, v0;
	_ =	sdelay $0xd  }
0x31: {  	_, v1, vm0 =	vpop (xrf1)  }
0x32: {  	p0 =	sne.s32 s10, $0x13C00  }
.Ltmp0:
0x33: {  	_ = 	snop;
	(pc) =	sbr.rel @p0 .LBB2_2-.Ltmp0, $2  }
0x34: {  	_ =	sdelay $0x2  }
0x35: {  	s10 =	sadd.s32 $0x400, s10;
	[tilespmem:v0+s8+$0x0] =	vst.idx.add.s32.msk vm0, v1  }
0x36: {  	s9 =	sadd.s32 $0x1, s9  }
0x37: {  	p0 =	sne.s32 s9, s6  }
.Ltmp1:
0x38: {  	_ = 	snop;
	(pc) =	sbr.rel @p0 .LBB2_1-.Ltmp1, $4  }
0x39: {  	[hbm4b:s5+s2] =	stream.linear.scatter [tilespmem:s8], [sflag:$0x1], $0x2780, $0x38;
	[tilespmem:$0x7780] =	vst v63  }
0x3a: {  	_ =	swait.ge [sflag:s7], $0x2780  }
0x3b: {  	[sflag:s7] =	ssyncset.done $0x0  }
0x3c: {  	[sflag:s7] =	ssyncadd.s32 $0xFFFFD880  }
0x3d: {  	_ =	sfence.sel $0x180000  }
0x3e: {  	[bflag:$0x0] =	sbarrier.arrive $0xFFFF  }
0x3f: {  	p0 =	sne.s32 s1, $0x0;
	_ =	strace $0x90000047  }
0x40: {  	s0 =	sadd.s32 @!p0 $0x100000, s0;
	[bflag:$0x2] =	sbarrier.arrive $0xFFFF  }
0x41: {  	[sflag:s0] =	ssyncadd.tile.s32 @!p0 $0x1;
	_ =	shalt  }
.Lfunc_end2:
_tile_overlayer_lowered:
.L_overlay_start_2:
0x42: {  	(tag) =	ssettag $0x2  }
0x43: {  	s0 =	rddreg [dreg:$0x0];
	s2 =	stileid.u32  }
0x44: {  	s1 =	rddreg [dreg:$0x1];
	p0 =	sne.s32 s2, $0x0  }
0x45: {  	s3 =	rddreg [dreg:$0x2];
	[bflag:$0x3] =	sbarrier.arrive $0xFFFF;
	s2 =	simm.s32 @!p0 $0x1C01  }
0x46: {  	[timem:s3], [sflag:s2] =	dma.local @!p0 [hbm:s0], s1  }
0x47: {  	s0 =	simm.s32 @!p0 $0x1  }
0x48: {  	_ =	swait.ge @!p0 [sflag:s0], s1  }
0x49: {  	s1 =	ssub.s32 @!p0 $0x0, s1;
	[sflag:s0] =	ssyncset.done @!p0 $0x0  }
0x4a: {  	[sflag:s0] =	ssyncadd.s32 @!p0 s1  }
0x4b: {  	[bflag:$0x3] =	sbarrier.arrive $0xFFFF  }
0x4c: {  	_ =	shalt  }

</sc_bundles>
